<compile_context>
chip_gen: v7x
topology: tpu7x:2x2x1
jax: 0.10.2.dev20260603
libtpu: 0.0.44.dev20260713+nightly
codegen_flags: <defaults>
</compile_context>

<pallas_src>
import jax
import jax.numpy as jnp
from jax import lax
from jax.experimental import pallas as pl
from jax.experimental.pallas import tpu as pltpu
from jax.experimental.pallas import tpu_sc as plsc

N_SPARSE = 26
N_DENSE = 13
VOCAB = 1000000
BATCH = 16384

NC = 2
NS = 16
NW = NC * NS
BPW = BATCH // NW
CHUNKS = BPW // 16
ROWW = 16
NBUF = 6


def _sc_body(idx_hbm, xd_hbm, w_hbm, *rest):
    tables_refs = rest[:N_SPARSE]
    out_hbm = rest[N_SPARSE]
    scratch = rest[N_SPARSE + 1:]
    col_bufs = scratch[:N_SPARSE]
    row_bufs = scratch[N_SPARSE:2 * N_SPARSE]
    gbufs = scratch[2 * N_SPARSE:2 * N_SPARSE + NBUF]
    sems = scratch[2 * N_SPARSE + NBUF:2 * N_SPARSE + 2 * NBUF]
    idx_v, xd_v, w_v, out_v, sem = scratch[2 * N_SPARSE + 2 * NBUF:]

    wid = lax.axis_index("s") * NC + lax.axis_index("c")

    stage = [
        pltpu.async_copy(idx_hbm.at[wid], idx_v, sem),
        pltpu.async_copy(xd_hbm.at[wid], xd_v, sem),
        pltpu.async_copy(w_hbm, w_v, sem),
    ]
    for h in stage:
        h.wait()

    lanes = lax.iota(jnp.int32, 16)

    def extract_body(c, _):
        o = c * 16
        rows = o + lanes
        for f in range(N_SPARSE):
            v = plsc.load_gather(idx_v, [rows, jnp.full((16,), f, jnp.int32)])
            row_bufs[f][pl.ds(o, 16)] = lax.shift_right_logical(v, 4)
            col_bufs[f][pl.ds(o, 16)] = v & 15
        return _

    lax.fori_loop(0, CHUNKS, extract_body, None)

    def fire(f):
        return pltpu.async_copy(
            tables_refs[f].at[row_bufs[f]], gbufs[f % NBUF], sems[f % NBUF])

    handles = [fire(f) for f in range(NBUF)]

    wb = [w_v[j, :] for j in range(N_DENSE)]

    def dense_body(c, _):
        o = c * 16
        rows = o + lanes
        acc = plsc.load_gather(
            xd_v, [rows, jnp.full((16,), 0, jnp.int32)]) * wb[0]
        for j in range(1, N_DENSE):
            acc = acc + plsc.load_gather(
                xd_v, [rows, jnp.full((16,), j, jnp.int32)]) * wb[j]
        out_v[pl.ds(o, 16)] = acc
        return _

    lax.fori_loop(0, CHUNKS, dense_body, None)

    for f in range(N_SPARSE):
        handles[f % NBUF].wait()
        gbuf = gbufs[f % NBUF]

        def acc_body(c, _, f=f, gbuf=gbuf):
            o = c * 16
            col = col_bufs[f][pl.ds(o, 16)]
            v = plsc.load_gather(gbuf, [o + lanes, col])
            out_v[pl.ds(o, 16)] = out_v[pl.ds(o, 16)] + v
            return _

        lax.fori_loop(0, CHUNKS, acc_body, None)
        if f + NBUF < N_SPARSE:
            handles[f % NBUF] = fire(f + NBUF)

    pltpu.sync_copy(out_v, out_hbm.at[wid])


@jax.jit
def kernel(X, tables, dense_weight):
    idx_blk = X[:, :N_SPARSE].astype(jnp.int32).reshape(NW, BPW, N_SPARSE)
    xd_blk = X[:, N_SPARSE:].reshape(NW, BPW, N_DENSE)
    w_rep = jnp.broadcast_to(dense_weight.reshape(N_DENSE, 1), (N_DENSE, 16))
    tables_list = [tables[f].reshape(VOCAB // ROWW, ROWW) for f in range(N_SPARSE)]

    mesh = plsc.VectorSubcoreMesh(core_axis_name="c", subcore_axis_name="s")
    scratch = (
        [pltpu.VMEM((BPW,), jnp.int32) for _ in range(N_SPARSE)]
        + [pltpu.VMEM((BPW,), jnp.int32) for _ in range(N_SPARSE)]
        + [pltpu.VMEM((BPW, ROWW), jnp.float32) for _ in range(NBUF)]
        + [pltpu.SemaphoreType.DMA for _ in range(NBUF)]
        + [
            pltpu.VMEM((BPW, N_SPARSE), jnp.int32),
            pltpu.VMEM((BPW, N_DENSE), jnp.float32),
            pltpu.VMEM((N_DENSE, 16), jnp.float32),
            pltpu.VMEM((BPW,), jnp.float32),
            pltpu.SemaphoreType.DMA,
        ]
    )
    out = pl.kernel(
        _sc_body,
        out_type=jax.ShapeDtypeStruct((NW, BPW), jnp.float32),
        mesh=mesh,
        scratch_types=scratch,
        compiler_params=pltpu.CompilerParams(
            needs_layout_passes=False, use_tc_tiling_on_sc=False),
    )(idx_blk, xd_blk, w_rep, *tables_list)
    return out.reshape(BATCH, 1)

# --- scband reference (transcript-rebuilt; emitter-appended) ---
"""Pipeline reference for scband-linear-20212116095109 (READ-ONLY COPY).

The authoritative reference and input builder live on the scoring server;
editing this copy changes nothing except your own understanding.
"""

import jax, jax.numpy as jnp
import numpy as np

N_SPARSE = 26
N_DENSE = 13
VOCAB = 1000000
BATCH = 16384
INIT_STD = 0.0001


def setup_inputs(seed: int = 0) -> dict:
    key = jax.random.key(seed)
    k1, k2, k3, k4 = jax.random.split(key, 4)
    # X layout: columns [0:26] hold sparse categorical ids (stored as floats, cast
    # to int inside forward, matching the torch module's X[:, a:b].long()),
    # columns [26:39] hold dense scalar features.
    X_sparse = jax.random.randint(k1, (BATCH, N_SPARSE), 0, VOCAB).astype(jnp.float32)
    X_dense = jax.random.uniform(k2, (BATCH, N_DENSE), dtype=jnp.float32)
    X = jnp.concatenate([X_sparse, X_dense], axis=1)
    # 26 linear-embedding tables, each [VOCAB, 1], stacked into [26, VOCAB, 1]
    tables = jax.random.normal(k3, (N_SPARSE, VOCAB, 1), dtype=jnp.float32) * INIT_STD
    # dense linear weight [sum(dimensions)=13, 1]
    dense_weight = jax.random.normal(k4, (N_DENSE, 1), dtype=jnp.float32) * INIT_STD
    return {'X': X, 'tables': tables, 'dense_weight': dense_weight}


def reference(X, tables, dense_weight):
    # sparse_embeddings: per-field embedding lookup -> [B, 1, 1] each;
    # vectorized: gather per field -> emb [B, 26, 1] (== cat along last dim of
    # the per-field [B, 1, 1] embeddings, transposed view with identical sum).
    idx = X[:, :N_SPARSE].astype(jnp.int32)  # [B, 26]
    emb = tables[jnp.arange(N_SPARSE)[None, :], idx]  # [B, 26, 1]
    # torch: cat -> [B, 1, 26]; sum(dim=-1) -> [B, 1]
    sparse_feat_logit = jnp.sum(emb, axis=1)  # [B, 1]
    # dense: cat dense values -> [B, 13]; matmul weight [13, 1] -> [B, 1]
    dense_value_logit = X[:, N_SPARSE:] @ dense_weight  # [B, 1]
    linear_logit = jnp.zeros((X.shape[0], 1), dtype=jnp.float32)
    linear_logit = linear_logit + sparse_feat_logit
    linear_logit = linear_logit + dense_value_logit
    return linear_logit

if __name__ == "__main__":
    import jax
    _d = setup_inputs()
    print(jax.jit(kernel)(*tuple(_d.values())))

</pallas_src>

<mosaic_0001>
#map = affine_map<(d0, d1) -> (0, 0, 0)>
#map1 = affine_map<(d0, d1) -> (0, 0)>
module attributes {stable_mosaic.version = 14 : i64} {
  func.func @_sc_body(%arg0: i32, %arg1: i32, %arg2: memref<32x512x26xi32, #tpu.memory_space<hbm>>, %arg3: memref<32x512x13xf32, #tpu.memory_space<hbm>>, %arg4: memref<13x16xf32, #tpu.memory_space<hbm>>, %arg5: memref<62500x16xf32, #tpu.memory_space<hbm>>, %arg6: memref<62500x16xf32, #tpu.memory_space<hbm>>, %arg7: memref<62500x16xf32, #tpu.memory_space<hbm>>, %arg8: memref<62500x16xf32, #tpu.memory_space<hbm>>, %arg9: memref<62500x16xf32, #tpu.memory_space<hbm>>, %arg10: memref<62500x16xf32, #tpu.memory_space<hbm>>, %arg11: memref<62500x16xf32, #tpu.memory_space<hbm>>, %arg12: memref<62500x16xf32, #tpu.memory_space<hbm>>, %arg13: memref<62500x16xf32, #tpu.memory_space<hbm>>, %arg14: memref<62500x16xf32, #tpu.memory_space<hbm>>, %arg15: memref<62500x16xf32, #tpu.memory_space<hbm>>, %arg16: memref<62500x16xf32, #tpu.memory_space<hbm>>, %arg17: memref<62500x16xf32, #tpu.memory_space<hbm>>, %arg18: memref<62500x16xf32, #tpu.memory_space<hbm>>, %arg19: memref<62500x16xf32, #tpu.memory_space<hbm>>, %arg20: memref<62500x16xf32, #tpu.memory_space<hbm>>, %arg21: memref<62500x16xf32, #tpu.memory_space<hbm>>, %arg22: memref<62500x16xf32, #tpu.memory_space<hbm>>, %arg23: memref<62500x16xf32, #tpu.memory_space<hbm>>, %arg24: memref<62500x16xf32, #tpu.memory_space<hbm>>, %arg25: memref<62500x16xf32, #tpu.memory_space<hbm>>, %arg26: memref<62500x16xf32, #tpu.memory_space<hbm>>, %arg27: memref<62500x16xf32, #tpu.memory_space<hbm>>, %arg28: memref<62500x16xf32, #tpu.memory_space<hbm>>, %arg29: memref<62500x16xf32, #tpu.memory_space<hbm>>, %arg30: memref<62500x16xf32, #tpu.memory_space<hbm>>, %arg31: memref<32x512xf32, #tpu.memory_space<hbm>>, %arg32: memref<512xi32, #tpu.memory_space<vmem>>, %arg33: memref<512xi32, #tpu.memory_space<vmem>>, %arg34: memref<512xi32, #tpu.memory_space<vmem>>, %arg35: memref<512xi32, #tpu.memory_space<vmem>>, %arg36: memref<512xi32, #tpu.memory_space<vmem>>, %arg37: memref<512xi32, #tpu.memory_space<vmem>>, %arg38: memref<512xi32, #tpu.memory_space<vmem>>, %arg39: memref<512xi32, #tpu.memory_space<vmem>>, %arg40: memref<512xi32, #tpu.memory_space<vmem>>, %arg41: memref<512xi32, #tpu.memory_space<vmem>>, %arg42: memref<512xi32, #tpu.memory_space<vmem>>, %arg43: memref<512xi32, #tpu.memory_space<vmem>>, %arg44: memref<512xi32, #tpu.memory_space<vmem>>, %arg45: memref<512xi32, #tpu.memory_space<vmem>>, %arg46: memref<512xi32, #tpu.memory_space<vmem>>, %arg47: memref<512xi32, #tpu.memory_space<vmem>>, %arg48: memref<512xi32, #tpu.memory_space<vmem>>, %arg49: memref<512xi32, #tpu.memory_space<vmem>>, %arg50: memref<512xi32, #tpu.memory_space<vmem>>, %arg51: memref<512xi32, #tpu.memory_space<vmem>>, %arg52: memref<512xi32, #tpu.memory_space<vmem>>, %arg53: memref<512xi32, #tpu.memory_space<vmem>>, %arg54: memref<512xi32, #tpu.memory_space<vmem>>, %arg55: memref<512xi32, #tpu.memory_space<vmem>>, %arg56: memref<512xi32, #tpu.memory_space<vmem>>, %arg57: memref<512xi32, #tpu.memory_space<vmem>>, %arg58: memref<512xi32, #tpu.memory_space<vmem>>, %arg59: memref<512xi32, #tpu.memory_space<vmem>>, %arg60: memref<512xi32, #tpu.memory_space<vmem>>, %arg61: memref<512xi32, #tpu.memory_space<vmem>>, %arg62: memref<512xi32, #tpu.memory_space<vmem>>, %arg63: memref<512xi32, #tpu.memory_space<vmem>>, %arg64: memref<512xi32, #tpu.memory_space<vmem>>, %arg65: memref<512xi32, #tpu.memory_space<vmem>>, %arg66: memref<512xi32, #tpu.memory_space<vmem>>, %arg67: memref<512xi32, #tpu.memory_space<vmem>>, %arg68: memref<512xi32, #tpu.memory_space<vmem>>, %arg69: memref<512xi32, #tpu.memory_space<vmem>>, %arg70: memref<512xi32, #tpu.memory_space<vmem>>, %arg71: memref<512xi32, #tpu.memory_space<vmem>>, %arg72: memref<512xi32, #tpu.memory_space<vmem>>, %arg73: memref<512xi32, #tpu.memory_space<vmem>>, %arg74: memref<512xi32, #tpu.memory_space<vmem>>, %arg75: memref<512xi32, #tpu.memory_space<vmem>>, %arg76: memref<512xi32, #tpu.memory_space<vmem>>, %arg77: memref<512xi32, #tpu.memory_space<vmem>>, %arg78: memref<512xi32, #tpu.memory_space<vmem>>, %arg79: memref<512xi32, #tpu.memory_space<vmem>>, %arg80: memref<512xi32, #tpu.memory_space<vmem>>, %arg81: memref<512xi32, #tpu.memory_space<vmem>>, %arg82: memref<512xi32, #tpu.memory_space<vmem>>, %arg83: memref<512xi32, #tpu.memory_space<vmem>>, %arg84: memref<512x16xf32, #tpu.memory_space<vmem>>, %arg85: memref<512x16xf32, #tpu.memory_space<vmem>>, %arg86: memref<512x16xf32, #tpu.memory_space<vmem>>, %arg87: memref<512x16xf32, #tpu.memory_space<vmem>>, %arg88: memref<512x16xf32, #tpu.memory_space<vmem>>, %arg89: memref<512x16xf32, #tpu.memory_space<vmem>>, %arg90: memref<!tpu.dma_semaphore, #tpu.memory_space<semaphore_mem>>, %arg91: memref<!tpu.dma_semaphore, #tpu.memory_space<semaphore_mem>>, %arg92: memref<!tpu.dma_semaphore, #tpu.memory_space<semaphore_mem>>, %arg93: memref<!tpu.dma_semaphore, #tpu.memory_space<semaphore_mem>>, %arg94: memref<!tpu.dma_semaphore, #tpu.memory_space<semaphore_mem>>, %arg95: memref<!tpu.dma_semaphore, #tpu.memory_space<semaphore_mem>>, %arg96: memref<512x26xi32, #tpu.memory_space<vmem>>, %arg97: memref<512x13xf32, #tpu.memory_space<vmem>>, %arg98: memref<13x16xf32, #tpu.memory_space<vmem>>, %arg99: memref<512xf32, #tpu.memory_space<vmem>>, %arg100: memref<!tpu.dma_semaphore, #tpu.memory_space<semaphore_mem>>) attributes {dimension_semantics = [#tpu.dimension_semantics<core_parallel>, #tpu.dimension_semantics<subcore_parallel>], iteration_bounds = array<i64: 2, 16>, scalar_prefetch = 0 : i64, scratch_operands = 69 : i64, tpu.core_type = #tpu.core_type<sc_vector_subcore>, window_params = [{transform_indices = #map}, {transform_indices = #map}, {transform_indices = #map1}, {transform_indices = #map1}, {transform_indices = #map1}, {transform_indices = #map1}, {transform_indices = #map1}, {transform_indices = #map1}, {transform_indices = #map1}, {transform_indices = #map1}, {transform_indices = #map1}, {transform_indices = #map1}, {transform_indices = #map1}, {transform_indices = #map1}, {transform_indices = #map1}, {transform_indices = #map1}, {transform_indices = #map1}, {transform_indices = #map1}, {transform_indices = #map1}, {transform_indices = #map1}, {transform_indices = #map1}, {transform_indices = #map1}, {transform_indices = #map1}, {transform_indices = #map1}, {transform_indices = #map1}, {transform_indices = #map1}, {transform_indices = #map1}, {transform_indices = #map1}, {transform_indices = #map1}, {transform_indices = #map1}]} {
    %mul3A = arith.constant 2 : i32
    %mul3A_0 = arith.muli %arg1, %mul3A : i32
    %add3A = arith.addi %mul3A_0, %arg0 : i32
    %dma_start3A = arith.constant 0 : i32
    %dma_start3A_1 = arith.constant 0 : i32
    %dma_start3A_2 = tpu.memref_slice %arg2[%add3A, %dma_start3A, %dma_start3A_1] : memref<32x512x26xi32, #tpu.memory_space<hbm>> -> memref<1x512x26xi32, #tpu.memory_space<hbm>>
    %dma_start3A_3 = tpu.memref_squeeze %dma_start3A_2 : memref<1x512x26xi32, #tpu.memory_space<hbm>> -> memref<512x26xi32, #tpu.memory_space<hbm>>
    %dma_start3A_4 = arith.constant 0 : i32
    %dma_start3A_5 = arith.constant 0 : i32
    %dma_start3A_6 = tpu.memref_slice %arg2[%add3A, %dma_start3A_4, %dma_start3A_5] : memref<32x512x26xi32, #tpu.memory_space<hbm>> -> memref<1x512x26xi32, #tpu.memory_space<hbm>>
    %dma_start3A_7 = tpu.memref_squeeze %dma_start3A_6 : memref<1x512x26xi32, #tpu.memory_space<hbm>> -> memref<512x26xi32, #tpu.memory_space<hbm>>
    tpu.enqueue_dma source(%dma_start3A_7 : memref<512x26xi32, #tpu.memory_space<hbm>>) target(%arg96 : memref<512x26xi32, #tpu.memory_space<vmem>>) target_semaphore(%arg100 : memref<!tpu.dma_semaphore, #tpu.memory_space<semaphore_mem>>)
    %dma_start3A_8 = arith.constant 0 : i32
    %dma_start3A_9 = arith.constant 0 : i32
    %dma_start3A_10 = tpu.memref_slice %arg3[%add3A, %dma_start3A_8, %dma_start3A_9] : memref<32x512x13xf32, #tpu.memory_space<hbm>> -> memref<1x512x13xf32, #tpu.memory_space<hbm>>
    %dma_start3A_11 = tpu.memref_squeeze %dma_start3A_10 : memref<1x512x13xf32, #tpu.memory_space<hbm>> -> memref<512x13xf32, #tpu.memory_space<hbm>>
    %dma_start3A_12 = arith.constant 0 : i32
    %dma_start3A_13 = arith.constant 0 : i32
    %dma_start3A_14 = tpu.memref_slice %arg3[%add3A, %dma_start3A_12, %dma_start3A_13] : memref<32x512x13xf32, #tpu.memory_space<hbm>> -> memref<1x512x13xf32, #tpu.memory_space<hbm>>
    %dma_start3A_15 = tpu.memref_squeeze %dma_start3A_14 : memref<1x512x13xf32, #tpu.memory_space<hbm>> -> memref<512x13xf32, #tpu.memory_space<hbm>>
    tpu.enqueue_dma source(%dma_start3A_15 : memref<512x13xf32, #tpu.memory_space<hbm>>) target(%arg97 : memref<512x13xf32, #tpu.memory_space<vmem>>) target_semaphore(%arg100 : memref<!tpu.dma_semaphore, #tpu.memory_space<semaphore_mem>>)
    tpu.enqueue_dma source(%arg4 : memref<13x16xf32, #tpu.memory_space<hbm>>) target(%arg98 : memref<13x16xf32, #tpu.memory_space<vmem>>) target_semaphore(%arg100 : memref<!tpu.dma_semaphore, #tpu.memory_space<semaphore_mem>>)
    %dma_wait3A = arith.constant 0 : i32
    %dma_wait3A_16 = arith.constant 0 : i32
    %dma_wait3A_17 = tpu.memref_slice %arg2[%add3A, %dma_wait3A, %dma_wait3A_16] : memref<32x512x26xi32, #tpu.memory_space<hbm>> -> memref<1x512x26xi32, #tpu.memory_space<hbm>>
    %dma_wait3A_18 = tpu.memref_squeeze %dma_wait3A_17 : memref<1x512x26xi32, #tpu.memory_space<hbm>> -> memref<512x26xi32, #tpu.memory_space<hbm>>
    %dma_wait3A_19 = arith.constant 0 : i32
    %dma_wait3A_20 = arith.constant 0 : i32
    %dma_wait3A_21 = tpu.memref_slice %arg2[%add3A, %dma_wait3A_19, %dma_wait3A_20] : memref<32x512x26xi32, #tpu.memory_space<hbm>> -> memref<1x512x26xi32, #tpu.memory_space<hbm>>
    %dma_wait3A_22 = tpu.memref_squeeze %dma_wait3A_21 : memref<1x512x26xi32, #tpu.memory_space<hbm>> -> memref<512x26xi32, #tpu.memory_space<hbm>>
    tpu.wait_dma2 semaphore(%arg100 : memref<!tpu.dma_semaphore, #tpu.memory_space<semaphore_mem>>) src(%dma_wait3A_22 : memref<512x26xi32, #tpu.memory_space<hbm>>) dst(%arg96 : memref<512x26xi32, #tpu.memory_space<vmem>>)
    %dma_wait3A_23 = arith.constant 0 : i32
    %dma_wait3A_24 = arith.constant 0 : i32
    %dma_wait3A_25 = tpu.memref_slice %arg3[%add3A, %dma_wait3A_23, %dma_wait3A_24] : memref<32x512x13xf32, #tpu.memory_space<hbm>> -> memref<1x512x13xf32, #tpu.memory_space<hbm>>
    %dma_wait3A_26 = tpu.memref_squeeze %dma_wait3A_25 : memref<1x512x13xf32, #tpu.memory_space<hbm>> -> memref<512x13xf32, #tpu.memory_space<hbm>>
    %dma_wait3A_27 = arith.constant 0 : i32
    %dma_wait3A_28 = arith.constant 0 : i32
    %dma_wait3A_29 = tpu.memref_slice %arg3[%add3A, %dma_wait3A_27, %dma_wait3A_28] : memref<32x512x13xf32, #tpu.memory_space<hbm>> -> memref<1x512x13xf32, #tpu.memory_space<hbm>>
    %dma_wait3A_30 = tpu.memref_squeeze %dma_wait3A_29 : memref<1x512x13xf32, #tpu.memory_space<hbm>> -> memref<512x13xf32, #tpu.memory_space<hbm>>
    tpu.wait_dma2 semaphore(%arg100 : memref<!tpu.dma_semaphore, #tpu.memory_space<semaphore_mem>>) src(%dma_wait3A_30 : memref<512x13xf32, #tpu.memory_space<hbm>>) dst(%arg97 : memref<512x13xf32, #tpu.memory_space<vmem>>)
    tpu.wait_dma2 semaphore(%arg100 : memref<!tpu.dma_semaphore, #tpu.memory_space<semaphore_mem>>) src(%arg4 : memref<13x16xf32, #tpu.memory_space<hbm>>) dst(%arg98 : memref<13x16xf32, #tpu.memory_space<vmem>>)
    %iota3A = tpu.iota {dimensions = array<i32: 0>} : vector<16xi32>
    %scan3A = arith.constant 0 : i32
    %scan3A_31 = arith.constant 32 : i32
    %scan3A_32 = arith.addi %scan3A, %scan3A_31 : i32
    %scan3A_33 = arith.constant 1 : i32
    scf.for %scan3A_377 = %scan3A to %scan3A_32 step %scan3A_33  : i32 {
      %mul3A_378 = arith.constant 16 : i32
      %mul3A_379 = arith.muli %scan3A_377, %mul3A_378 : i32
      %add3A_380 = vector.broadcast %mul3A_379 : i32 to vector<16xi32>
      %add3A_381 = arith.addi %add3A_380, %iota3A : vector<16xi32>
      %broadcast_in_dim3A = arith.constant 0 : i32
      %broadcast_in_dim3A_382 = vector.broadcast %broadcast_in_dim3A : i32 to vector<16xi32>
      %gather3A = tpu.vector_load_idx %arg96[%add3A_381, %broadcast_in_dim3A_382] : memref<512x26xi32, #tpu.memory_space<vmem>>[vector<16xi32>, vector<16xi32>], vector<16xi32>,
      %shift_right_logical3A = arith.constant 4 : i32
      %shift_right_logical3A_383 = vector.broadcast %shift_right_logical3A : i32 to vector<16xi32>
      %shift_right_logical3A_384 = arith.shrui %gather3A, %shift_right_logical3A_383 : vector<16xi32>
      %swap3A = arith.index_cast %mul3A_379 : i32 to index
      %swap3A_385 = tpu.vector_load %arg58[%swap3A] {strides = array<i32>} : memref<512xi32, #tpu.memory_space<vmem>>, vector<16xi32>,
      tpu.vector_store %arg58[%swap3A], %shift_right_logical3A_384 {strides = array<i32>} : memref<512xi32, #tpu.memory_space<vmem>>, vector<16xi32>,
      %and3A = arith.constant 15 : i32
      %and3A_386 = vector.broadcast %and3A : i32 to vector<16xi32>
      %and3A_387 = arith.andi %gather3A, %and3A_386 : vector<16xi32>
      %swap3A_388 = arith.index_cast %mul3A_379 : i32 to index
      %swap3A_389 = tpu.vector_load %arg32[%swap3A_388] {strides = array<i32>} : memref<512xi32, #tpu.memory_space<vmem>>, vector<16xi32>,
      tpu.vector_store %arg32[%swap3A_388], %and3A_387 {strides = array<i32>} : memref<512xi32, #tpu.memory_space<vmem>>, vector<16xi32>,
      %broadcast_in_dim3A_390 = arith.constant 1 : i32
      %broadcast_in_dim3A_391 = vector.broadcast %broadcast_in_dim3A_390 : i32 to vector<16xi32>
      %gather3A_392 = tpu.vector_load_idx %arg96[%add3A_381, %broadcast_in_dim3A_391] : memref<512x26xi32, #tpu.memory_space<vmem>>[vector<16xi32>, vector<16xi32>], vector<16xi32>,
      %shift_right_logical3A_393 = arith.constant 4 : i32
      %shift_right_logical3A_394 = vector.broadcast %shift_right_logical3A_393 : i32 to vector<16xi32>
      %shift_right_logical3A_395 = arith.shrui %gather3A_392, %shift_right_logical3A_394 : vector<16xi32>
      %swap3A_396 = arith.index_cast %mul3A_379 : i32 to index
      %swap3A_397 = tpu.vector_load %arg59[%swap3A_396] {strides = array<i32>} : memref<512xi32, #tpu.memory_space<vmem>>, vector<16xi32>,
      tpu.vector_store %arg59[%swap3A_396], %shift_right_logical3A_395 {strides = array<i32>} : memref<512xi32, #tpu.memory_space<vmem>>, vector<16xi32>,
      %and3A_398 = arith.constant 15 : i32
      %and3A_399 = vector.broadcast %and3A_398 : i32 to vector<16xi32>
      %and3A_400 = arith.andi %gather3A_392, %and3A_399 : vector<16xi32>
      %swap3A_401 = arith.index_cast %mul3A_379 : i32 to index
      %swap3A_402 = tpu.vector_load %arg33[%swap3A_401] {strides = array<i32>} : memref<512xi32, #tpu.memory_space<vmem>>, vector<16xi32>,
      tpu.vector_store %arg33[%swap3A_401], %and3A_400 {strides = array<i32>} : memref<512xi32, #tpu.memory_space<vmem>>, vector<16xi32>,
      %broadcast_in_dim3A_403 = arith.constant 2 : i32
      %broadcast_in_dim3A_404 = vector.broadcast %broadcast_in_dim3A_403 : i32 to vector<16xi32>
      %gather3A_405 = tpu.vector_load_idx %arg96[%add3A_381, %broadcast_in_dim3A_404] : memref<512x26xi32, #tpu.memory_space<vmem>>[vector<16xi32>, vector<16xi32>], vector<16xi32>,
      %shift_right_logical3A_406 = arith.constant 4 : i32
      %shift_right_logical3A_407 = vector.broadcast %shift_right_logical3A_406 : i32 to vector<16xi32>
      %shift_right_logical3A_408 = arith.shrui %gather3A_405, %shift_right_logical3A_407 : vector<16xi32>
      %swap3A_409 = arith.index_cast %mul3A_379 : i32 to index
      %swap3A_410 = tpu.vector_load %arg60[%swap3A_409] {strides = array<i32>} : memref<512xi32, #tpu.memory_space<vmem>>, vector<16xi32>,
      tpu.vector_store %arg60[%swap3A_409], %shift_right_logical3A_408 {strides = array<i32>} : memref<512xi32, #tpu.memory_space<vmem>>, vector<16xi32>,
      %and3A_411 = arith.constant 15 : i32
      %and3A_412 = vector.broadcast %and3A_411 : i32 to vector<16xi32>
      %and3A_413 = arith.andi %gather3A_405, %and3A_412 : vector<16xi32>
      %swap3A_414 = arith.index_cast %mul3A_379 : i32 to index
      %swap3A_415 = tpu.vector_load %arg34[%swap3A_414] {strides = array<i32>} : memref<512xi32, #tpu.memory_space<vmem>>, vector<16xi32>,
      tpu.vector_store %arg34[%swap3A_414], %and3A_413 {strides = array<i32>} : memref<512xi32, #tpu.memory_space<vmem>>, vector<16xi32>,
      %broadcast_in_dim3A_416 = arith.constant 3 : i32
      %broadcast_in_dim3A_417 = vector.broadcast %broadcast_in_dim3A_416 : i32 to vector<16xi32>
      %gather3A_418 = tpu.vector_load_idx %arg96[%add3A_381, %broadcast_in_dim3A_417] : memref<512x26xi32, #tpu.memory_space<vmem>>[vector<16xi32>, vector<16xi32>], vector<16xi32>,
      %shift_right_logical3A_419 = arith.constant 4 : i32
      %shift_right_logical3A_420 = vector.broadcast %shift_right_logical3A_419 : i32 to vector<16xi32>
      %shift_right_logical3A_421 = arith.shrui %gather3A_418, %shift_right_logical3A_420 : vector<16xi32>
      %swap3A_422 = arith.index_cast %mul3A_379 : i32 to index
      %swap3A_423 = tpu.vector_load %arg61[%swap3A_422] {strides = array<i32>} : memref<512xi32, #tpu.memory_space<vmem>>, vector<16xi32>,
      tpu.vector_store %arg61[%swap3A_422], %shift_right_logical3A_421 {strides = array<i32>} : memref<512xi32, #tpu.memory_space<vmem>>, vector<16xi32>,
      %and3A_424 = arith.constant 15 : i32
      %and3A_425 = vector.broadcast %and3A_424 : i32 to vector<16xi32>
      %and3A_426 = arith.andi %gather3A_418, %and3A_425 : vector<16xi32>
      %swap3A_427 = arith.index_cast %mul3A_379 : i32 to index
      %swap3A_428 = tpu.vector_load %arg35[%swap3A_427] {strides = array<i32>} : memref<512xi32, #tpu.memory_space<vmem>>, vector<16xi32>,
      tpu.vector_store %arg35[%swap3A_427], %and3A_426 {strides = array<i32>} : memref<512xi32, #tpu.memory_space<vmem>>, vector<16xi32>,
      %broadcast_in_dim3A_429 = arith.constant 4 : i32
      %broadcast_in_dim3A_430 = vector.broadcast %broadcast_in_dim3A_429 : i32 to vector<16xi32>
      %gather3A_431 = tpu.vector_load_idx %arg96[%add3A_381, %broadcast_in_dim3A_430] : memref<512x26xi32, #tpu.memory_space<vmem>>[vector<16xi32>, vector<16xi32>], vector<16xi32>,
      %shift_right_logical3A_432 = arith.constant 4 : i32
      %shift_right_logical3A_433 = vector.broadcast %shift_right_logical3A_432 : i32 to vector<16xi32>
      %shift_right_logical3A_434 = arith.shrui %gather3A_431, %shift_right_logical3A_433 : vector<16xi32>
      %swap3A_435 = arith.index_cast %mul3A_379 : i32 to index
      %swap3A_436 = tpu.vector_load %arg62[%swap3A_435] {strides = array<i32>} : memref<512xi32, #tpu.memory_space<vmem>>, vector<16xi32>,
      tpu.vector_store %arg62[%swap3A_435], %shift_right_logical3A_434 {strides = array<i32>} : memref<512xi32, #tpu.memory_space<vmem>>, vector<16xi32>,
      %and3A_437 = arith.constant 15 : i32
      %and3A_438 = vector.broadcast %and3A_437 : i32 to vector<16xi32>
      %and3A_439 = arith.andi %gather3A_431, %and3A_438 : vector<16xi32>
      %swap3A_440 = arith.index_cast %mul3A_379 : i32 to index
      %swap3A_441 = tpu.vector_load %arg36[%swap3A_440] {strides = array<i32>} : memref<512xi32, #tpu.memory_space<vmem>>, vector<16xi32>,
      tpu.vector_store %arg36[%swap3A_440], %and3A_439 {strides = array<i32>} : memref<512xi32, #tpu.memory_space<vmem>>, vector<16xi32>,
      %broadcast_in_dim3A_442 = arith.constant 5 : i32
      %broadcast_in_dim3A_443 = vector.broadcast %broadcast_in_dim3A_442 : i32 to vector<16xi32>
      %gather3A_444 = tpu.vector_load_idx %arg96[%add3A_381, %broadcast_in_dim3A_443] : memref<512x26xi32, #tpu.memory_space<vmem>>[vector<16xi32>, vector<16xi32>], vector<16xi32>,
      %shift_right_logical3A_445 = arith.constant 4 : i32
      %shift_right_logical3A_446 = vector.broadcast %shift_right_logical3A_445 : i32 to vector<16xi32>
      %shift_right_logical3A_447 = arith.shrui %gather3A_444, %shift_right_logical3A_446 : vector<16xi32>
      %swap3A_448 = arith.index_cast %mul3A_379 : i32 to index
      %swap3A_449 = tpu.vector_load %arg63[%swap3A_448] {strides = array<i32>} : memref<512xi32, #tpu.memory_space<vmem>>, vector<16xi32>,
      tpu.vector_store %arg63[%swap3A_448], %shift_right_logical3A_447 {strides = array<i32>} : memref<512xi32, #tpu.memory_space<vmem>>, vector<16xi32>,
      %and3A_450 = arith.constant 15 : i32
      %and3A_451 = vector.broadcast %and3A_450 : i32 to vector<16xi32>
      %and3A_452 = arith.andi %gather3A_444, %and3A_451 : vector<16xi32>
      %swap3A_453 = arith.index_cast %mul3A_379 : i32 to index
      %swap3A_454 = tpu.vector_load %arg37[%swap3A_453] {strides = array<i32>} : memref<512xi32, #tpu.memory_space<vmem>>, vector<16xi32>,
      tpu.vector_store %arg37[%swap3A_453], %and3A_452 {strides = array<i32>} : memref<512xi32, #tpu.memory_space<vmem>>, vector<16xi32>,
      %broadcast_in_dim3A_455 = arith.constant 6 : i32
      %broadcast_in_dim3A_456 = vector.broadcast %broadcast_in_dim3A_455 : i32 to vector<16xi32>
      %gather3A_457 = tpu.vector_load_idx %arg96[%add3A_381, %broadcast_in_dim3A_456] : memref<512x26xi32, #tpu.memory_space<vmem>>[vector<16xi32>, vector<16xi32>], vector<16xi32>,
      %shift_right_logical3A_458 = arith.constant 4 : i32
      %shift_right_logical3A_459 = vector.broadcast %shift_right_logical3A_458 : i32 to vector<16xi32>
      %shift_right_logical3A_460 = arith.shrui %gather3A_457, %shift_right_logical3A_459 : vector<16xi32>
      %swap3A_461 = arith.index_cast %mul3A_379 : i32 to index
      %swap3A_462 = tpu.vector_load %arg64[%swap3A_461] {strides = array<i32>} : memref<512xi32, #tpu.memory_space<vmem>>, vector<16xi32>,
      tpu.vector_store %arg64[%swap3A_461], %shift_right_logical3A_460 {strides = array<i32>} : memref<512xi32, #tpu.memory_space<vmem>>, vector<16xi32>,
      %and3A_463 = arith.constant 15 : i32
      %and3A_464 = vector.broadcast %and3A_463 : i32 to vector<16xi32>
      %and3A_465 = arith.andi %gather3A_457, %and3A_464 : vector<16xi32>
      %swap3A_466 = arith.index_cast %mul3A_379 : i32 to index
      %swap3A_467 = tpu.vector_load %arg38[%swap3A_466] {strides = array<i32>} : memref<512xi32, #tpu.memory_space<vmem>>, vector<16xi32>,
      tpu.vector_store %arg38[%swap3A_466], %and3A_465 {strides = array<i32>} : memref<512xi32, #tpu.memory_space<vmem>>, vector<16xi32>,
      %broadcast_in_dim3A_468 = arith.constant 7 : i32
      %broadcast_in_dim3A_469 = vector.broadcast %broadcast_in_dim3A_468 : i32 to vector<16xi32>
      %gather3A_470 = tpu.vector_load_idx %arg96[%add3A_381, %broadcast_in_dim3A_469] : memref<512x26xi32, #tpu.memory_space<vmem>>[vector<16xi32>, vector<16xi32>], vector<16xi32>,
      %shift_right_logical3A_471 = arith.constant 4 : i32
      %shift_right_logical3A_472 = vector.broadcast %shift_right_logical3A_471 : i32 to vector<16xi32>
      %shift_right_logical3A_473 = arith.shrui %gather3A_470, %shift_right_logical3A_472 : vector<16xi32>
      %swap3A_474 = arith.index_cast %mul3A_379 : i32 to index
      %swap3A_475 = tpu.vector_load %arg65[%swap3A_474] {strides = array<i32>} : memref<512xi32, #tpu.memory_space<vmem>>, vector<16xi32>,
      tpu.vector_store %arg65[%swap3A_474], %shift_right_logical3A_473 {strides = array<i32>} : memref<512xi32, #tpu.memory_space<vmem>>, vector<16xi32>,
      %and3A_476 = arith.constant 15 : i32
      %and3A_477 = vector.broadcast %and3A_476 : i32 to vector<16xi32>
      %and3A_478 = arith.andi %gather3A_470, %and3A_477 : vector<16xi32>
      %swap3A_479 = arith.index_cast %mul3A_379 : i32 to index
      %swap3A_480 = tpu.vector_load %arg39[%swap3A_479] {strides = array<i32>} : memref<512xi32, #tpu.memory_space<vmem>>, vector<16xi32>,
      tpu.vector_store %arg39[%swap3A_479], %and3A_478 {strides = array<i32>} : memref<512xi32, #tpu.memory_space<vmem>>, vector<16xi32>,
      %broadcast_in_dim3A_481 = arith.constant 8 : i32
      %broadcast_in_dim3A_482 = vector.broadcast %broadcast_in_dim3A_481 : i32 to vector<16xi32>
      %gather3A_483 = tpu.vector_load_idx %arg96[%add3A_381, %broadcast_in_dim3A_482] : memref<512x26xi32, #tpu.memory_space<vmem>>[vector<16xi32>, vector<16xi32>], vector<16xi32>,
      %shift_right_logical3A_484 = arith.constant 4 : i32
      %shift_right_logical3A_485 = vector.broadcast %shift_right_logical3A_484 : i32 to vector<16xi32>
      %shift_right_logical3A_486 = arith.shrui %gather3A_483, %shift_right_logical3A_485 : vector<16xi32>
      %swap3A_487 = arith.index_cast %mul3A_379 : i32 to index
      %swap3A_488 = tpu.vector_load %arg66[%swap3A_487] {strides = array<i32>} : memref<512xi32, #tpu.memory_space<vmem>>, vector<16xi32>,
      tpu.vector_store %arg66[%swap3A_487], %shift_right_logical3A_486 {strides = array<i32>} : memref<512xi32, #tpu.memory_space<vmem>>, vector<16xi32>,
      %and3A_489 = arith.constant 15 : i32
      %and3A_490 = vector.broadcast %and3A_489 : i32 to vector<16xi32>
      %and3A_491 = arith.andi %gather3A_483, %and3A_490 : vector<16xi32>
      %swap3A_492 = arith.index_cast %mul3A_379 : i32 to index
      %swap3A_493 = tpu.vector_load %arg40[%swap3A_492] {strides = array<i32>} : memref<512xi32, #tpu.memory_space<vmem>>, vector<16xi32>,
      tpu.vector_store %arg40[%swap3A_492], %and3A_491 {strides = array<i32>} : memref<512xi32, #tpu.memory_space<vmem>>, vector<16xi32>,
      %broadcast_in_dim3A_494 = arith.constant 9 : i32
      %broadcast_in_dim3A_495 = vector.broadcast %broadcast_in_dim3A_494 : i32 to vector<16xi32>
      %gather3A_496 = tpu.vector_load_idx %arg96[%add3A_381, %broadcast_in_dim3A_495] : memref<512x26xi32, #tpu.memory_space<vmem>>[vector<16xi32>, vector<16xi32>], vector<16xi32>,
      %shift_right_logical3A_497 = arith.constant 4 : i32
      %shift_right_logical3A_498 = vector.broadcast %shift_right_logical3A_497 : i32 to vector<16xi32>
      %shift_right_logical3A_499 = arith.shrui %gather3A_496, %shift_right_logical3A_498 : vector<16xi32>
      %swap3A_500 = arith.index_cast %mul3A_379 : i32 to index
      %swap3A_501 = tpu.vector_load %arg67[%swap3A_500] {strides = array<i32>} : memref<512xi32, #tpu.memory_space<vmem>>, vector<16xi32>,
      tpu.vector_store %arg67[%swap3A_500], %shift_right_logical3A_499 {strides = array<i32>} : memref<512xi32, #tpu.memory_space<vmem>>, vector<16xi32>,
      %and3A_502 = arith.constant 15 : i32
      %and3A_503 = vector.broadcast %and3A_502 : i32 to vector<16xi32>
      %and3A_504 = arith.andi %gather3A_496, %and3A_503 : vector<16xi32>
      %swap3A_505 = arith.index_cast %mul3A_379 : i32 to index
      %swap3A_506 = tpu.vector_load %arg41[%swap3A_505] {strides = array<i32>} : memref<512xi32, #tpu.memory_space<vmem>>, vector<16xi32>,
      tpu.vector_store %arg41[%swap3A_505], %and3A_504 {strides = array<i32>} : memref<512xi32, #tpu.memory_space<vmem>>, vector<16xi32>,
      %broadcast_in_dim3A_507 = arith.constant 10 : i32
      %broadcast_in_dim3A_508 = vector.broadcast %broadcast_in_dim3A_507 : i32 to vector<16xi32>
      %gather3A_509 = tpu.vector_load_idx %arg96[%add3A_381, %broadcast_in_dim3A_508] : memref<512x26xi32, #tpu.memory_space<vmem>>[vector<16xi32>, vector<16xi32>], vector<16xi32>,
      %shift_right_logical3A_510 = arith.constant 4 : i32
      %shift_right_logical3A_511 = vector.broadcast %shift_right_logical3A_510 : i32 to vector<16xi32>
      %shift_right_logical3A_512 = arith.shrui %gather3A_509, %shift_right_logical3A_511 : vector<16xi32>
      %swap3A_513 = arith.index_cast %mul3A_379 : i32 to index
      %swap3A_514 = tpu.vector_load %arg68[%swap3A_513] {strides = array<i32>} : memref<512xi32, #tpu.memory_space<vmem>>, vector<16xi32>,
      tpu.vector_store %arg68[%swap3A_513], %shift_right_logical3A_512 {strides = array<i32>} : memref<512xi32, #tpu.memory_space<vmem>>, vector<16xi32>,
      %and3A_515 = arith.constant 15 : i32
      %and3A_516 = vector.broadcast %and3A_515 : i32 to vector<16xi32>
      %and3A_517 = arith.andi %gather3A_509, %and3A_516 : vector<16xi32>
      %swap3A_518 = arith.index_cast %mul3A_379 : i32 to index
      %swap3A_519 = tpu.vector_load %arg42[%swap3A_518] {strides = array<i32>} : memref<512xi32, #tpu.memory_space<vmem>>, vector<16xi32>,
      tpu.vector_store %arg42[%swap3A_518], %and3A_517 {strides = array<i32>} : memref<512xi32, #tpu.memory_space<vmem>>, vector<16xi32>,
      %broadcast_in_dim3A_520 = arith.constant 11 : i32
      %broadcast_in_dim3A_521 = vector.broadcast %broadcast_in_dim3A_520 : i32 to vector<16xi32>
      %gather3A_522 = tpu.vector_load_idx %arg96[%add3A_381, %broadcast_in_dim3A_521] : memref<512x26xi32, #tpu.memory_space<vmem>>[vector<16xi32>, vector<16xi32>], vector<16xi32>,
      %shift_right_logical3A_523 = arith.constant 4 : i32
      %shift_right_logical3A_524 = vector.broadcast %shift_right_logical3A_523 : i32 to vector<16xi32>
      %shift_right_logical3A_525 = arith.shrui %gather3A_522, %shift_right_logical3A_524 : vector<16xi32>
      %swap3A_526 = arith.index_cast %mul3A_379 : i32 to index
      %swap3A_527 = tpu.vector_load %arg69[%swap3A_526] {strides = array<i32>} : memref<512xi32, #tpu.memory_space<vmem>>, vector<16xi32>,
      tpu.vector_store %arg69[%swap3A_526], %shift_right_logical3A_525 {strides = array<i32>} : memref<512xi32, #tpu.memory_space<vmem>>, vector<16xi32>,
      %and3A_528 = arith.constant 15 : i32
      %and3A_529 = vector.broadcast %and3A_528 : i32 to vector<16xi32>
      %and3A_530 = arith.andi %gather3A_522, %and3A_529 : vector<16xi32>
      %swap3A_531 = arith.index_cast %mul3A_379 : i32 to index
      %swap3A_532 = tpu.vector_load %arg43[%swap3A_531] {strides = array<i32>} : memref<512xi32, #tpu.memory_space<vmem>>, vector<16xi32>,
      tpu.vector_store %arg43[%swap3A_531], %and3A_530 {strides = array<i32>} : memref<512xi32, #tpu.memory_space<vmem>>, vector<16xi32>,
      %broadcast_in_dim3A_533 = arith.constant 12 : i32
      %broadcast_in_dim3A_534 = vector.broadcast %broadcast_in_dim3A_533 : i32 to vector<16xi32>
      %gather3A_535 = tpu.vector_load_idx %arg96[%add3A_381, %broadcast_in_dim3A_534] : memref<512x26xi32, #tpu.memory_space<vmem>>[vector<16xi32>, vector<16xi32>], vector<16xi32>,
      %shift_right_logical3A_536 = arith.constant 4 : i32
      %shift_right_logical3A_537 = vector.broadcast %shift_right_logical3A_536 : i32 to vector<16xi32>
      %shift_right_logical3A_538 = arith.shrui %gather3A_535, %shift_right_logical3A_537 : vector<16xi32>
      %swap3A_539 = arith.index_cast %mul3A_379 : i32 to index
      %swap3A_540 = tpu.vector_load %arg70[%swap3A_539] {strides = array<i32>} : memref<512xi32, #tpu.memory_space<vmem>>, vector<16xi32>,
      tpu.vector_store %arg70[%swap3A_539], %shift_right_logical3A_538 {strides = array<i32>} : memref<512xi32, #tpu.memory_space<vmem>>, vector<16xi32>,
      %and3A_541 = arith.constant 15 : i32
      %and3A_542 = vector.broadcast %and3A_541 : i32 to vector<16xi32>
      %and3A_543 = arith.andi %gather3A_535, %and3A_542 : vector<16xi32>
      %swap3A_544 = arith.index_cast %mul3A_379 : i32 to index
      %swap3A_545 = tpu.vector_load %arg44[%swap3A_544] {strides = array<i32>} : memref<512xi32, #tpu.memory_space<vmem>>, vector<16xi32>,
      tpu.vector_store %arg44[%swap3A_544], %and3A_543 {strides = array<i32>} : memref<512xi32, #tpu.memory_space<vmem>>, vector<16xi32>,
      %broadcast_in_dim3A_546 = arith.constant 13 : i32
      %broadcast_in_dim3A_547 = vector.broadcast %broadcast_in_dim3A_546 : i32 to vector<16xi32>
      %gather3A_548 = tpu.vector_load_idx %arg96[%add3A_381, %broadcast_in_dim3A_547] : memref<512x26xi32, #tpu.memory_space<vmem>>[vector<16xi32>, vector<16xi32>], vector<16xi32>,
      %shift_right_logical3A_549 = arith.constant 4 : i32
      %shift_right_logical3A_550 = vector.broadcast %shift_right_logical3A_549 : i32 to vector<16xi32>
      %shift_right_logical3A_551 = arith.shrui %gather3A_548, %shift_right_logical3A_550 : vector<16xi32>
      %swap3A_552 = arith.index_cast %mul3A_379 : i32 to index
      %swap3A_553 = tpu.vector_load %arg71[%swap3A_552] {strides = array<i32>} : memref<512xi32, #tpu.memory_space<vmem>>, vector<16xi32>,
      tpu.vector_store %arg71[%swap3A_552], %shift_right_logical3A_551 {strides = array<i32>} : memref<512xi32, #tpu.memory_space<vmem>>, vector<16xi32>,
      %and3A_554 = arith.constant 15 : i32
      %and3A_555 = vector.broadcast %and3A_554 : i32 to vector<16xi32>
      %and3A_556 = arith.andi %gather3A_548, %and3A_555 : vector<16xi32>
      %swap3A_557 = arith.index_cast %mul3A_379 : i32 to index
      %swap3A_558 = tpu.vector_load %arg45[%swap3A_557] {strides = array<i32>} : memref<512xi32, #tpu.memory_space<vmem>>, vector<16xi32>,
      tpu.vector_store %arg45[%swap3A_557], %and3A_556 {strides = array<i32>} : memref<512xi32, #tpu.memory_space<vmem>>, vector<16xi32>,
      %broadcast_in_dim3A_559 = arith.constant 14 : i32
      %broadcast_in_dim3A_560 = vector.broadcast %broadcast_in_dim3A_559 : i32 to vector<16xi32>
      %gather3A_561 = tpu.vector_load_idx %arg96[%add3A_381, %broadcast_in_dim3A_560] : memref<512x26xi32, #tpu.memory_space<vmem>>[vector<16xi32>, vector<16xi32>], vector<16xi32>,
      %shift_right_logical3A_562 = arith.constant 4 : i32
      %shift_right_logical3A_563 = vector.broadcast %shift_right_logical3A_562 : i32 to vector<16xi32>
      %shift_right_logical3A_564 = arith.shrui %gather3A_561, %shift_right_logical3A_563 : vector<16xi32>
      %swap3A_565 = arith.index_cast %mul3A_379 : i32 to index
      %swap3A_566 = tpu.vector_load %arg72[%swap3A_565] {strides = array<i32>} : memref<512xi32, #tpu.memory_space<vmem>>, vector<16xi32>,
      tpu.vector_store %arg72[%swap3A_565], %shift_right_logical3A_564 {strides = array<i32>} : memref<512xi32, #tpu.memory_space<vmem>>, vector<16xi32>,
      %and3A_567 = arith.constant 15 : i32
      %and3A_568 = vector.broadcast %and3A_567 : i32 to vector<16xi32>
      %and3A_569 = arith.andi %gather3A_561, %and3A_568 : vector<16xi32>
      %swap3A_570 = arith.index_cast %mul3A_379 : i32 to index
      %swap3A_571 = tpu.vector_load %arg46[%swap3A_570] {strides = array<i32>} : memref<512xi32, #tpu.memory_space<vmem>>, vector<16xi32>,
      tpu.vector_store %arg46[%swap3A_570], %and3A_569 {strides = array<i32>} : memref<512xi32, #tpu.memory_space<vmem>>, vector<16xi32>,
      %broadcast_in_dim3A_572 = arith.constant 15 : i32
      %broadcast_in_dim3A_573 = vector.broadcast %broadcast_in_dim3A_572 : i32 to vector<16xi32>
      %gather3A_574 = tpu.vector_load_idx %arg96[%add3A_381, %broadcast_in_dim3A_573] : memref<512x26xi32, #tpu.memory_space<vmem>>[vector<16xi32>, vector<16xi32>], vector<16xi32>,
      %shift_right_logical3A_575 = arith.constant 4 : i32
      %shift_right_logical3A_576 = vector.broadcast %shift_right_logical3A_575 : i32 to vector<16xi32>
      %shift_right_logical3A_577 = arith.shrui %gather3A_574, %shift_right_logical3A_576 : vector<16xi32>
      %swap3A_578 = arith.index_cast %mul3A_379 : i32 to index
      %swap3A_579 = tpu.vector_load %arg73[%swap3A_578] {strides = array<i32>} : memref<512xi32, #tpu.memory_space<vmem>>, vector<16xi32>,
      tpu.vector_store %arg73[%swap3A_578], %shift_right_logical3A_577 {strides = array<i32>} : memref<512xi32, #tpu.memory_space<vmem>>, vector<16xi32>,
      %and3A_580 = arith.constant 15 : i32
      %and3A_581 = vector.broadcast %and3A_580 : i32 to vector<16xi32>
      %and3A_582 = arith.andi %gather3A_574, %and3A_581 : vector<16xi32>
      %swap3A_583 = arith.index_cast %mul3A_379 : i32 to index
      %swap3A_584 = tpu.vector_load %arg47[%swap3A_583] {strides = array<i32>} : memref<512xi32, #tpu.memory_space<vmem>>, vector<16xi32>,
      tpu.vector_store %arg47[%swap3A_583], %and3A_582 {strides = array<i32>} : memref<512xi32, #tpu.memory_space<vmem>>, vector<16xi32>,
      %broadcast_in_dim3A_585 = arith.constant 16 : i32
      %broadcast_in_dim3A_586 = vector.broadcast %broadcast_in_dim3A_585 : i32 to vector<16xi32>
      %gather3A_587 = tpu.vector_load_idx %arg96[%add3A_381, %broadcast_in_dim3A_586] : memref<512x26xi32, #tpu.memory_space<vmem>>[vector<16xi32>, vector<16xi32>], vector<16xi32>,
      %shift_right_logical3A_588 = arith.constant 4 : i32
      %shift_right_logical3A_589 = vector.broadcast %shift_right_logical3A_588 : i32 to vector<16xi32>
      %shift_right_logical3A_590 = arith.shrui %gather3A_587, %shift_right_logical3A_589 : vector<16xi32>
      %swap3A_591 = arith.index_cast %mul3A_379 : i32 to index
      %swap3A_592 = tpu.vector_load %arg74[%swap3A_591] {strides = array<i32>} : memref<512xi32, #tpu.memory_space<vmem>>, vector<16xi32>,
      tpu.vector_store %arg74[%swap3A_591], %shift_right_logical3A_590 {strides = array<i32>} : memref<512xi32, #tpu.memory_space<vmem>>, vector<16xi32>,
      %and3A_593 = arith.constant 15 : i32
      %and3A_594 = vector.broadcast %and3A_593 : i32 to vector<16xi32>
      %and3A_595 = arith.andi %gather3A_587, %and3A_594 : vector<16xi32>
      %swap3A_596 = arith.index_cast %mul3A_379 : i32 to index
      %swap3A_597 = tpu.vector_load %arg48[%swap3A_596] {strides = array<i32>} : memref<512xi32, #tpu.memory_space<vmem>>, vector<16xi32>,
      tpu.vector_store %arg48[%swap3A_596], %and3A_595 {strides = array<i32>} : memref<512xi32, #tpu.memory_space<vmem>>, vector<16xi32>,
      %broadcast_in_dim3A_598 = arith.constant 17 : i32
      %broadcast_in_dim3A_599 = vector.broadcast %broadcast_in_dim3A_598 : i32 to vector<16xi32>
      %gather3A_600 = tpu.vector_load_idx %arg96[%add3A_381, %broadcast_in_dim3A_599] : memref<512x26xi32, #tpu.memory_space<vmem>>[vector<16xi32>, vector<16xi32>], vector<16xi32>,
      %shift_right_logical3A_601 = arith.constant 4 : i32
      %shift_right_logical3A_602 = vector.broadcast %shift_right_logical3A_601 : i32 to vector<16xi32>
      %shift_right_logical3A_603 = arith.shrui %gather3A_600, %shift_right_logical3A_602 : vector<16xi32>
      %swap3A_604 = arith.index_cast %mul3A_379 : i32 to index
      %swap3A_605 = tpu.vector_load %arg75[%swap3A_604] {strides = array<i32>} : memref<512xi32, #tpu.memory_space<vmem>>, vector<16xi32>,
      tpu.vector_store %arg75[%swap3A_604], %shift_right_logical3A_603 {strides = array<i32>} : memref<512xi32, #tpu.memory_space<vmem>>, vector<16xi32>,
      %and3A_606 = arith.constant 15 : i32
      %and3A_607 = vector.broadcast %and3A_606 : i32 to vector<16xi32>
      %and3A_608 = arith.andi %gather3A_600, %and3A_607 : vector<16xi32>
      %swap3A_609 = arith.index_cast %mul3A_379 : i32 to index
      %swap3A_610 = tpu.vector_load %arg49[%swap3A_609] {strides = array<i32>} : memref<512xi32, #tpu.memory_space<vmem>>, vector<16xi32>,
      tpu.vector_store %arg49[%swap3A_609], %and3A_608 {strides = array<i32>} : memref<512xi32, #tpu.memory_space<vmem>>, vector<16xi32>,
      %broadcast_in_dim3A_611 = arith.constant 18 : i32
      %broadcast_in_dim3A_612 = vector.broadcast %broadcast_in_dim3A_611 : i32 to vector<16xi32>
      %gather3A_613 = tpu.vector_load_idx %arg96[%add3A_381, %broadcast_in_dim3A_612] : memref<512x26xi32, #tpu.memory_space<vmem>>[vector<16xi32>, vector<16xi32>], vector<16xi32>,
      %shift_right_logical3A_614 = arith.constant 4 : i32
      %shift_right_logical3A_615 = vector.broadcast %shift_right_logical3A_614 : i32 to vector<16xi32>
      %shift_right_logical3A_616 = arith.shrui %gather3A_613, %shift_right_logical3A_615 : vector<16xi32>
      %swap3A_617 = arith.index_cast %mul3A_379 : i32 to index
      %swap3A_618 = tpu.vector_load %arg76[%swap3A_617] {strides = array<i32>} : memref<512xi32, #tpu.memory_space<vmem>>, vector<16xi32>,
      tpu.vector_store %arg76[%swap3A_617], %shift_right_logical3A_616 {strides = array<i32>} : memref<512xi32, #tpu.memory_space<vmem>>, vector<16xi32>,
      %and3A_619 = arith.constant 15 : i32
      %and3A_620 = vector.broadcast %and3A_619 : i32 to vector<16xi32>
      %and3A_621 = arith.andi %gather3A_613, %and3A_620 : vector<16xi32>
      %swap3A_622 = arith.index_cast %mul3A_379 : i32 to index
      %swap3A_623 = tpu.vector_load %arg50[%swap3A_622] {strides = array<i32>} : memref<512xi32, #tpu.memory_space<vmem>>, vector<16xi32>,
      tpu.vector_store %arg50[%swap3A_622], %and3A_621 {strides = array<i32>} : memref<512xi32, #tpu.memory_space<vmem>>, vector<16xi32>,
      %broadcast_in_dim3A_624 = arith.constant 19 : i32
      %broadcast_in_dim3A_625 = vector.broadcast %broadcast_in_dim3A_624 : i32 to vector<16xi32>
      %gather3A_626 = tpu.vector_load_idx %arg96[%add3A_381, %broadcast_in_dim3A_625] : memref<512x26xi32, #tpu.memory_space<vmem>>[vector<16xi32>, vector<16xi32>], vector<16xi32>,
      %shift_right_logical3A_627 = arith.constant 4 : i32
      %shift_right_logical3A_628 = vector.broadcast %shift_right_logical3A_627 : i32 to vector<16xi32>
      %shift_right_logical3A_629 = arith.shrui %gather3A_626, %shift_right_logical3A_628 : vector<16xi32>
      %swap3A_630 = arith.index_cast %mul3A_379 : i32 to index
      %swap3A_631 = tpu.vector_load %arg77[%swap3A_630] {strides = array<i32>} : memref<512xi32, #tpu.memory_space<vmem>>, vector<16xi32>,
      tpu.vector_store %arg77[%swap3A_630], %shift_right_logical3A_629 {strides = array<i32>} : memref<512xi32, #tpu.memory_space<vmem>>, vector<16xi32>,
      %and3A_632 = arith.constant 15 : i32
      %and3A_633 = vector.broadcast %and3A_632 : i32 to vector<16xi32>
      %and3A_634 = arith.andi %gather3A_626, %and3A_633 : vector<16xi32>
      %swap3A_635 = arith.index_cast %mul3A_379 : i32 to index
      %swap3A_636 = tpu.vector_load %arg51[%swap3A_635] {strides = array<i32>} : memref<512xi32, #tpu.memory_space<vmem>>, vector<16xi32>,
      tpu.vector_store %arg51[%swap3A_635], %and3A_634 {strides = array<i32>} : memref<512xi32, #tpu.memory_space<vmem>>, vector<16xi32>,
      %broadcast_in_dim3A_637 = arith.constant 20 : i32
      %broadcast_in_dim3A_638 = vector.broadcast %broadcast_in_dim3A_637 : i32 to vector<16xi32>
      %gather3A_639 = tpu.vector_load_idx %arg96[%add3A_381, %broadcast_in_dim3A_638] : memref<512x26xi32, #tpu.memory_space<vmem>>[vector<16xi32>, vector<16xi32>], vector<16xi32>,
      %shift_right_logical3A_640 = arith.constant 4 : i32
      %shift_right_logical3A_641 = vector.broadcast %shift_right_logical3A_640 : i32 to vector<16xi32>
      %shift_right_logical3A_642 = arith.shrui %gather3A_639, %shift_right_logical3A_641 : vector<16xi32>
      %swap3A_643 = arith.index_cast %mul3A_379 : i32 to index
      %swap3A_644 = tpu.vector_load %arg78[%swap3A_643] {strides = array<i32>} : memref<512xi32, #tpu.memory_space<vmem>>, vector<16xi32>,
      tpu.vector_store %arg78[%swap3A_643], %shift_right_logical3A_642 {strides = array<i32>} : memref<512xi32, #tpu.memory_space<vmem>>, vector<16xi32>,
      %and3A_645 = arith.constant 15 : i32
      %and3A_646 = vector.broadcast %and3A_645 : i32 to vector<16xi32>
      %and3A_647 = arith.andi %gather3A_639, %and3A_646 : vector<16xi32>
      %swap3A_648 = arith.index_cast %mul3A_379 : i32 to index
      %swap3A_649 = tpu.vector_load %arg52[%swap3A_648] {strides = array<i32>} : memref<512xi32, #tpu.memory_space<vmem>>, vector<16xi32>,
      tpu.vector_store %arg52[%swap3A_648], %and3A_647 {strides = array<i32>} : memref<512xi32, #tpu.memory_space<vmem>>, vector<16xi32>,
      %broadcast_in_dim3A_650 = arith.constant 21 : i32
      %broadcast_in_dim3A_651 = vector.broadcast %broadcast_in_dim3A_650 : i32 to vector<16xi32>
      %gather3A_652 = tpu.vector_load_idx %arg96[%add3A_381, %broadcast_in_dim3A_651] : memref<512x26xi32, #tpu.memory_space<vmem>>[vector<16xi32>, vector<16xi32>], vector<16xi32>,
      %shift_right_logical3A_653 = arith.constant 4 : i32
      %shift_right_logical3A_654 = vector.broadcast %shift_right_logical3A_653 : i32 to vector<16xi32>
      %shift_right_logical3A_655 = arith.shrui %gather3A_652, %shift_right_logical3A_654 : vector<16xi32>
      %swap3A_656 = arith.index_cast %mul3A_379 : i32 to index
      %swap3A_657 = tpu.vector_load %arg79[%swap3A_656] {strides = array<i32>} : memref<512xi32, #tpu.memory_space<vmem>>, vector<16xi32>,
      tpu.vector_store %arg79[%swap3A_656], %shift_right_logical3A_655 {strides = array<i32>} : memref<512xi32, #tpu.memory_space<vmem>>, vector<16xi32>,
      %and3A_658 = arith.constant 15 : i32
      %and3A_659 = vector.broadcast %and3A_658 : i32 to vector<16xi32>
      %and3A_660 = arith.andi %gather3A_652, %and3A_659 : vector<16xi32>
      %swap3A_661 = arith.index_cast %mul3A_379 : i32 to index
      %swap3A_662 = tpu.vector_load %arg53[%swap3A_661] {strides = array<i32>} : memref<512xi32, #tpu.memory_space<vmem>>, vector<16xi32>,
      tpu.vector_store %arg53[%swap3A_661], %and3A_660 {strides = array<i32>} : memref<512xi32, #tpu.memory_space<vmem>>, vector<16xi32>,
      %broadcast_in_dim3A_663 = arith.constant 22 : i32
      %broadcast_in_dim3A_664 = vector.broadcast %broadcast_in_dim3A_663 : i32 to vector<16xi32>
      %gather3A_665 = tpu.vector_load_idx %arg96[%add3A_381, %broadcast_in_dim3A_664] : memref<512x26xi32, #tpu.memory_space<vmem>>[vector<16xi32>, vector<16xi32>], vector<16xi32>,
      %shift_right_logical3A_666 = arith.constant 4 : i32
      %shift_right_logical3A_667 = vector.broadcast %shift_right_logical3A_666 : i32 to vector<16xi32>
      %shift_right_logical3A_668 = arith.shrui %gather3A_665, %shift_right_logical3A_667 : vector<16xi32>
      %swap3A_669 = arith.index_cast %mul3A_379 : i32 to index
      %swap3A_670 = tpu.vector_load %arg80[%swap3A_669] {strides = array<i32>} : memref<512xi32, #tpu.memory_space<vmem>>, vector<16xi32>,
      tpu.vector_store %arg80[%swap3A_669], %shift_right_logical3A_668 {strides = array<i32>} : memref<512xi32, #tpu.memory_space<vmem>>, vector<16xi32>,
      %and3A_671 = arith.constant 15 : i32
      %and3A_672 = vector.broadcast %and3A_671 : i32 to vector<16xi32>
      %and3A_673 = arith.andi %gather3A_665, %and3A_672 : vector<16xi32>
      %swap3A_674 = arith.index_cast %mul3A_379 : i32 to index
      %swap3A_675 = tpu.vector_load %arg54[%swap3A_674] {strides = array<i32>} : memref<512xi32, #tpu.memory_space<vmem>>, vector<16xi32>,
      tpu.vector_store %arg54[%swap3A_674], %and3A_673 {strides = array<i32>} : memref<512xi32, #tpu.memory_space<vmem>>, vector<16xi32>,
      %broadcast_in_dim3A_676 = arith.constant 23 : i32
      %broadcast_in_dim3A_677 = vector.broadcast %broadcast_in_dim3A_676 : i32 to vector<16xi32>
      %gather3A_678 = tpu.vector_load_idx %arg96[%add3A_381, %broadcast_in_dim3A_677] : memref<512x26xi32, #tpu.memory_space<vmem>>[vector<16xi32>, vector<16xi32>], vector<16xi32>,
      %shift_right_logical3A_679 = arith.constant 4 : i32
      %shift_right_logical3A_680 = vector.broadcast %shift_right_logical3A_679 : i32 to vector<16xi32>
      %shift_right_logical3A_681 = arith.shrui %gather3A_678, %shift_right_logical3A_680 : vector<16xi32>
      %swap3A_682 = arith.index_cast %mul3A_379 : i32 to index
      %swap3A_683 = tpu.vector_load %arg81[%swap3A_682] {strides = array<i32>} : memref<512xi32, #tpu.memory_space<vmem>>, vector<16xi32>,
      tpu.vector_store %arg81[%swap3A_682], %shift_right_logical3A_681 {strides = array<i32>} : memref<512xi32, #tpu.memory_space<vmem>>, vector<16xi32>,
      %and3A_684 = arith.constant 15 : i32
      %and3A_685 = vector.broadcast %and3A_684 : i32 to vector<16xi32>
      %and3A_686 = arith.andi %gather3A_678, %and3A_685 : vector<16xi32>
      %swap3A_687 = arith.index_cast %mul3A_379 : i32 to index
      %swap3A_688 = tpu.vector_load %arg55[%swap3A_687] {strides = array<i32>} : memref<512xi32, #tpu.memory_space<vmem>>, vector<16xi32>,
      tpu.vector_store %arg55[%swap3A_687], %and3A_686 {strides = array<i32>} : memref<512xi32, #tpu.memory_space<vmem>>, vector<16xi32>,
      %broadcast_in_dim3A_689 = arith.constant 24 : i32
      %broadcast_in_dim3A_690 = vector.broadcast %broadcast_in_dim3A_689 : i32 to vector<16xi32>
      %gather3A_691 = tpu.vector_load_idx %arg96[%add3A_381, %broadcast_in_dim3A_690] : memref<512x26xi32, #tpu.memory_space<vmem>>[vector<16xi32>, vector<16xi32>], vector<16xi32>,
      %shift_right_logical3A_692 = arith.constant 4 : i32
      %shift_right_logical3A_693 = vector.broadcast %shift_right_logical3A_692 : i32 to vector<16xi32>
      %shift_right_logical3A_694 = arith.shrui %gather3A_691, %shift_right_logical3A_693 : vector<16xi32>
      %swap3A_695 = arith.index_cast %mul3A_379 : i32 to index
      %swap3A_696 = tpu.vector_load %arg82[%swap3A_695] {strides = array<i32>} : memref<512xi32, #tpu.memory_space<vmem>>, vector<16xi32>,
      tpu.vector_store %arg82[%swap3A_695], %shift_right_logical3A_694 {strides = array<i32>} : memref<512xi32, #tpu.memory_space<vmem>>, vector<16xi32>,
      %and3A_697 = arith.constant 15 : i32
      %and3A_698 = vector.broadcast %and3A_697 : i32 to vector<16xi32>
      %and3A_699 = arith.andi %gather3A_691, %and3A_698 : vector<16xi32>
      %swap3A_700 = arith.index_cast %mul3A_379 : i32 to index
      %swap3A_701 = tpu.vector_load %arg56[%swap3A_700] {strides = array<i32>} : memref<512xi32, #tpu.memory_space<vmem>>, vector<16xi32>,
      tpu.vector_store %arg56[%swap3A_700], %and3A_699 {strides = array<i32>} : memref<512xi32, #tpu.memory_space<vmem>>, vector<16xi32>,
      %broadcast_in_dim3A_702 = arith.constant 25 : i32
      %broadcast_in_dim3A_703 = vector.broadcast %broadcast_in_dim3A_702 : i32 to vector<16xi32>
      %gather3A_704 = tpu.vector_load_idx %arg96[%add3A_381, %broadcast_in_dim3A_703] : memref<512x26xi32, #tpu.memory_space<vmem>>[vector<16xi32>, vector<16xi32>], vector<16xi32>,
      %shift_right_logical3A_705 = arith.constant 4 : i32
      %shift_right_logical3A_706 = vector.broadcast %shift_right_logical3A_705 : i32 to vector<16xi32>
      %shift_right_logical3A_707 = arith.shrui %gather3A_704, %shift_right_logical3A_706 : vector<16xi32>
      %swap3A_708 = arith.index_cast %mul3A_379 : i32 to index
      %swap3A_709 = tpu.vector_load %arg83[%swap3A_708] {strides = array<i32>} : memref<512xi32, #tpu.memory_space<vmem>>, vector<16xi32>,
      tpu.vector_store %arg83[%swap3A_708], %shift_right_logical3A_707 {strides = array<i32>} : memref<512xi32, #tpu.memory_space<vmem>>, vector<16xi32>,
      %and3A_710 = arith.constant 15 : i32
      %and3A_711 = vector.broadcast %and3A_710 : i32 to vector<16xi32>
      %and3A_712 = arith.andi %gather3A_704, %and3A_711 : vector<16xi32>
      %swap3A_713 = arith.index_cast %mul3A_379 : i32 to index
      %swap3A_714 = tpu.vector_load %arg57[%swap3A_713] {strides = array<i32>} : memref<512xi32, #tpu.memory_space<vmem>>, vector<16xi32>,
      tpu.vector_store %arg57[%swap3A_713], %and3A_712 {strides = array<i32>} : memref<512xi32, #tpu.memory_space<vmem>>, vector<16xi32>,
    }
    %scan3A_34 = arith.constant 32 : i32
    %dma_start3A_35 = arith.constant 0 : i32
    %dma_start3A_36 = arith.constant 0 : i32
    %dma_start3A_37 = tpu.memref_slice %arg5[%dma_start3A_35, %dma_start3A_36] : memref<62500x16xf32, #tpu.memory_space<hbm>> -> memref<62500x16xf32, #tpu.memory_space<hbm>>
    tpu.enqueue_indirect_dma source(%dma_start3A_37 : memref<62500x16xf32, #tpu.memory_space<hbm>>) target(%arg84 : memref<512x16xf32, #tpu.memory_space<vmem>>) offsets(%arg58 : memref<512xi32, #tpu.memory_space<vmem>>) semaphore(%arg90 : memref<!tpu.dma_semaphore, #tpu.memory_space<semaphore_mem>>)
    %dma_start3A_38 = arith.constant 0 : i32
    %dma_start3A_39 = arith.constant 0 : i32
    %dma_start3A_40 = tpu.memref_slice %arg6[%dma_start3A_38, %dma_start3A_39] : memref<62500x16xf32, #tpu.memory_space<hbm>> -> memref<62500x16xf32, #tpu.memory_space<hbm>>
    tpu.enqueue_indirect_dma source(%dma_start3A_40 : memref<62500x16xf32, #tpu.memory_space<hbm>>) target(%arg85 : memref<512x16xf32, #tpu.memory_space<vmem>>) offsets(%arg59 : memref<512xi32, #tpu.memory_space<vmem>>) semaphore(%arg91 : memref<!tpu.dma_semaphore, #tpu.memory_space<semaphore_mem>>)
    %dma_start3A_41 = arith.constant 0 : i32
    %dma_start3A_42 = arith.constant 0 : i32
    %dma_start3A_43 = tpu.memref_slice %arg7[%dma_start3A_41, %dma_start3A_42] : memref<62500x16xf32, #tpu.memory_space<hbm>> -> memref<62500x16xf32, #tpu.memory_space<hbm>>
    tpu.enqueue_indirect_dma source(%dma_start3A_43 : memref<62500x16xf32, #tpu.memory_space<hbm>>) target(%arg86 : memref<512x16xf32, #tpu.memory_space<vmem>>) offsets(%arg60 : memref<512xi32, #tpu.memory_space<vmem>>) semaphore(%arg92 : memref<!tpu.dma_semaphore, #tpu.memory_space<semaphore_mem>>)
    %dma_start3A_44 = arith.constant 0 : i32
    %dma_start3A_45 = arith.constant 0 : i32
    %dma_start3A_46 = tpu.memref_slice %arg8[%dma_start3A_44, %dma_start3A_45] : memref<62500x16xf32, #tpu.memory_space<hbm>> -> memref<62500x16xf32, #tpu.memory_space<hbm>>
    tpu.enqueue_indirect_dma source(%dma_start3A_46 : memref<62500x16xf32, #tpu.memory_space<hbm>>) target(%arg87 : memref<512x16xf32, #tpu.memory_space<vmem>>) offsets(%arg61 : memref<512xi32, #tpu.memory_space<vmem>>) semaphore(%arg93 : memref<!tpu.dma_semaphore, #tpu.memory_space<semaphore_mem>>)
    %dma_start3A_47 = arith.constant 0 : i32
    %dma_start3A_48 = arith.constant 0 : i32
    %dma_start3A_49 = tpu.memref_slice %arg9[%dma_start3A_47, %dma_start3A_48] : memref<62500x16xf32, #tpu.memory_space<hbm>> -> memref<62500x16xf32, #tpu.memory_space<hbm>>
    tpu.enqueue_indirect_dma source(%dma_start3A_49 : memref<62500x16xf32, #tpu.memory_space<hbm>>) target(%arg88 : memref<512x16xf32, #tpu.memory_space<vmem>>) offsets(%arg62 : memref<512xi32, #tpu.memory_space<vmem>>) semaphore(%arg94 : memref<!tpu.dma_semaphore, #tpu.memory_space<semaphore_mem>>)
    %dma_start3A_50 = arith.constant 0 : i32
    %dma_start3A_51 = arith.constant 0 : i32
    %dma_start3A_52 = tpu.memref_slice %arg10[%dma_start3A_50, %dma_start3A_51] : memref<62500x16xf32, #tpu.memory_space<hbm>> -> memref<62500x16xf32, #tpu.memory_space<hbm>>
    tpu.enqueue_indirect_dma source(%dma_start3A_52 : memref<62500x16xf32, #tpu.memory_space<hbm>>) target(%arg89 : memref<512x16xf32, #tpu.memory_space<vmem>>) offsets(%arg63 : memref<512xi32, #tpu.memory_space<vmem>>) semaphore(%arg95 : memref<!tpu.dma_semaphore, #tpu.memory_space<semaphore_mem>>)
    %get3A = arith.constant 0 : i32
    %get3A_53 = arith.index_cast %get3A : i32 to index
    %get3A_54 = arith.constant 0 : index
    %get3A_55 = tpu.vector_load %arg98[%get3A_53, %get3A_54] {strides = array<i32>} : memref<13x16xf32, #tpu.memory_space<vmem>>, vector<16xf32>,
    %get3A_56 = arith.constant 1 : i32
    %get3A_57 = arith.index_cast %get3A_56 : i32 to index
    %get3A_58 = arith.constant 0 : index
    %get3A_59 = tpu.vector_load %arg98[%get3A_57, %get3A_58] {strides = array<i32>} : memref<13x16xf32, #tpu.memory_space<vmem>>, vector<16xf32>,
    %get3A_60 = arith.constant 2 : i32
    %get3A_61 = arith.index_cast %get3A_60 : i32 to index
    %get3A_62 = arith.constant 0 : index
    %get3A_63 = tpu.vector_load %arg98[%get3A_61, %get3A_62] {strides = array<i32>} : memref<13x16xf32, #tpu.memory_space<vmem>>, vector<16xf32>,
    %get3A_64 = arith.constant 3 : i32
    %get3A_65 = arith.index_cast %get3A_64 : i32 to index
    %get3A_66 = arith.constant 0 : index
    %get3A_67 = tpu.vector_load %arg98[%get3A_65, %get3A_66] {strides = array<i32>} : memref<13x16xf32, #tpu.memory_space<vmem>>, vector<16xf32>,
    %get3A_68 = arith.constant 4 : i32
    %get3A_69 = arith.index_cast %get3A_68 : i32 to index
    %get3A_70 = arith.constant 0 : index
    %get3A_71 = tpu.vector_load %arg98[%get3A_69, %get3A_70] {strides = array<i32>} : memref<13x16xf32, #tpu.memory_space<vmem>>, vector<16xf32>,
    %get3A_72 = arith.constant 5 : i32
    %get3A_73 = arith.index_cast %get3A_72 : i32 to index
    %get3A_74 = arith.constant 0 : index
    %get3A_75 = tpu.vector_load %arg98[%get3A_73, %get3A_74] {strides = array<i32>} : memref<13x16xf32, #tpu.memory_space<vmem>>, vector<16xf32>,
    %get3A_76 = arith.constant 6 : i32
    %get3A_77 = arith.index_cast %get3A_76 : i32 to index
    %get3A_78 = arith.constant 0 : index
    %get3A_79 = tpu.vector_load %arg98[%get3A_77, %get3A_78] {strides = array<i32>} : memref<13x16xf32, #tpu.memory_space<vmem>>, vector<16xf32>,
    %get3A_80 = arith.constant 7 : i32
    %get3A_81 = arith.index_cast %get3A_80 : i32 to index
    %get3A_82 = arith.constant 0 : index
    %get3A_83 = tpu.vector_load %arg98[%get3A_81, %get3A_82] {strides = array<i32>} : memref<13x16xf32, #tpu.memory_space<vmem>>, vector<16xf32>,
    %get3A_84 = arith.constant 8 : i32
    %get3A_85 = arith.index_cast %get3A_84 : i32 to index
    %get3A_86 = arith.constant 0 : index
    %get3A_87 = tpu.vector_load %arg98[%get3A_85, %get3A_86] {strides = array<i32>} : memref<13x16xf32, #tpu.memory_space<vmem>>, vector<16xf32>,
    %get3A_88 = arith.constant 9 : i32
    %get3A_89 = arith.index_cast %get3A_88 : i32 to index
    %get3A_90 = arith.constant 0 : index
    %get3A_91 = tpu.vector_load %arg98[%get3A_89, %get3A_90] {strides = array<i32>} : memref<13x16xf32, #tpu.memory_space<vmem>>, vector<16xf32>,
    %get3A_92 = arith.constant 10 : i32
    %get3A_93 = arith.index_cast %get3A_92 : i32 to index
    %get3A_94 = arith.constant 0 : index
    %get3A_95 = tpu.vector_load %arg98[%get3A_93, %get3A_94] {strides = array<i32>} : memref<13x16xf32, #tpu.memory_space<vmem>>, vector<16xf32>,
    %get3A_96 = arith.constant 11 : i32
    %get3A_97 = arith.index_cast %get3A_96 : i32 to index
    %get3A_98 = arith.constant 0 : index
    %get3A_99 = tpu.vector_load %arg98[%get3A_97, %get3A_98] {strides = array<i32>} : memref<13x16xf32, #tpu.memory_space<vmem>>, vector<16xf32>,
    %get3A_100 = arith.constant 12 : i32
    %get3A_101 = arith.index_cast %get3A_100 : i32 to index
    %get3A_102 = arith.constant 0 : index
    %get3A_103 = tpu.vector_load %arg98[%get3A_101, %get3A_102] {strides = array<i32>} : memref<13x16xf32, #tpu.memory_space<vmem>>, vector<16xf32>,
    %scan3A_104 = arith.constant 0 : i32
    %scan3A_105 = arith.constant 32 : i32
    %scan3A_106 = arith.addi %scan3A_104, %scan3A_105 : i32
    %scan3A_107 = arith.constant 1 : i32
    scf.for %scan3A_377 = %scan3A_104 to %scan3A_106 step %scan3A_107  : i32 {
      %mul3A_378 = arith.constant 16 : i32
      %mul3A_379 = arith.muli %scan3A_377, %mul3A_378 : i32
      %add3A_380 = vector.broadcast %mul3A_379 : i32 to vector<16xi32>
      %add3A_381 = arith.addi %add3A_380, %iota3A : vector<16xi32>
      %broadcast_in_dim3A = arith.constant 0 : i32
      %broadcast_in_dim3A_382 = vector.broadcast %broadcast_in_dim3A : i32 to vector<16xi32>
      %gather3A = tpu.vector_load_idx %arg97[%add3A_381, %broadcast_in_dim3A_382] : memref<512x13xf32, #tpu.memory_space<vmem>>[vector<16xi32>, vector<16xi32>], vector<16xf32>,
      %mul3A_383 = arith.mulf %gather3A, %get3A_55 : vector<16xf32>
      %broadcast_in_dim3A_384 = arith.constant 1 : i32
      %broadcast_in_dim3A_385 = vector.broadcast %broadcast_in_dim3A_384 : i32 to vector<16xi32>
      %gather3A_386 = tpu.vector_load_idx %arg97[%add3A_381, %broadcast_in_dim3A_385] : memref<512x13xf32, #tpu.memory_space<vmem>>[vector<16xi32>, vector<16xi32>], vector<16xf32>,
      %mul3A_387 = arith.mulf %gather3A_386, %get3A_59 : vector<16xf32>
      %add3A_388 = arith.addf %mul3A_383, %mul3A_387 : vector<16xf32>
      %broadcast_in_dim3A_389 = arith.constant 2 : i32
      %broadcast_in_dim3A_390 = vector.broadcast %broadcast_in_dim3A_389 : i32 to vector<16xi32>
      %gather3A_391 = tpu.vector_load_idx %arg97[%add3A_381, %broadcast_in_dim3A_390] : memref<512x13xf32, #tpu.memory_space<vmem>>[vector<16xi32>, vector<16xi32>], vector<16xf32>,
      %mul3A_392 = arith.mulf %gather3A_391, %get3A_63 : vector<16xf32>
      %add3A_393 = arith.addf %add3A_388, %mul3A_392 : vector<16xf32>
      %broadcast_in_dim3A_394 = arith.constant 3 : i32
      %broadcast_in_dim3A_395 = vector.broadcast %broadcast_in_dim3A_394 : i32 to vector<16xi32>
      %gather3A_396 = tpu.vector_load_idx %arg97[%add3A_381, %broadcast_in_dim3A_395] : memref<512x13xf32, #tpu.memory_space<vmem>>[vector<16xi32>, vector<16xi32>], vector<16xf32>,
      %mul3A_397 = arith.mulf %gather3A_396, %get3A_67 : vector<16xf32>
      %add3A_398 = arith.addf %add3A_393, %mul3A_397 : vector<16xf32>
      %broadcast_in_dim3A_399 = arith.constant 4 : i32
      %broadcast_in_dim3A_400 = vector.broadcast %broadcast_in_dim3A_399 : i32 to vector<16xi32>
      %gather3A_401 = tpu.vector_load_idx %arg97[%add3A_381, %broadcast_in_dim3A_400] : memref<512x13xf32, #tpu.memory_space<vmem>>[vector<16xi32>, vector<16xi32>], vector<16xf32>,
      %mul3A_402 = arith.mulf %gather3A_401, %get3A_71 : vector<16xf32>
      %add3A_403 = arith.addf %add3A_398, %mul3A_402 : vector<16xf32>
      %broadcast_in_dim3A_404 = arith.constant 5 : i32
      %broadcast_in_dim3A_405 = vector.broadcast %broadcast_in_dim3A_404 : i32 to vector<16xi32>
      %gather3A_406 = tpu.vector_load_idx %arg97[%add3A_381, %broadcast_in_dim3A_405] : memref<512x13xf32, #tpu.memory_space<vmem>>[vector<16xi32>, vector<16xi32>], vector<16xf32>,
      %mul3A_407 = arith.mulf %gather3A_406, %get3A_75 : vector<16xf32>
      %add3A_408 = arith.addf %add3A_403, %mul3A_407 : vector<16xf32>
      %broadcast_in_dim3A_409 = arith.constant 6 : i32
      %broadcast_in_dim3A_410 = vector.broadcast %broadcast_in_dim3A_409 : i32 to vector<16xi32>
      %gather3A_411 = tpu.vector_load_idx %arg97[%add3A_381, %broadcast_in_dim3A_410] : memref<512x13xf32, #tpu.memory_space<vmem>>[vector<16xi32>, vector<16xi32>], vector<16xf32>,
      %mul3A_412 = arith.mulf %gather3A_411, %get3A_79 : vector<16xf32>
      %add3A_413 = arith.addf %add3A_408, %mul3A_412 : vector<16xf32>
      %broadcast_in_dim3A_414 = arith.constant 7 : i32
      %broadcast_in_dim3A_415 = vector.broadcast %broadcast_in_dim3A_414 : i32 to vector<16xi32>
      %gather3A_416 = tpu.vector_load_idx %arg97[%add3A_381, %broadcast_in_dim3A_415] : memref<512x13xf32, #tpu.memory_space<vmem>>[vector<16xi32>, vector<16xi32>], vector<16xf32>,
      %mul3A_417 = arith.mulf %gather3A_416, %get3A_83 : vector<16xf32>
      %add3A_418 = arith.addf %add3A_413, %mul3A_417 : vector<16xf32>
      %broadcast_in_dim3A_419 = arith.constant 8 : i32
      %broadcast_in_dim3A_420 = vector.broadcast %broadcast_in_dim3A_419 : i32 to vector<16xi32>
      %gather3A_421 = tpu.vector_load_idx %arg97[%add3A_381, %broadcast_in_dim3A_420] : memref<512x13xf32, #tpu.memory_space<vmem>>[vector<16xi32>, vector<16xi32>], vector<16xf32>,
      %mul3A_422 = arith.mulf %gather3A_421, %get3A_87 : vector<16xf32>
      %add3A_423 = arith.addf %add3A_418, %mul3A_422 : vector<16xf32>
      %broadcast_in_dim3A_424 = arith.constant 9 : i32
      %broadcast_in_dim3A_425 = vector.broadcast %broadcast_in_dim3A_424 : i32 to vector<16xi32>
      %gather3A_426 = tpu.vector_load_idx %arg97[%add3A_381, %broadcast_in_dim3A_425] : memref<512x13xf32, #tpu.memory_space<vmem>>[vector<16xi32>, vector<16xi32>], vector<16xf32>,
      %mul3A_427 = arith.mulf %gather3A_426, %get3A_91 : vector<16xf32>
      %add3A_428 = arith.addf %add3A_423, %mul3A_427 : vector<16xf32>
      %broadcast_in_dim3A_429 = arith.constant 10 : i32
      %broadcast_in_dim3A_430 = vector.broadcast %broadcast_in_dim3A_429 : i32 to vector<16xi32>
      %gather3A_431 = tpu.vector_load_idx %arg97[%add3A_381, %broadcast_in_dim3A_430] : memref<512x13xf32, #tpu.memory_space<vmem>>[vector<16xi32>, vector<16xi32>], vector<16xf32>,
      %mul3A_432 = arith.mulf %gather3A_431, %get3A_95 : vector<16xf32>
      %add3A_433 = arith.addf %add3A_428, %mul3A_432 : vector<16xf32>
      %broadcast_in_dim3A_434 = arith.constant 11 : i32
      %broadcast_in_dim3A_435 = vector.broadcast %broadcast_in_dim3A_434 : i32 to vector<16xi32>
      %gather3A_436 = tpu.vector_load_idx %arg97[%add3A_381, %broadcast_in_dim3A_435] : memref<512x13xf32, #tpu.memory_space<vmem>>[vector<16xi32>, vector<16xi32>], vector<16xf32>,
      %mul3A_437 = arith.mulf %gather3A_436, %get3A_99 : vector<16xf32>
      %add3A_438 = arith.addf %add3A_433, %mul3A_437 : vector<16xf32>
      %broadcast_in_dim3A_439 = arith.constant 12 : i32
      %broadcast_in_dim3A_440 = vector.broadcast %broadcast_in_dim3A_439 : i32 to vector<16xi32>
      %gather3A_441 = tpu.vector_load_idx %arg97[%add3A_381, %broadcast_in_dim3A_440] : memref<512x13xf32, #tpu.memory_space<vmem>>[vector<16xi32>, vector<16xi32>], vector<16xf32>,
      %mul3A_442 = arith.mulf %gather3A_441, %get3A_103 : vector<16xf32>
      %add3A_443 = arith.addf %add3A_438, %mul3A_442 : vector<16xf32>
      %swap3A = arith.index_cast %mul3A_379 : i32 to index
      %swap3A_444 = tpu.vector_load %arg99[%swap3A] {strides = array<i32>} : memref<512xf32, #tpu.memory_space<vmem>>, vector<16xf32>,
      tpu.vector_store %arg99[%swap3A], %add3A_443 {strides = array<i32>} : memref<512xf32, #tpu.memory_space<vmem>>, vector<16xf32>,
    }
    %scan3A_108 = arith.constant 32 : i32
    %dma_wait3A_109 = arith.constant 0 : i32
    %dma_wait3A_110 = arith.constant 0 : i32
    %dma_wait3A_111 = tpu.memref_slice %arg5[%dma_wait3A_109, %dma_wait3A_110] : memref<62500x16xf32, #tpu.memory_space<hbm>> -> memref<62500x16xf32, #tpu.memory_space<hbm>>
    tpu.wait_indirect_dma semaphore(%arg90 : memref<!tpu.dma_semaphore, #tpu.memory_space<semaphore_mem>>) src(%dma_wait3A_111 : memref<62500x16xf32, #tpu.memory_space<hbm>>) dst(%arg84 : memref<512x16xf32, #tpu.memory_space<vmem>>)
    %scan3A_112 = arith.constant 0 : i32
    %scan3A_113 = arith.constant 32 : i32
    %scan3A_114 = arith.addi %scan3A_112, %scan3A_113 : i32
    %scan3A_115 = arith.constant 1 : i32
    scf.for %scan3A_377 = %scan3A_112 to %scan3A_114 step %scan3A_115  : i32 {
      %mul3A_378 = arith.constant 16 : i32
      %mul3A_379 = arith.muli %scan3A_377, %mul3A_378 : i32
      %get3A_380 = arith.index_cast %mul3A_379 : i32 to index
      %get3A_381 = tpu.vector_load %arg32[%get3A_380] {strides = array<i32>} : memref<512xi32, #tpu.memory_space<vmem>>, vector<16xi32>,
      %add3A_382 = vector.broadcast %mul3A_379 : i32 to vector<16xi32>
      %add3A_383 = arith.addi %add3A_382, %iota3A : vector<16xi32>
      %gather3A = tpu.vector_load_idx %arg84[%add3A_383, %get3A_381] : memref<512x16xf32, #tpu.memory_space<vmem>>[vector<16xi32>, vector<16xi32>], vector<16xf32>,
      %get3A_384 = arith.index_cast %mul3A_379 : i32 to index
      %get3A_385 = tpu.vector_load %arg99[%get3A_384] {strides = array<i32>} : memref<512xf32, #tpu.memory_space<vmem>>, vector<16xf32>,
      %add3A_386 = arith.addf %get3A_385, %gather3A : vector<16xf32>
      %swap3A = arith.index_cast %mul3A_379 : i32 to index
      %swap3A_387 = tpu.vector_load %arg99[%swap3A] {strides = array<i32>} : memref<512xf32, #tpu.memory_space<vmem>>, vector<16xf32>,
      tpu.vector_store %arg99[%swap3A], %add3A_386 {strides = array<i32>} : memref<512xf32, #tpu.memory_space<vmem>>, vector<16xf32>,
    }
    %scan3A_116 = arith.constant 32 : i32
    %dma_start3A_117 = arith.constant 0 : i32
    %dma_start3A_118 = arith.constant 0 : i32
    %dma_start3A_119 = tpu.memref_slice %arg11[%dma_start3A_117, %dma_start3A_118] : memref<62500x16xf32, #tpu.memory_space<hbm>> -> memref<62500x16xf32, #tpu.memory_space<hbm>>
    tpu.enqueue_indirect_dma source(%dma_start3A_119 : memref<62500x16xf32, #tpu.memory_space<hbm>>) target(%arg84 : memref<512x16xf32, #tpu.memory_space<vmem>>) offsets(%arg64 : memref<512xi32, #tpu.memory_space<vmem>>) semaphore(%arg90 : memref<!tpu.dma_semaphore, #tpu.memory_space<semaphore_mem>>)
    %dma_wait3A_120 = arith.constant 0 : i32
    %dma_wait3A_121 = arith.constant 0 : i32
    %dma_wait3A_122 = tpu.memref_slice %arg6[%dma_wait3A_120, %dma_wait3A_121] : memref<62500x16xf32, #tpu.memory_space<hbm>> -> memref<62500x16xf32, #tpu.memory_space<hbm>>
    tpu.wait_indirect_dma semaphore(%arg91 : memref<!tpu.dma_semaphore, #tpu.memory_space<semaphore_mem>>) src(%dma_wait3A_122 : memref<62500x16xf32, #tpu.memory_space<hbm>>) dst(%arg85 : memref<512x16xf32, #tpu.memory_space<vmem>>)
    %scan3A_123 = arith.constant 0 : i32
    %scan3A_124 = arith.constant 32 : i32
    %scan3A_125 = arith.addi %scan3A_123, %scan3A_124 : i32
    %scan3A_126 = arith.constant 1 : i32
    scf.for %scan3A_377 = %scan3A_123 to %scan3A_125 step %scan3A_126  : i32 {
      %mul3A_378 = arith.constant 16 : i32
      %mul3A_379 = arith.muli %scan3A_377, %mul3A_378 : i32
      %get3A_380 = arith.index_cast %mul3A_379 : i32 to index
      %get3A_381 = tpu.vector_load %arg33[%get3A_380] {strides = array<i32>} : memref<512xi32, #tpu.memory_space<vmem>>, vector<16xi32>,
      %add3A_382 = vector.broadcast %mul3A_379 : i32 to vector<16xi32>
      %add3A_383 = arith.addi %add3A_382, %iota3A : vector<16xi32>
      %gather3A = tpu.vector_load_idx %arg85[%add3A_383, %get3A_381] : memref<512x16xf32, #tpu.memory_space<vmem>>[vector<16xi32>, vector<16xi32>], vector<16xf32>,
      %get3A_384 = arith.index_cast %mul3A_379 : i32 to index
      %get3A_385 = tpu.vector_load %arg99[%get3A_384] {strides = array<i32>} : memref<512xf32, #tpu.memory_space<vmem>>, vector<16xf32>,
      %add3A_386 = arith.addf %get3A_385, %gather3A : vector<16xf32>
      %swap3A = arith.index_cast %mul3A_379 : i32 to index
      %swap3A_387 = tpu.vector_load %arg99[%swap3A] {strides = array<i32>} : memref<512xf32, #tpu.memory_space<vmem>>, vector<16xf32>,
      tpu.vector_store %arg99[%swap3A], %add3A_386 {strides = array<i32>} : memref<512xf32, #tpu.memory_space<vmem>>, vector<16xf32>,
    }
    %scan3A_127 = arith.constant 32 : i32
    %dma_start3A_128 = arith.constant 0 : i32
    %dma_start3A_129 = arith.constant 0 : i32
    %dma_start3A_130 = tpu.memref_slice %arg12[%dma_start3A_128, %dma_start3A_129] : memref<62500x16xf32, #tpu.memory_space<hbm>> -> memref<62500x16xf32, #tpu.memory_space<hbm>>
    tpu.enqueue_indirect_dma source(%dma_start3A_130 : memref<62500x16xf32, #tpu.memory_space<hbm>>) target(%arg85 : memref<512x16xf32, #tpu.memory_space<vmem>>) offsets(%arg65 : memref<512xi32, #tpu.memory_space<vmem>>) semaphore(%arg91 : memref<!tpu.dma_semaphore, #tpu.memory_space<semaphore_mem>>)
    %dma_wait3A_131 = arith.constant 0 : i32
    %dma_wait3A_132 = arith.constant 0 : i32
    %dma_wait3A_133 = tpu.memref_slice %arg7[%dma_wait3A_131, %dma_wait3A_132] : memref<62500x16xf32, #tpu.memory_space<hbm>> -> memref<62500x16xf32, #tpu.memory_space<hbm>>
    tpu.wait_indirect_dma semaphore(%arg92 : memref<!tpu.dma_semaphore, #tpu.memory_space<semaphore_mem>>) src(%dma_wait3A_133 : memref<62500x16xf32, #tpu.memory_space<hbm>>) dst(%arg86 : memref<512x16xf32, #tpu.memory_space<vmem>>)
    %scan3A_134 = arith.constant 0 : i32
    %scan3A_135 = arith.constant 32 : i32
    %scan3A_136 = arith.addi %scan3A_134, %scan3A_135 : i32
    %scan3A_137 = arith.constant 1 : i32
    scf.for %scan3A_377 = %scan3A_134 to %scan3A_136 step %scan3A_137  : i32 {
      %mul3A_378 = arith.constant 16 : i32
      %mul3A_379 = arith.muli %scan3A_377, %mul3A_378 : i32
      %get3A_380 = arith.index_cast %mul3A_379 : i32 to index
      %get3A_381 = tpu.vector_load %arg34[%get3A_380] {strides = array<i32>} : memref<512xi32, #tpu.memory_space<vmem>>, vector<16xi32>,
      %add3A_382 = vector.broadcast %mul3A_379 : i32 to vector<16xi32>
      %add3A_383 = arith.addi %add3A_382, %iota3A : vector<16xi32>
      %gather3A = tpu.vector_load_idx %arg86[%add3A_383, %get3A_381] : memref<512x16xf32, #tpu.memory_space<vmem>>[vector<16xi32>, vector<16xi32>], vector<16xf32>,
      %get3A_384 = arith.index_cast %mul3A_379 : i32 to index
      %get3A_385 = tpu.vector_load %arg99[%get3A_384] {strides = array<i32>} : memref<512xf32, #tpu.memory_space<vmem>>, vector<16xf32>,
      %add3A_386 = arith.addf %get3A_385, %gather3A : vector<16xf32>
      %swap3A = arith.index_cast %mul3A_379 : i32 to index
      %swap3A_387 = tpu.vector_load %arg99[%swap3A] {strides = array<i32>} : memref<512xf32, #tpu.memory_space<vmem>>, vector<16xf32>,
      tpu.vector_store %arg99[%swap3A], %add3A_386 {strides = array<i32>} : memref<512xf32, #tpu.memory_space<vmem>>, vector<16xf32>,
    }
    %scan3A_138 = arith.constant 32 : i32
    %dma_start3A_139 = arith.constant 0 : i32
    %dma_start3A_140 = arith.constant 0 : i32
    %dma_start3A_141 = tpu.memref_slice %arg13[%dma_start3A_139, %dma_start3A_140] : memref<62500x16xf32, #tpu.memory_space<hbm>> -> memref<62500x16xf32, #tpu.memory_space<hbm>>
    tpu.enqueue_indirect_dma source(%dma_start3A_141 : memref<62500x16xf32, #tpu.memory_space<hbm>>) target(%arg86 : memref<512x16xf32, #tpu.memory_space<vmem>>) offsets(%arg66 : memref<512xi32, #tpu.memory_space<vmem>>) semaphore(%arg92 : memref<!tpu.dma_semaphore, #tpu.memory_space<semaphore_mem>>)
    %dma_wait3A_142 = arith.constant 0 : i32
    %dma_wait3A_143 = arith.constant 0 : i32
    %dma_wait3A_144 = tpu.memref_slice %arg8[%dma_wait3A_142, %dma_wait3A_143] : memref<62500x16xf32, #tpu.memory_space<hbm>> -> memref<62500x16xf32, #tpu.memory_space<hbm>>
    tpu.wait_indirect_dma semaphore(%arg93 : memref<!tpu.dma_semaphore, #tpu.memory_space<semaphore_mem>>) src(%dma_wait3A_144 : memref<62500x16xf32, #tpu.memory_space<hbm>>) dst(%arg87 : memref<512x16xf32, #tpu.memory_space<vmem>>)
    %scan3A_145 = arith.constant 0 : i32
    %scan3A_146 = arith.constant 32 : i32
    %scan3A_147 = arith.addi %scan3A_145, %scan3A_146 : i32
    %scan3A_148 = arith.constant 1 : i32
    scf.for %scan3A_377 = %scan3A_145 to %scan3A_147 step %scan3A_148  : i32 {
      %mul3A_378 = arith.constant 16 : i32
      %mul3A_379 = arith.muli %scan3A_377, %mul3A_378 : i32
      %get3A_380 = arith.index_cast %mul3A_379 : i32 to index
      %get3A_381 = tpu.vector_load %arg35[%get3A_380] {strides = array<i32>} : memref<512xi32, #tpu.memory_space<vmem>>, vector<16xi32>,
      %add3A_382 = vector.broadcast %mul3A_379 : i32 to vector<16xi32>
      %add3A_383 = arith.addi %add3A_382, %iota3A : vector<16xi32>
      %gather3A = tpu.vector_load_idx %arg87[%add3A_383, %get3A_381] : memref<512x16xf32, #tpu.memory_space<vmem>>[vector<16xi32>, vector<16xi32>], vector<16xf32>,
      %get3A_384 = arith.index_cast %mul3A_379 : i32 to index
      %get3A_385 = tpu.vector_load %arg99[%get3A_384] {strides = array<i32>} : memref<512xf32, #tpu.memory_space<vmem>>, vector<16xf32>,
      %add3A_386 = arith.addf %get3A_385, %gather3A : vector<16xf32>
      %swap3A = arith.index_cast %mul3A_379 : i32 to index
      %swap3A_387 = tpu.vector_load %arg99[%swap3A] {strides = array<i32>} : memref<512xf32, #tpu.memory_space<vmem>>, vector<16xf32>,
      tpu.vector_store %arg99[%swap3A], %add3A_386 {strides = array<i32>} : memref<512xf32, #tpu.memory_space<vmem>>, vector<16xf32>,
    }
    %scan3A_149 = arith.constant 32 : i32
    %dma_start3A_150 = arith.constant 0 : i32
    %dma_start3A_151 = arith.constant 0 : i32
    %dma_start3A_152 = tpu.memref_slice %arg14[%dma_start3A_150, %dma_start3A_151] : memref<62500x16xf32, #tpu.memory_space<hbm>> -> memref<62500x16xf32, #tpu.memory_space<hbm>>
    tpu.enqueue_indirect_dma source(%dma_start3A_152 : memref<62500x16xf32, #tpu.memory_space<hbm>>) target(%arg87 : memref<512x16xf32, #tpu.memory_space<vmem>>) offsets(%arg67 : memref<512xi32, #tpu.memory_space<vmem>>) semaphore(%arg93 : memref<!tpu.dma_semaphore, #tpu.memory_space<semaphore_mem>>)
    %dma_wait3A_153 = arith.constant 0 : i32
    %dma_wait3A_154 = arith.constant 0 : i32
    %dma_wait3A_155 = tpu.memref_slice %arg9[%dma_wait3A_153, %dma_wait3A_154] : memref<62500x16xf32, #tpu.memory_space<hbm>> -> memref<62500x16xf32, #tpu.memory_space<hbm>>
    tpu.wait_indirect_dma semaphore(%arg94 : memref<!tpu.dma_semaphore, #tpu.memory_space<semaphore_mem>>) src(%dma_wait3A_155 : memref<62500x16xf32, #tpu.memory_space<hbm>>) dst(%arg88 : memref<512x16xf32, #tpu.memory_space<vmem>>)
    %scan3A_156 = arith.constant 0 : i32
    %scan3A_157 = arith.constant 32 : i32
    %scan3A_158 = arith.addi %scan3A_156, %scan3A_157 : i32
    %scan3A_159 = arith.constant 1 : i32
    scf.for %scan3A_377 = %scan3A_156 to %scan3A_158 step %scan3A_159  : i32 {
      %mul3A_378 = arith.constant 16 : i32
      %mul3A_379 = arith.muli %scan3A_377, %mul3A_378 : i32
      %get3A_380 = arith.index_cast %mul3A_379 : i32 to index
      %get3A_381 = tpu.vector_load %arg36[%get3A_380] {strides = array<i32>} : memref<512xi32, #tpu.memory_space<vmem>>, vector<16xi32>,
      %add3A_382 = vector.broadcast %mul3A_379 : i32 to vector<16xi32>
      %add3A_383 = arith.addi %add3A_382, %iota3A : vector<16xi32>
      %gather3A = tpu.vector_load_idx %arg88[%add3A_383, %get3A_381] : memref<512x16xf32, #tpu.memory_space<vmem>>[vector<16xi32>, vector<16xi32>], vector<16xf32>,
      %get3A_384 = arith.index_cast %mul3A_379 : i32 to index
      %get3A_385 = tpu.vector_load %arg99[%get3A_384] {strides = array<i32>} : memref<512xf32, #tpu.memory_space<vmem>>, vector<16xf32>,
      %add3A_386 = arith.addf %get3A_385, %gather3A : vector<16xf32>
      %swap3A = arith.index_cast %mul3A_379 : i32 to index
      %swap3A_387 = tpu.vector_load %arg99[%swap3A] {strides = array<i32>} : memref<512xf32, #tpu.memory_space<vmem>>, vector<16xf32>,
      tpu.vector_store %arg99[%swap3A], %add3A_386 {strides = array<i32>} : memref<512xf32, #tpu.memory_space<vmem>>, vector<16xf32>,
    }
    %scan3A_160 = arith.constant 32 : i32
    %dma_start3A_161 = arith.constant 0 : i32
    %dma_start3A_162 = arith.constant 0 : i32
    %dma_start3A_163 = tpu.memref_slice %arg15[%dma_start3A_161, %dma_start3A_162] : memref<62500x16xf32, #tpu.memory_space<hbm>> -> memref<62500x16xf32, #tpu.memory_space<hbm>>
    tpu.enqueue_indirect_dma source(%dma_start3A_163 : memref<62500x16xf32, #tpu.memory_space<hbm>>) target(%arg88 : memref<512x16xf32, #tpu.memory_space<vmem>>) offsets(%arg68 : memref<512xi32, #tpu.memory_space<vmem>>) semaphore(%arg94 : memref<!tpu.dma_semaphore, #tpu.memory_space<semaphore_mem>>)
    %dma_wait3A_164 = arith.constant 0 : i32
    %dma_wait3A_165 = arith.constant 0 : i32
    %dma_wait3A_166 = tpu.memref_slice %arg10[%dma_wait3A_164, %dma_wait3A_165] : memref<62500x16xf32, #tpu.memory_space<hbm>> -> memref<62500x16xf32, #tpu.memory_space<hbm>>
    tpu.wait_indirect_dma semaphore(%arg95 : memref<!tpu.dma_semaphore, #tpu.memory_space<semaphore_mem>>) src(%dma_wait3A_166 : memref<62500x16xf32, #tpu.memory_space<hbm>>) dst(%arg89 : memref<512x16xf32, #tpu.memory_space<vmem>>)
    %scan3A_167 = arith.constant 0 : i32
    %scan3A_168 = arith.constant 32 : i32
    %scan3A_169 = arith.addi %scan3A_167, %scan3A_168 : i32
    %scan3A_170 = arith.constant 1 : i32
    scf.for %scan3A_377 = %scan3A_167 to %scan3A_169 step %scan3A_170  : i32 {
      %mul3A_378 = arith.constant 16 : i32
      %mul3A_379 = arith.muli %scan3A_377, %mul3A_378 : i32
      %get3A_380 = arith.index_cast %mul3A_379 : i32 to index
      %get3A_381 = tpu.vector_load %arg37[%get3A_380] {strides = array<i32>} : memref<512xi32, #tpu.memory_space<vmem>>, vector<16xi32>,
      %add3A_382 = vector.broadcast %mul3A_379 : i32 to vector<16xi32>
      %add3A_383 = arith.addi %add3A_382, %iota3A : vector<16xi32>
      %gather3A = tpu.vector_load_idx %arg89[%add3A_383, %get3A_381] : memref<512x16xf32, #tpu.memory_space<vmem>>[vector<16xi32>, vector<16xi32>], vector<16xf32>,
      %get3A_384 = arith.index_cast %mul3A_379 : i32 to index
      %get3A_385 = tpu.vector_load %arg99[%get3A_384] {strides = array<i32>} : memref<512xf32, #tpu.memory_space<vmem>>, vector<16xf32>,
      %add3A_386 = arith.addf %get3A_385, %gather3A : vector<16xf32>
      %swap3A = arith.index_cast %mul3A_379 : i32 to index
      %swap3A_387 = tpu.vector_load %arg99[%swap3A] {strides = array<i32>} : memref<512xf32, #tpu.memory_space<vmem>>, vector<16xf32>,
      tpu.vector_store %arg99[%swap3A], %add3A_386 {strides = array<i32>} : memref<512xf32, #tpu.memory_space<vmem>>, vector<16xf32>,
    }
    %scan3A_171 = arith.constant 32 : i32
    %dma_start3A_172 = arith.constant 0 : i32
    %dma_start3A_173 = arith.constant 0 : i32
    %dma_start3A_174 = tpu.memref_slice %arg16[%dma_start3A_172, %dma_start3A_173] : memref<62500x16xf32, #tpu.memory_space<hbm>> -> memref<62500x16xf32, #tpu.memory_space<hbm>>
    tpu.enqueue_indirect_dma source(%dma_start3A_174 : memref<62500x16xf32, #tpu.memory_space<hbm>>) target(%arg89 : memref<512x16xf32, #tpu.memory_space<vmem>>) offsets(%arg69 : memref<512xi32, #tpu.memory_space<vmem>>) semaphore(%arg95 : memref<!tpu.dma_semaphore, #tpu.memory_space<semaphore_mem>>)
    %dma_wait3A_175 = arith.constant 0 : i32
    %dma_wait3A_176 = arith.constant 0 : i32
    %dma_wait3A_177 = tpu.memref_slice %arg11[%dma_wait3A_175, %dma_wait3A_176] : memref<62500x16xf32, #tpu.memory_space<hbm>> -> memref<62500x16xf32, #tpu.memory_space<hbm>>
    tpu.wait_indirect_dma semaphore(%arg90 : memref<!tpu.dma_semaphore, #tpu.memory_space<semaphore_mem>>) src(%dma_wait3A_177 : memref<62500x16xf32, #tpu.memory_space<hbm>>) dst(%arg84 : memref<512x16xf32, #tpu.memory_space<vmem>>)
    %scan3A_178 = arith.constant 0 : i32
    %scan3A_179 = arith.constant 32 : i32
    %scan3A_180 = arith.addi %scan3A_178, %scan3A_179 : i32
    %scan3A_181 = arith.constant 1 : i32
    scf.for %scan3A_377 = %scan3A_178 to %scan3A_180 step %scan3A_181  : i32 {
      %mul3A_378 = arith.constant 16 : i32
      %mul3A_379 = arith.muli %scan3A_377, %mul3A_378 : i32
      %get3A_380 = arith.index_cast %mul3A_379 : i32 to index
      %get3A_381 = tpu.vector_load %arg38[%get3A_380] {strides = array<i32>} : memref<512xi32, #tpu.memory_space<vmem>>, vector<16xi32>,
      %add3A_382 = vector.broadcast %mul3A_379 : i32 to vector<16xi32>
      %add3A_383 = arith.addi %add3A_382, %iota3A : vector<16xi32>
      %gather3A = tpu.vector_load_idx %arg84[%add3A_383, %get3A_381] : memref<512x16xf32, #tpu.memory_space<vmem>>[vector<16xi32>, vector<16xi32>], vector<16xf32>,
      %get3A_384 = arith.index_cast %mul3A_379 : i32 to index
      %get3A_385 = tpu.vector_load %arg99[%get3A_384] {strides = array<i32>} : memref<512xf32, #tpu.memory_space<vmem>>, vector<16xf32>,
      %add3A_386 = arith.addf %get3A_385, %gather3A : vector<16xf32>
      %swap3A = arith.index_cast %mul3A_379 : i32 to index
      %swap3A_387 = tpu.vector_load %arg99[%swap3A] {strides = array<i32>} : memref<512xf32, #tpu.memory_space<vmem>>, vector<16xf32>,
      tpu.vector_store %arg99[%swap3A], %add3A_386 {strides = array<i32>} : memref<512xf32, #tpu.memory_space<vmem>>, vector<16xf32>,
    }
    %scan3A_182 = arith.constant 32 : i32
    %dma_start3A_183 = arith.constant 0 : i32
    %dma_start3A_184 = arith.constant 0 : i32
    %dma_start3A_185 = tpu.memref_slice %arg17[%dma_start3A_183, %dma_start3A_184] : memref<62500x16xf32, #tpu.memory_space<hbm>> -> memref<62500x16xf32, #tpu.memory_space<hbm>>
    tpu.enqueue_indirect_dma source(%dma_start3A_185 : memref<62500x16xf32, #tpu.memory_space<hbm>>) target(%arg84 : memref<512x16xf32, #tpu.memory_space<vmem>>) offsets(%arg70 : memref<512xi32, #tpu.memory_space<vmem>>) semaphore(%arg90 : memref<!tpu.dma_semaphore, #tpu.memory_space<semaphore_mem>>)
    %dma_wait3A_186 = arith.constant 0 : i32
    %dma_wait3A_187 = arith.constant 0 : i32
    %dma_wait3A_188 = tpu.memref_slice %arg12[%dma_wait3A_186, %dma_wait3A_187] : memref<62500x16xf32, #tpu.memory_space<hbm>> -> memref<62500x16xf32, #tpu.memory_space<hbm>>
    tpu.wait_indirect_dma semaphore(%arg91 : memref<!tpu.dma_semaphore, #tpu.memory_space<semaphore_mem>>) src(%dma_wait3A_188 : memref<62500x16xf32, #tpu.memory_space<hbm>>) dst(%arg85 : memref<512x16xf32, #tpu.memory_space<vmem>>)
    %scan3A_189 = arith.constant 0 : i32
    %scan3A_190 = arith.constant 32 : i32
    %scan3A_191 = arith.addi %scan3A_189, %scan3A_190 : i32
    %scan3A_192 = arith.constant 1 : i32
    scf.for %scan3A_377 = %scan3A_189 to %scan3A_191 step %scan3A_192  : i32 {
      %mul3A_378 = arith.constant 16 : i32
      %mul3A_379 = arith.muli %scan3A_377, %mul3A_378 : i32
      %get3A_380 = arith.index_cast %mul3A_379 : i32 to index
      %get3A_381 = tpu.vector_load %arg39[%get3A_380] {strides = array<i32>} : memref<512xi32, #tpu.memory_space<vmem>>, vector<16xi32>,
      %add3A_382 = vector.broadcast %mul3A_379 : i32 to vector<16xi32>
      %add3A_383 = arith.addi %add3A_382, %iota3A : vector<16xi32>
      %gather3A = tpu.vector_load_idx %arg85[%add3A_383, %get3A_381] : memref<512x16xf32, #tpu.memory_space<vmem>>[vector<16xi32>, vector<16xi32>], vector<16xf32>,
      %get3A_384 = arith.index_cast %mul3A_379 : i32 to index
      %get3A_385 = tpu.vector_load %arg99[%get3A_384] {strides = array<i32>} : memref<512xf32, #tpu.memory_space<vmem>>, vector<16xf32>,
      %add3A_386 = arith.addf %get3A_385, %gather3A : vector<16xf32>
      %swap3A = arith.index_cast %mul3A_379 : i32 to index
      %swap3A_387 = tpu.vector_load %arg99[%swap3A] {strides = array<i32>} : memref<512xf32, #tpu.memory_space<vmem>>, vector<16xf32>,
      tpu.vector_store %arg99[%swap3A], %add3A_386 {strides = array<i32>} : memref<512xf32, #tpu.memory_space<vmem>>, vector<16xf32>,
    }
    %scan3A_193 = arith.constant 32 : i32
    %dma_start3A_194 = arith.constant 0 : i32
    %dma_start3A_195 = arith.constant 0 : i32
    %dma_start3A_196 = tpu.memref_slice %arg18[%dma_start3A_194, %dma_start3A_195] : memref<62500x16xf32, #tpu.memory_space<hbm>> -> memref<62500x16xf32, #tpu.memory_space<hbm>>
    tpu.enqueue_indirect_dma source(%dma_start3A_196 : memref<62500x16xf32, #tpu.memory_space<hbm>>) target(%arg85 : memref<512x16xf32, #tpu.memory_space<vmem>>) offsets(%arg71 : memref<512xi32, #tpu.memory_space<vmem>>) semaphore(%arg91 : memref<!tpu.dma_semaphore, #tpu.memory_space<semaphore_mem>>)
    %dma_wait3A_197 = arith.constant 0 : i32
    %dma_wait3A_198 = arith.constant 0 : i32
    %dma_wait3A_199 = tpu.memref_slice %arg13[%dma_wait3A_197, %dma_wait3A_198] : memref<62500x16xf32, #tpu.memory_space<hbm>> -> memref<62500x16xf32, #tpu.memory_space<hbm>>
    tpu.wait_indirect_dma semaphore(%arg92 : memref<!tpu.dma_semaphore, #tpu.memory_space<semaphore_mem>>) src(%dma_wait3A_199 : memref<62500x16xf32, #tpu.memory_space<hbm>>) dst(%arg86 : memref<512x16xf32, #tpu.memory_space<vmem>>)
    %scan3A_200 = arith.constant 0 : i32
    %scan3A_201 = arith.constant 32 : i32
    %scan3A_202 = arith.addi %scan3A_200, %scan3A_201 : i32
    %scan3A_203 = arith.constant 1 : i32
    scf.for %scan3A_377 = %scan3A_200 to %scan3A_202 step %scan3A_203  : i32 {
      %mul3A_378 = arith.constant 16 : i32
      %mul3A_379 = arith.muli %scan3A_377, %mul3A_378 : i32
      %get3A_380 = arith.index_cast %mul3A_379 : i32 to index
      %get3A_381 = tpu.vector_load %arg40[%get3A_380] {strides = array<i32>} : memref<512xi32, #tpu.memory_space<vmem>>, vector<16xi32>,
      %add3A_382 = vector.broadcast %mul3A_379 : i32 to vector<16xi32>
      %add3A_383 = arith.addi %add3A_382, %iota3A : vector<16xi32>
      %gather3A = tpu.vector_load_idx %arg86[%add3A_383, %get3A_381] : memref<512x16xf32, #tpu.memory_space<vmem>>[vector<16xi32>, vector<16xi32>], vector<16xf32>,
      %get3A_384 = arith.index_cast %mul3A_379 : i32 to index
      %get3A_385 = tpu.vector_load %arg99[%get3A_384] {strides = array<i32>} : memref<512xf32, #tpu.memory_space<vmem>>, vector<16xf32>,
      %add3A_386 = arith.addf %get3A_385, %gather3A : vector<16xf32>
      %swap3A = arith.index_cast %mul3A_379 : i32 to index
      %swap3A_387 = tpu.vector_load %arg99[%swap3A] {strides = array<i32>} : memref<512xf32, #tpu.memory_space<vmem>>, vector<16xf32>,
      tpu.vector_store %arg99[%swap3A], %add3A_386 {strides = array<i32>} : memref<512xf32, #tpu.memory_space<vmem>>, vector<16xf32>,
    }
    %scan3A_204 = arith.constant 32 : i32
    %dma_start3A_205 = arith.constant 0 : i32
    %dma_start3A_206 = arith.constant 0 : i32
    %dma_start3A_207 = tpu.memref_slice %arg19[%dma_start3A_205, %dma_start3A_206] : memref<62500x16xf32, #tpu.memory_space<hbm>> -> memref<62500x16xf32, #tpu.memory_space<hbm>>
    tpu.enqueue_indirect_dma source(%dma_start3A_207 : memref<62500x16xf32, #tpu.memory_space<hbm>>) target(%arg86 : memref<512x16xf32, #tpu.memory_space<vmem>>) offsets(%arg72 : memref<512xi32, #tpu.memory_space<vmem>>) semaphore(%arg92 : memref<!tpu.dma_semaphore, #tpu.memory_space<semaphore_mem>>)
    %dma_wait3A_208 = arith.constant 0 : i32
    %dma_wait3A_209 = arith.constant 0 : i32
    %dma_wait3A_210 = tpu.memref_slice %arg14[%dma_wait3A_208, %dma_wait3A_209] : memref<62500x16xf32, #tpu.memory_space<hbm>> -> memref<62500x16xf32, #tpu.memory_space<hbm>>
    tpu.wait_indirect_dma semaphore(%arg93 : memref<!tpu.dma_semaphore, #tpu.memory_space<semaphore_mem>>) src(%dma_wait3A_210 : memref<62500x16xf32, #tpu.memory_space<hbm>>) dst(%arg87 : memref<512x16xf32, #tpu.memory_space<vmem>>)
    %scan3A_211 = arith.constant 0 : i32
    %scan3A_212 = arith.constant 32 : i32
    %scan3A_213 = arith.addi %scan3A_211, %scan3A_212 : i32
    %scan3A_214 = arith.constant 1 : i32
    scf.for %scan3A_377 = %scan3A_211 to %scan3A_213 step %scan3A_214  : i32 {
      %mul3A_378 = arith.constant 16 : i32
      %mul3A_379 = arith.muli %scan3A_377, %mul3A_378 : i32
      %get3A_380 = arith.index_cast %mul3A_379 : i32 to index
      %get3A_381 = tpu.vector_load %arg41[%get3A_380] {strides = array<i32>} : memref<512xi32, #tpu.memory_space<vmem>>, vector<16xi32>,
      %add3A_382 = vector.broadcast %mul3A_379 : i32 to vector<16xi32>
      %add3A_383 = arith.addi %add3A_382, %iota3A : vector<16xi32>
      %gather3A = tpu.vector_load_idx %arg87[%add3A_383, %get3A_381] : memref<512x16xf32, #tpu.memory_space<vmem>>[vector<16xi32>, vector<16xi32>], vector<16xf32>,
      %get3A_384 = arith.index_cast %mul3A_379 : i32 to index
      %get3A_385 = tpu.vector_load %arg99[%get3A_384] {strides = array<i32>} : memref<512xf32, #tpu.memory_space<vmem>>, vector<16xf32>,
      %add3A_386 = arith.addf %get3A_385, %gather3A : vector<16xf32>
      %swap3A = arith.index_cast %mul3A_379 : i32 to index
      %swap3A_387 = tpu.vector_load %arg99[%swap3A] {strides = array<i32>} : memref<512xf32, #tpu.memory_space<vmem>>, vector<16xf32>,
      tpu.vector_store %arg99[%swap3A], %add3A_386 {strides = array<i32>} : memref<512xf32, #tpu.memory_space<vmem>>, vector<16xf32>,
    }
    %scan3A_215 = arith.constant 32 : i32
    %dma_start3A_216 = arith.constant 0 : i32
    %dma_start3A_217 = arith.constant 0 : i32
    %dma_start3A_218 = tpu.memref_slice %arg20[%dma_start3A_216, %dma_start3A_217] : memref<62500x16xf32, #tpu.memory_space<hbm>> -> memref<62500x16xf32, #tpu.memory_space<hbm>>
    tpu.enqueue_indirect_dma source(%dma_start3A_218 : memref<62500x16xf32, #tpu.memory_space<hbm>>) target(%arg87 : memref<512x16xf32, #tpu.memory_space<vmem>>) offsets(%arg73 : memref<512xi32, #tpu.memory_space<vmem>>) semaphore(%arg93 : memref<!tpu.dma_semaphore, #tpu.memory_space<semaphore_mem>>)
    %dma_wait3A_219 = arith.constant 0 : i32
    %dma_wait3A_220 = arith.constant 0 : i32
    %dma_wait3A_221 = tpu.memref_slice %arg15[%dma_wait3A_219, %dma_wait3A_220] : memref<62500x16xf32, #tpu.memory_space<hbm>> -> memref<62500x16xf32, #tpu.memory_space<hbm>>
    tpu.wait_indirect_dma semaphore(%arg94 : memref<!tpu.dma_semaphore, #tpu.memory_space<semaphore_mem>>) src(%dma_wait3A_221 : memref<62500x16xf32, #tpu.memory_space<hbm>>) dst(%arg88 : memref<512x16xf32, #tpu.memory_space<vmem>>)
    %scan3A_222 = arith.constant 0 : i32
    %scan3A_223 = arith.constant 32 : i32
    %scan3A_224 = arith.addi %scan3A_222, %scan3A_223 : i32
    %scan3A_225 = arith.constant 1 : i32
    scf.for %scan3A_377 = %scan3A_222 to %scan3A_224 step %scan3A_225  : i32 {
      %mul3A_378 = arith.constant 16 : i32
      %mul3A_379 = arith.muli %scan3A_377, %mul3A_378 : i32
      %get3A_380 = arith.index_cast %mul3A_379 : i32 to index
      %get3A_381 = tpu.vector_load %arg42[%get3A_380] {strides = array<i32>} : memref<512xi32, #tpu.memory_space<vmem>>, vector<16xi32>,
      %add3A_382 = vector.broadcast %mul3A_379 : i32 to vector<16xi32>
      %add3A_383 = arith.addi %add3A_382, %iota3A : vector<16xi32>
      %gather3A = tpu.vector_load_idx %arg88[%add3A_383, %get3A_381] : memref<512x16xf32, #tpu.memory_space<vmem>>[vector<16xi32>, vector<16xi32>], vector<16xf32>,
      %get3A_384 = arith.index_cast %mul3A_379 : i32 to index
      %get3A_385 = tpu.vector_load %arg99[%get3A_384] {strides = array<i32>} : memref<512xf32, #tpu.memory_space<vmem>>, vector<16xf32>,
      %add3A_386 = arith.addf %get3A_385, %gather3A : vector<16xf32>
      %swap3A = arith.index_cast %mul3A_379 : i32 to index
      %swap3A_387 = tpu.vector_load %arg99[%swap3A] {strides = array<i32>} : memref<512xf32, #tpu.memory_space<vmem>>, vector<16xf32>,
      tpu.vector_store %arg99[%swap3A], %add3A_386 {strides = array<i32>} : memref<512xf32, #tpu.memory_space<vmem>>, vector<16xf32>,
    }
    %scan3A_226 = arith.constant 32 : i32
    %dma_start3A_227 = arith.constant 0 : i32
    %dma_start3A_228 = arith.constant 0 : i32
    %dma_start3A_229 = tpu.memref_slice %arg21[%dma_start3A_227, %dma_start3A_228] : memref<62500x16xf32, #tpu.memory_space<hbm>> -> memref<62500x16xf32, #tpu.memory_space<hbm>>
    tpu.enqueue_indirect_dma source(%dma_start3A_229 : memref<62500x16xf32, #tpu.memory_space<hbm>>) target(%arg88 : memref<512x16xf32, #tpu.memory_space<vmem>>) offsets(%arg74 : memref<512xi32, #tpu.memory_space<vmem>>) semaphore(%arg94 : memref<!tpu.dma_semaphore, #tpu.memory_space<semaphore_mem>>)
    %dma_wait3A_230 = arith.constant 0 : i32
    %dma_wait3A_231 = arith.constant 0 : i32
    %dma_wait3A_232 = tpu.memref_slice %arg16[%dma_wait3A_230, %dma_wait3A_231] : memref<62500x16xf32, #tpu.memory_space<hbm>> -> memref<62500x16xf32, #tpu.memory_space<hbm>>
    tpu.wait_indirect_dma semaphore(%arg95 : memref<!tpu.dma_semaphore, #tpu.memory_space<semaphore_mem>>) src(%dma_wait3A_232 : memref<62500x16xf32, #tpu.memory_space<hbm>>) dst(%arg89 : memref<512x16xf32, #tpu.memory_space<vmem>>)
    %scan3A_233 = arith.constant 0 : i32
    %scan3A_234 = arith.constant 32 : i32
    %scan3A_235 = arith.addi %scan3A_233, %scan3A_234 : i32
    %scan3A_236 = arith.constant 1 : i32
    scf.for %scan3A_377 = %scan3A_233 to %scan3A_235 step %scan3A_236  : i32 {
      %mul3A_378 = arith.constant 16 : i32
      %mul3A_379 = arith.muli %scan3A_377, %mul3A_378 : i32
      %get3A_380 = arith.index_cast %mul3A_379 : i32 to index
      %get3A_381 = tpu.vector_load %arg43[%get3A_380] {strides = array<i32>} : memref<512xi32, #tpu.memory_space<vmem>>, vector<16xi32>,
      %add3A_382 = vector.broadcast %mul3A_379 : i32 to vector<16xi32>
      %add3A_383 = arith.addi %add3A_382, %iota3A : vector<16xi32>
      %gather3A = tpu.vector_load_idx %arg89[%add3A_383, %get3A_381] : memref<512x16xf32, #tpu.memory_space<vmem>>[vector<16xi32>, vector<16xi32>], vector<16xf32>,
      %get3A_384 = arith.index_cast %mul3A_379 : i32 to index
      %get3A_385 = tpu.vector_load %arg99[%get3A_384] {strides = array<i32>} : memref<512xf32, #tpu.memory_space<vmem>>, vector<16xf32>,
      %add3A_386 = arith.addf %get3A_385, %gather3A : vector<16xf32>
      %swap3A = arith.index_cast %mul3A_379 : i32 to index
      %swap3A_387 = tpu.vector_load %arg99[%swap3A] {strides = array<i32>} : memref<512xf32, #tpu.memory_space<vmem>>, vector<16xf32>,
      tpu.vector_store %arg99[%swap3A], %add3A_386 {strides = array<i32>} : memref<512xf32, #tpu.memory_space<vmem>>, vector<16xf32>,
    }
    %scan3A_237 = arith.constant 32 : i32
    %dma_start3A_238 = arith.constant 0 : i32
    %dma_start3A_239 = arith.constant 0 : i32
    %dma_start3A_240 = tpu.memref_slice %arg22[%dma_start3A_238, %dma_start3A_239] : memref<62500x16xf32, #tpu.memory_space<hbm>> -> memref<62500x16xf32, #tpu.memory_space<hbm>>
    tpu.enqueue_indirect_dma source(%dma_start3A_240 : memref<62500x16xf32, #tpu.memory_space<hbm>>) target(%arg89 : memref<512x16xf32, #tpu.memory_space<vmem>>) offsets(%arg75 : memref<512xi32, #tpu.memory_space<vmem>>) semaphore(%arg95 : memref<!tpu.dma_semaphore, #tpu.memory_space<semaphore_mem>>)
    %dma_wait3A_241 = arith.constant 0 : i32
    %dma_wait3A_242 = arith.constant 0 : i32
    %dma_wait3A_243 = tpu.memref_slice %arg17[%dma_wait3A_241, %dma_wait3A_242] : memref<62500x16xf32, #tpu.memory_space<hbm>> -> memref<62500x16xf32, #tpu.memory_space<hbm>>
    tpu.wait_indirect_dma semaphore(%arg90 : memref<!tpu.dma_semaphore, #tpu.memory_space<semaphore_mem>>) src(%dma_wait3A_243 : memref<62500x16xf32, #tpu.memory_space<hbm>>) dst(%arg84 : memref<512x16xf32, #tpu.memory_space<vmem>>)
    %scan3A_244 = arith.constant 0 : i32
    %scan3A_245 = arith.constant 32 : i32
    %scan3A_246 = arith.addi %scan3A_244, %scan3A_245 : i32
    %scan3A_247 = arith.constant 1 : i32
    scf.for %scan3A_377 = %scan3A_244 to %scan3A_246 step %scan3A_247  : i32 {
      %mul3A_378 = arith.constant 16 : i32
      %mul3A_379 = arith.muli %scan3A_377, %mul3A_378 : i32
      %get3A_380 = arith.index_cast %mul3A_379 : i32 to index
      %get3A_381 = tpu.vector_load %arg44[%get3A_380] {strides = array<i32>} : memref<512xi32, #tpu.memory_space<vmem>>, vector<16xi32>,
      %add3A_382 = vector.broadcast %mul3A_379 : i32 to vector<16xi32>
      %add3A_383 = arith.addi %add3A_382, %iota3A : vector<16xi32>
      %gather3A = tpu.vector_load_idx %arg84[%add3A_383, %get3A_381] : memref<512x16xf32, #tpu.memory_space<vmem>>[vector<16xi32>, vector<16xi32>], vector<16xf32>,
      %get3A_384 = arith.index_cast %mul3A_379 : i32 to index
      %get3A_385 = tpu.vector_load %arg99[%get3A_384] {strides = array<i32>} : memref<512xf32, #tpu.memory_space<vmem>>, vector<16xf32>,
      %add3A_386 = arith.addf %get3A_385, %gather3A : vector<16xf32>
      %swap3A = arith.index_cast %mul3A_379 : i32 to index
      %swap3A_387 = tpu.vector_load %arg99[%swap3A] {strides = array<i32>} : memref<512xf32, #tpu.memory_space<vmem>>, vector<16xf32>,
      tpu.vector_store %arg99[%swap3A], %add3A_386 {strides = array<i32>} : memref<512xf32, #tpu.memory_space<vmem>>, vector<16xf32>,
    }
    %scan3A_248 = arith.constant 32 : i32
    %dma_start3A_249 = arith.constant 0 : i32
    %dma_start3A_250 = arith.constant 0 : i32
    %dma_start3A_251 = tpu.memref_slice %arg23[%dma_start3A_249, %dma_start3A_250] : memref<62500x16xf32, #tpu.memory_space<hbm>> -> memref<62500x16xf32, #tpu.memory_space<hbm>>
    tpu.enqueue_indirect_dma source(%dma_start3A_251 : memref<62500x16xf32, #tpu.memory_space<hbm>>) target(%arg84 : memref<512x16xf32, #tpu.memory_space<vmem>>) offsets(%arg76 : memref<512xi32, #tpu.memory_space<vmem>>) semaphore(%arg90 : memref<!tpu.dma_semaphore, #tpu.memory_space<semaphore_mem>>)
    %dma_wait3A_252 = arith.constant 0 : i32
    %dma_wait3A_253 = arith.constant 0 : i32
    %dma_wait3A_254 = tpu.memref_slice %arg18[%dma_wait3A_252, %dma_wait3A_253] : memref<62500x16xf32, #tpu.memory_space<hbm>> -> memref<62500x16xf32, #tpu.memory_space<hbm>>
    tpu.wait_indirect_dma semaphore(%arg91 : memref<!tpu.dma_semaphore, #tpu.memory_space<semaphore_mem>>) src(%dma_wait3A_254 : memref<62500x16xf32, #tpu.memory_space<hbm>>) dst(%arg85 : memref<512x16xf32, #tpu.memory_space<vmem>>)
    %scan3A_255 = arith.constant 0 : i32
    %scan3A_256 = arith.constant 32 : i32
    %scan3A_257 = arith.addi %scan3A_255, %scan3A_256 : i32
    %scan3A_258 = arith.constant 1 : i32
    scf.for %scan3A_377 = %scan3A_255 to %scan3A_257 step %scan3A_258  : i32 {
      %mul3A_378 = arith.constant 16 : i32
      %mul3A_379 = arith.muli %scan3A_377, %mul3A_378 : i32
      %get3A_380 = arith.index_cast %mul3A_379 : i32 to index
      %get3A_381 = tpu.vector_load %arg45[%get3A_380] {strides = array<i32>} : memref<512xi32, #tpu.memory_space<vmem>>, vector<16xi32>,
      %add3A_382 = vector.broadcast %mul3A_379 : i32 to vector<16xi32>
      %add3A_383 = arith.addi %add3A_382, %iota3A : vector<16xi32>
      %gather3A = tpu.vector_load_idx %arg85[%add3A_383, %get3A_381] : memref<512x16xf32, #tpu.memory_space<vmem>>[vector<16xi32>, vector<16xi32>], vector<16xf32>,
      %get3A_384 = arith.index_cast %mul3A_379 : i32 to index
      %get3A_385 = tpu.vector_load %arg99[%get3A_384] {strides = array<i32>} : memref<512xf32, #tpu.memory_space<vmem>>, vector<16xf32>,
      %add3A_386 = arith.addf %get3A_385, %gather3A : vector<16xf32>
      %swap3A = arith.index_cast %mul3A_379 : i32 to index
      %swap3A_387 = tpu.vector_load %arg99[%swap3A] {strides = array<i32>} : memref<512xf32, #tpu.memory_space<vmem>>, vector<16xf32>,
      tpu.vector_store %arg99[%swap3A], %add3A_386 {strides = array<i32>} : memref<512xf32, #tpu.memory_space<vmem>>, vector<16xf32>,
    }
    %scan3A_259 = arith.constant 32 : i32
    %dma_start3A_260 = arith.constant 0 : i32
    %dma_start3A_261 = arith.constant 0 : i32
    %dma_start3A_262 = tpu.memref_slice %arg24[%dma_start3A_260, %dma_start3A_261] : memref<62500x16xf32, #tpu.memory_space<hbm>> -> memref<62500x16xf32, #tpu.memory_space<hbm>>
    tpu.enqueue_indirect_dma source(%dma_start3A_262 : memref<62500x16xf32, #tpu.memory_space<hbm>>) target(%arg85 : memref<512x16xf32, #tpu.memory_space<vmem>>) offsets(%arg77 : memref<512xi32, #tpu.memory_space<vmem>>) semaphore(%arg91 : memref<!tpu.dma_semaphore, #tpu.memory_space<semaphore_mem>>)
    %dma_wait3A_263 = arith.constant 0 : i32
    %dma_wait3A_264 = arith.constant 0 : i32
    %dma_wait3A_265 = tpu.memref_slice %arg19[%dma_wait3A_263, %dma_wait3A_264] : memref<62500x16xf32, #tpu.memory_space<hbm>> -> memref<62500x16xf32, #tpu.memory_space<hbm>>
    tpu.wait_indirect_dma semaphore(%arg92 : memref<!tpu.dma_semaphore, #tpu.memory_space<semaphore_mem>>) src(%dma_wait3A_265 : memref<62500x16xf32, #tpu.memory_space<hbm>>) dst(%arg86 : memref<512x16xf32, #tpu.memory_space<vmem>>)
    %scan3A_266 = arith.constant 0 : i32
    %scan3A_267 = arith.constant 32 : i32
    %scan3A_268 = arith.addi %scan3A_266, %scan3A_267 : i32
    %scan3A_269 = arith.constant 1 : i32
    scf.for %scan3A_377 = %scan3A_266 to %scan3A_268 step %scan3A_269  : i32 {
      %mul3A_378 = arith.constant 16 : i32
      %mul3A_379 = arith.muli %scan3A_377, %mul3A_378 : i32
      %get3A_380 = arith.index_cast %mul3A_379 : i32 to index
      %get3A_381 = tpu.vector_load %arg46[%get3A_380] {strides = array<i32>} : memref<512xi32, #tpu.memory_space<vmem>>, vector<16xi32>,
      %add3A_382 = vector.broadcast %mul3A_379 : i32 to vector<16xi32>
      %add3A_383 = arith.addi %add3A_382, %iota3A : vector<16xi32>
      %gather3A = tpu.vector_load_idx %arg86[%add3A_383, %get3A_381] : memref<512x16xf32, #tpu.memory_space<vmem>>[vector<16xi32>, vector<16xi32>], vector<16xf32>,
      %get3A_384 = arith.index_cast %mul3A_379 : i32 to index
      %get3A_385 = tpu.vector_load %arg99[%get3A_384] {strides = array<i32>} : memref<512xf32, #tpu.memory_space<vmem>>, vector<16xf32>,
      %add3A_386 = arith.addf %get3A_385, %gather3A : vector<16xf32>
      %swap3A = arith.index_cast %mul3A_379 : i32 to index
      %swap3A_387 = tpu.vector_load %arg99[%swap3A] {strides = array<i32>} : memref<512xf32, #tpu.memory_space<vmem>>, vector<16xf32>,
      tpu.vector_store %arg99[%swap3A], %add3A_386 {strides = array<i32>} : memref<512xf32, #tpu.memory_space<vmem>>, vector<16xf32>,
    }
    %scan3A_270 = arith.constant 32 : i32
    %dma_start3A_271 = arith.constant 0 : i32
    %dma_start3A_272 = arith.constant 0 : i32
    %dma_start3A_273 = tpu.memref_slice %arg25[%dma_start3A_271, %dma_start3A_272] : memref<62500x16xf32, #tpu.memory_space<hbm>> -> memref<62500x16xf32, #tpu.memory_space<hbm>>
    tpu.enqueue_indirect_dma source(%dma_start3A_273 : memref<62500x16xf32, #tpu.memory_space<hbm>>) target(%arg86 : memref<512x16xf32, #tpu.memory_space<vmem>>) offsets(%arg78 : memref<512xi32, #tpu.memory_space<vmem>>) semaphore(%arg92 : memref<!tpu.dma_semaphore, #tpu.memory_space<semaphore_mem>>)
    %dma_wait3A_274 = arith.constant 0 : i32
    %dma_wait3A_275 = arith.constant 0 : i32
    %dma_wait3A_276 = tpu.memref_slice %arg20[%dma_wait3A_274, %dma_wait3A_275] : memref<62500x16xf32, #tpu.memory_space<hbm>> -> memref<62500x16xf32, #tpu.memory_space<hbm>>
    tpu.wait_indirect_dma semaphore(%arg93 : memref<!tpu.dma_semaphore, #tpu.memory_space<semaphore_mem>>) src(%dma_wait3A_276 : memref<62500x16xf32, #tpu.memory_space<hbm>>) dst(%arg87 : memref<512x16xf32, #tpu.memory_space<vmem>>)
    %scan3A_277 = arith.constant 0 : i32
    %scan3A_278 = arith.constant 32 : i32
    %scan3A_279 = arith.addi %scan3A_277, %scan3A_278 : i32
    %scan3A_280 = arith.constant 1 : i32
    scf.for %scan3A_377 = %scan3A_277 to %scan3A_279 step %scan3A_280  : i32 {
      %mul3A_378 = arith.constant 16 : i32
      %mul3A_379 = arith.muli %scan3A_377, %mul3A_378 : i32
      %get3A_380 = arith.index_cast %mul3A_379 : i32 to index
      %get3A_381 = tpu.vector_load %arg47[%get3A_380] {strides = array<i32>} : memref<512xi32, #tpu.memory_space<vmem>>, vector<16xi32>,
      %add3A_382 = vector.broadcast %mul3A_379 : i32 to vector<16xi32>
      %add3A_383 = arith.addi %add3A_382, %iota3A : vector<16xi32>
      %gather3A = tpu.vector_load_idx %arg87[%add3A_383, %get3A_381] : memref<512x16xf32, #tpu.memory_space<vmem>>[vector<16xi32>, vector<16xi32>], vector<16xf32>,
      %get3A_384 = arith.index_cast %mul3A_379 : i32 to index
      %get3A_385 = tpu.vector_load %arg99[%get3A_384] {strides = array<i32>} : memref<512xf32, #tpu.memory_space<vmem>>, vector<16xf32>,
      %add3A_386 = arith.addf %get3A_385, %gather3A : vector<16xf32>
      %swap3A = arith.index_cast %mul3A_379 : i32 to index
      %swap3A_387 = tpu.vector_load %arg99[%swap3A] {strides = array<i32>} : memref<512xf32, #tpu.memory_space<vmem>>, vector<16xf32>,
      tpu.vector_store %arg99[%swap3A], %add3A_386 {strides = array<i32>} : memref<512xf32, #tpu.memory_space<vmem>>, vector<16xf32>,
    }
    %scan3A_281 = arith.constant 32 : i32
    %dma_start3A_282 = arith.constant 0 : i32
    %dma_start3A_283 = arith.constant 0 : i32
    %dma_start3A_284 = tpu.memref_slice %arg26[%dma_start3A_282, %dma_start3A_283] : memref<62500x16xf32, #tpu.memory_space<hbm>> -> memref<62500x16xf32, #tpu.memory_space<hbm>>
    tpu.enqueue_indirect_dma source(%dma_start3A_284 : memref<62500x16xf32, #tpu.memory_space<hbm>>) target(%arg87 : memref<512x16xf32, #tpu.memory_space<vmem>>) offsets(%arg79 : memref<512xi32, #tpu.memory_space<vmem>>) semaphore(%arg93 : memref<!tpu.dma_semaphore, #tpu.memory_space<semaphore_mem>>)
    %dma_wait3A_285 = arith.constant 0 : i32
    %dma_wait3A_286 = arith.constant 0 : i32
    %dma_wait3A_287 = tpu.memref_slice %arg21[%dma_wait3A_285, %dma_wait3A_286] : memref<62500x16xf32, #tpu.memory_space<hbm>> -> memref<62500x16xf32, #tpu.memory_space<hbm>>
    tpu.wait_indirect_dma semaphore(%arg94 : memref<!tpu.dma_semaphore, #tpu.memory_space<semaphore_mem>>) src(%dma_wait3A_287 : memref<62500x16xf32, #tpu.memory_space<hbm>>) dst(%arg88 : memref<512x16xf32, #tpu.memory_space<vmem>>)
    %scan3A_288 = arith.constant 0 : i32
    %scan3A_289 = arith.constant 32 : i32
    %scan3A_290 = arith.addi %scan3A_288, %scan3A_289 : i32
    %scan3A_291 = arith.constant 1 : i32
    scf.for %scan3A_377 = %scan3A_288 to %scan3A_290 step %scan3A_291  : i32 {
      %mul3A_378 = arith.constant 16 : i32
      %mul3A_379 = arith.muli %scan3A_377, %mul3A_378 : i32
      %get3A_380 = arith.index_cast %mul3A_379 : i32 to index
      %get3A_381 = tpu.vector_load %arg48[%get3A_380] {strides = array<i32>} : memref<512xi32, #tpu.memory_space<vmem>>, vector<16xi32>,
      %add3A_382 = vector.broadcast %mul3A_379 : i32 to vector<16xi32>
      %add3A_383 = arith.addi %add3A_382, %iota3A : vector<16xi32>
      %gather3A = tpu.vector_load_idx %arg88[%add3A_383, %get3A_381] : memref<512x16xf32, #tpu.memory_space<vmem>>[vector<16xi32>, vector<16xi32>], vector<16xf32>,
      %get3A_384 = arith.index_cast %mul3A_379 : i32 to index
      %get3A_385 = tpu.vector_load %arg99[%get3A_384] {strides = array<i32>} : memref<512xf32, #tpu.memory_space<vmem>>, vector<16xf32>,
      %add3A_386 = arith.addf %get3A_385, %gather3A : vector<16xf32>
      %swap3A = arith.index_cast %mul3A_379 : i32 to index
      %swap3A_387 = tpu.vector_load %arg99[%swap3A] {strides = array<i32>} : memref<512xf32, #tpu.memory_space<vmem>>, vector<16xf32>,
      tpu.vector_store %arg99[%swap3A], %add3A_386 {strides = array<i32>} : memref<512xf32, #tpu.memory_space<vmem>>, vector<16xf32>,
    }
    %scan3A_292 = arith.constant 32 : i32
    %dma_start3A_293 = arith.constant 0 : i32
    %dma_start3A_294 = arith.constant 0 : i32
    %dma_start3A_295 = tpu.memref_slice %arg27[%dma_start3A_293, %dma_start3A_294] : memref<62500x16xf32, #tpu.memory_space<hbm>> -> memref<62500x16xf32, #tpu.memory_space<hbm>>
    tpu.enqueue_indirect_dma source(%dma_start3A_295 : memref<62500x16xf32, #tpu.memory_space<hbm>>) target(%arg88 : memref<512x16xf32, #tpu.memory_space<vmem>>) offsets(%arg80 : memref<512xi32, #tpu.memory_space<vmem>>) semaphore(%arg94 : memref<!tpu.dma_semaphore, #tpu.memory_space<semaphore_mem>>)
    %dma_wait3A_296 = arith.constant 0 : i32
    %dma_wait3A_297 = arith.constant 0 : i32
    %dma_wait3A_298 = tpu.memref_slice %arg22[%dma_wait3A_296, %dma_wait3A_297] : memref<62500x16xf32, #tpu.memory_space<hbm>> -> memref<62500x16xf32, #tpu.memory_space<hbm>>
    tpu.wait_indirect_dma semaphore(%arg95 : memref<!tpu.dma_semaphore, #tpu.memory_space<semaphore_mem>>) src(%dma_wait3A_298 : memref<62500x16xf32, #tpu.memory_space<hbm>>) dst(%arg89 : memref<512x16xf32, #tpu.memory_space<vmem>>)
    %scan3A_299 = arith.constant 0 : i32
    %scan3A_300 = arith.constant 32 : i32
    %scan3A_301 = arith.addi %scan3A_299, %scan3A_300 : i32
    %scan3A_302 = arith.constant 1 : i32
    scf.for %scan3A_377 = %scan3A_299 to %scan3A_301 step %scan3A_302  : i32 {
      %mul3A_378 = arith.constant 16 : i32
      %mul3A_379 = arith.muli %scan3A_377, %mul3A_378 : i32
      %get3A_380 = arith.index_cast %mul3A_379 : i32 to index
      %get3A_381 = tpu.vector_load %arg49[%get3A_380] {strides = array<i32>} : memref<512xi32, #tpu.memory_space<vmem>>, vector<16xi32>,
      %add3A_382 = vector.broadcast %mul3A_379 : i32 to vector<16xi32>
      %add3A_383 = arith.addi %add3A_382, %iota3A : vector<16xi32>
      %gather3A = tpu.vector_load_idx %arg89[%add3A_383, %get3A_381] : memref<512x16xf32, #tpu.memory_space<vmem>>[vector<16xi32>, vector<16xi32>], vector<16xf32>,
      %get3A_384 = arith.index_cast %mul3A_379 : i32 to index
      %get3A_385 = tpu.vector_load %arg99[%get3A_384] {strides = array<i32>} : memref<512xf32, #tpu.memory_space<vmem>>, vector<16xf32>,
      %add3A_386 = arith.addf %get3A_385, %gather3A : vector<16xf32>
      %swap3A = arith.index_cast %mul3A_379 : i32 to index
      %swap3A_387 = tpu.vector_load %arg99[%swap3A] {strides = array<i32>} : memref<512xf32, #tpu.memory_space<vmem>>, vector<16xf32>,
      tpu.vector_store %arg99[%swap3A], %add3A_386 {strides = array<i32>} : memref<512xf32, #tpu.memory_space<vmem>>, vector<16xf32>,
    }
    %scan3A_303 = arith.constant 32 : i32
    %dma_start3A_304 = arith.constant 0 : i32
    %dma_start3A_305 = arith.constant 0 : i32
    %dma_start3A_306 = tpu.memref_slice %arg28[%dma_start3A_304, %dma_start3A_305] : memref<62500x16xf32, #tpu.memory_space<hbm>> -> memref<62500x16xf32, #tpu.memory_space<hbm>>
    tpu.enqueue_indirect_dma source(%dma_start3A_306 : memref<62500x16xf32, #tpu.memory_space<hbm>>) target(%arg89 : memref<512x16xf32, #tpu.memory_space<vmem>>) offsets(%arg81 : memref<512xi32, #tpu.memory_space<vmem>>) semaphore(%arg95 : memref<!tpu.dma_semaphore, #tpu.memory_space<semaphore_mem>>)
    %dma_wait3A_307 = arith.constant 0 : i32
    %dma_wait3A_308 = arith.constant 0 : i32
    %dma_wait3A_309 = tpu.memref_slice %arg23[%dma_wait3A_307, %dma_wait3A_308] : memref<62500x16xf32, #tpu.memory_space<hbm>> -> memref<62500x16xf32, #tpu.memory_space<hbm>>
    tpu.wait_indirect_dma semaphore(%arg90 : memref<!tpu.dma_semaphore, #tpu.memory_space<semaphore_mem>>) src(%dma_wait3A_309 : memref<62500x16xf32, #tpu.memory_space<hbm>>) dst(%arg84 : memref<512x16xf32, #tpu.memory_space<vmem>>)
    %scan3A_310 = arith.constant 0 : i32
    %scan3A_311 = arith.constant 32 : i32
    %scan3A_312 = arith.addi %scan3A_310, %scan3A_311 : i32
    %scan3A_313 = arith.constant 1 : i32
    scf.for %scan3A_377 = %scan3A_310 to %scan3A_312 step %scan3A_313  : i32 {
      %mul3A_378 = arith.constant 16 : i32
      %mul3A_379 = arith.muli %scan3A_377, %mul3A_378 : i32
      %get3A_380 = arith.index_cast %mul3A_379 : i32 to index
      %get3A_381 = tpu.vector_load %arg50[%get3A_380] {strides = array<i32>} : memref<512xi32, #tpu.memory_space<vmem>>, vector<16xi32>,
      %add3A_382 = vector.broadcast %mul3A_379 : i32 to vector<16xi32>
      %add3A_383 = arith.addi %add3A_382, %iota3A : vector<16xi32>
      %gather3A = tpu.vector_load_idx %arg84[%add3A_383, %get3A_381] : memref<512x16xf32, #tpu.memory_space<vmem>>[vector<16xi32>, vector<16xi32>], vector<16xf32>,
      %get3A_384 = arith.index_cast %mul3A_379 : i32 to index
      %get3A_385 = tpu.vector_load %arg99[%get3A_384] {strides = array<i32>} : memref<512xf32, #tpu.memory_space<vmem>>, vector<16xf32>,
      %add3A_386 = arith.addf %get3A_385, %gather3A : vector<16xf32>
      %swap3A = arith.index_cast %mul3A_379 : i32 to index
      %swap3A_387 = tpu.vector_load %arg99[%swap3A] {strides = array<i32>} : memref<512xf32, #tpu.memory_space<vmem>>, vector<16xf32>,
      tpu.vector_store %arg99[%swap3A], %add3A_386 {strides = array<i32>} : memref<512xf32, #tpu.memory_space<vmem>>, vector<16xf32>,
    }
    %scan3A_314 = arith.constant 32 : i32
    %dma_start3A_315 = arith.constant 0 : i32
    %dma_start3A_316 = arith.constant 0 : i32
    %dma_start3A_317 = tpu.memref_slice %arg29[%dma_start3A_315, %dma_start3A_316] : memref<62500x16xf32, #tpu.memory_space<hbm>> -> memref<62500x16xf32, #tpu.memory_space<hbm>>
    tpu.enqueue_indirect_dma source(%dma_start3A_317 : memref<62500x16xf32, #tpu.memory_space<hbm>>) target(%arg84 : memref<512x16xf32, #tpu.memory_space<vmem>>) offsets(%arg82 : memref<512xi32, #tpu.memory_space<vmem>>) semaphore(%arg90 : memref<!tpu.dma_semaphore, #tpu.memory_space<semaphore_mem>>)
    %dma_wait3A_318 = arith.constant 0 : i32
    %dma_wait3A_319 = arith.constant 0 : i32
    %dma_wait3A_320 = tpu.memref_slice %arg24[%dma_wait3A_318, %dma_wait3A_319] : memref<62500x16xf32, #tpu.memory_space<hbm>> -> memref<62500x16xf32, #tpu.memory_space<hbm>>
    tpu.wait_indirect_dma semaphore(%arg91 : memref<!tpu.dma_semaphore, #tpu.memory_space<semaphore_mem>>) src(%dma_wait3A_320 : memref<62500x16xf32, #tpu.memory_space<hbm>>) dst(%arg85 : memref<512x16xf32, #tpu.memory_space<vmem>>)
    %scan3A_321 = arith.constant 0 : i32
    %scan3A_322 = arith.constant 32 : i32
    %scan3A_323 = arith.addi %scan3A_321, %scan3A_322 : i32
    %scan3A_324 = arith.constant 1 : i32
    scf.for %scan3A_377 = %scan3A_321 to %scan3A_323 step %scan3A_324  : i32 {
      %mul3A_378 = arith.constant 16 : i32
      %mul3A_379 = arith.muli %scan3A_377, %mul3A_378 : i32
      %get3A_380 = arith.index_cast %mul3A_379 : i32 to index
      %get3A_381 = tpu.vector_load %arg51[%get3A_380] {strides = array<i32>} : memref<512xi32, #tpu.memory_space<vmem>>, vector<16xi32>,
      %add3A_382 = vector.broadcast %mul3A_379 : i32 to vector<16xi32>
      %add3A_383 = arith.addi %add3A_382, %iota3A : vector<16xi32>
      %gather3A = tpu.vector_load_idx %arg85[%add3A_383, %get3A_381] : memref<512x16xf32, #tpu.memory_space<vmem>>[vector<16xi32>, vector<16xi32>], vector<16xf32>,
      %get3A_384 = arith.index_cast %mul3A_379 : i32 to index
      %get3A_385 = tpu.vector_load %arg99[%get3A_384] {strides = array<i32>} : memref<512xf32, #tpu.memory_space<vmem>>, vector<16xf32>,
      %add3A_386 = arith.addf %get3A_385, %gather3A : vector<16xf32>
      %swap3A = arith.index_cast %mul3A_379 : i32 to index
      %swap3A_387 = tpu.vector_load %arg99[%swap3A] {strides = array<i32>} : memref<512xf32, #tpu.memory_space<vmem>>, vector<16xf32>,
      tpu.vector_store %arg99[%swap3A], %add3A_386 {strides = array<i32>} : memref<512xf32, #tpu.memory_space<vmem>>, vector<16xf32>,
    }
    %scan3A_325 = arith.constant 32 : i32
    %dma_start3A_326 = arith.constant 0 : i32
    %dma_start3A_327 = arith.constant 0 : i32
    %dma_start3A_328 = tpu.memref_slice %arg30[%dma_start3A_326, %dma_start3A_327] : memref<62500x16xf32, #tpu.memory_space<hbm>> -> memref<62500x16xf32, #tpu.memory_space<hbm>>
    tpu.enqueue_indirect_dma source(%dma_start3A_328 : memref<62500x16xf32, #tpu.memory_space<hbm>>) target(%arg85 : memref<512x16xf32, #tpu.memory_space<vmem>>) offsets(%arg83 : memref<512xi32, #tpu.memory_space<vmem>>) semaphore(%arg91 : memref<!tpu.dma_semaphore, #tpu.memory_space<semaphore_mem>>)
    %dma_wait3A_329 = arith.constant 0 : i32
    %dma_wait3A_330 = arith.constant 0 : i32
    %dma_wait3A_331 = tpu.memref_slice %arg25[%dma_wait3A_329, %dma_wait3A_330] : memref<62500x16xf32, #tpu.memory_space<hbm>> -> memref<62500x16xf32, #tpu.memory_space<hbm>>
    tpu.wait_indirect_dma semaphore(%arg92 : memref<!tpu.dma_semaphore, #tpu.memory_space<semaphore_mem>>) src(%dma_wait3A_331 : memref<62500x16xf32, #tpu.memory_space<hbm>>) dst(%arg86 : memref<512x16xf32, #tpu.memory_space<vmem>>)
    %scan3A_332 = arith.constant 0 : i32
    %scan3A_333 = arith.constant 32 : i32
    %scan3A_334 = arith.addi %scan3A_332, %scan3A_333 : i32
    %scan3A_335 = arith.constant 1 : i32
    scf.for %scan3A_377 = %scan3A_332 to %scan3A_334 step %scan3A_335  : i32 {
      %mul3A_378 = arith.constant 16 : i32
      %mul3A_379 = arith.muli %scan3A_377, %mul3A_378 : i32
      %get3A_380 = arith.index_cast %mul3A_379 : i32 to index
      %get3A_381 = tpu.vector_load %arg52[%get3A_380] {strides = array<i32>} : memref<512xi32, #tpu.memory_space<vmem>>, vector<16xi32>,
      %add3A_382 = vector.broadcast %mul3A_379 : i32 to vector<16xi32>
      %add3A_383 = arith.addi %add3A_382, %iota3A : vector<16xi32>
      %gather3A = tpu.vector_load_idx %arg86[%add3A_383, %get3A_381] : memref<512x16xf32, #tpu.memory_space<vmem>>[vector<16xi32>, vector<16xi32>], vector<16xf32>,
      %get3A_384 = arith.index_cast %mul3A_379 : i32 to index
      %get3A_385 = tpu.vector_load %arg99[%get3A_384] {strides = array<i32>} : memref<512xf32, #tpu.memory_space<vmem>>, vector<16xf32>,
      %add3A_386 = arith.addf %get3A_385, %gather3A : vector<16xf32>
      %swap3A = arith.index_cast %mul3A_379 : i32 to index
      %swap3A_387 = tpu.vector_load %arg99[%swap3A] {strides = array<i32>} : memref<512xf32, #tpu.memory_space<vmem>>, vector<16xf32>,
      tpu.vector_store %arg99[%swap3A], %add3A_386 {strides = array<i32>} : memref<512xf32, #tpu.memory_space<vmem>>, vector<16xf32>,
    }
    %scan3A_336 = arith.constant 32 : i32
    %dma_wait3A_337 = arith.constant 0 : i32
    %dma_wait3A_338 = arith.constant 0 : i32
    %dma_wait3A_339 = tpu.memref_slice %arg26[%dma_wait3A_337, %dma_wait3A_338] : memref<62500x16xf32, #tpu.memory_space<hbm>> -> memref<62500x16xf32, #tpu.memory_space<hbm>>
    tpu.wait_indirect_dma semaphore(%arg93 : memref<!tpu.dma_semaphore, #tpu.memory_space<semaphore_mem>>) src(%dma_wait3A_339 : memref<62500x16xf32, #tpu.memory_space<hbm>>) dst(%arg87 : memref<512x16xf32, #tpu.memory_space<vmem>>)
    %scan3A_340 = arith.constant 0 : i32
    %scan3A_341 = arith.constant 32 : i32
    %scan3A_342 = arith.addi %scan3A_340, %scan3A_341 : i32
    %scan3A_343 = arith.constant 1 : i32
    scf.for %scan3A_377 = %scan3A_340 to %scan3A_342 step %scan3A_343  : i32 {
      %mul3A_378 = arith.constant 16 : i32
      %mul3A_379 = arith.muli %scan3A_377, %mul3A_378 : i32
      %get3A_380 = arith.index_cast %mul3A_379 : i32 to index
      %get3A_381 = tpu.vector_load %arg53[%get3A_380] {strides = array<i32>} : memref<512xi32, #tpu.memory_space<vmem>>, vector<16xi32>,
      %add3A_382 = vector.broadcast %mul3A_379 : i32 to vector<16xi32>
      %add3A_383 = arith.addi %add3A_382, %iota3A : vector<16xi32>
      %gather3A = tpu.vector_load_idx %arg87[%add3A_383, %get3A_381] : memref<512x16xf32, #tpu.memory_space<vmem>>[vector<16xi32>, vector<16xi32>], vector<16xf32>,
      %get3A_384 = arith.index_cast %mul3A_379 : i32 to index
      %get3A_385 = tpu.vector_load %arg99[%get3A_384] {strides = array<i32>} : memref<512xf32, #tpu.memory_space<vmem>>, vector<16xf32>,
      %add3A_386 = arith.addf %get3A_385, %gather3A : vector<16xf32>
      %swap3A = arith.index_cast %mul3A_379 : i32 to index
      %swap3A_387 = tpu.vector_load %arg99[%swap3A] {strides = array<i32>} : memref<512xf32, #tpu.memory_space<vmem>>, vector<16xf32>,
      tpu.vector_store %arg99[%swap3A], %add3A_386 {strides = array<i32>} : memref<512xf32, #tpu.memory_space<vmem>>, vector<16xf32>,
    }
    %scan3A_344 = arith.constant 32 : i32
    %dma_wait3A_345 = arith.constant 0 : i32
    %dma_wait3A_346 = arith.constant 0 : i32
    %dma_wait3A_347 = tpu.memref_slice %arg27[%dma_wait3A_345, %dma_wait3A_346] : memref<62500x16xf32, #tpu.memory_space<hbm>> -> memref<62500x16xf32, #tpu.memory_space<hbm>>
    tpu.wait_indirect_dma semaphore(%arg94 : memref<!tpu.dma_semaphore, #tpu.memory_space<semaphore_mem>>) src(%dma_wait3A_347 : memref<62500x16xf32, #tpu.memory_space<hbm>>) dst(%arg88 : memref<512x16xf32, #tpu.memory_space<vmem>>)
    %scan3A_348 = arith.constant 0 : i32
    %scan3A_349 = arith.constant 32 : i32
    %scan3A_350 = arith.addi %scan3A_348, %scan3A_349 : i32
    %scan3A_351 = arith.constant 1 : i32
    scf.for %scan3A_377 = %scan3A_348 to %scan3A_350 step %scan3A_351  : i32 {
      %mul3A_378 = arith.constant 16 : i32
      %mul3A_379 = arith.muli %scan3A_377, %mul3A_378 : i32
      %get3A_380 = arith.index_cast %mul3A_379 : i32 to index
      %get3A_381 = tpu.vector_load %arg54[%get3A_380] {strides = array<i32>} : memref<512xi32, #tpu.memory_space<vmem>>, vector<16xi32>,
      %add3A_382 = vector.broadcast %mul3A_379 : i32 to vector<16xi32>
      %add3A_383 = arith.addi %add3A_382, %iota3A : vector<16xi32>
      %gather3A = tpu.vector_load_idx %arg88[%add3A_383, %get3A_381] : memref<512x16xf32, #tpu.memory_space<vmem>>[vector<16xi32>, vector<16xi32>], vector<16xf32>,
      %get3A_384 = arith.index_cast %mul3A_379 : i32 to index
      %get3A_385 = tpu.vector_load %arg99[%get3A_384] {strides = array<i32>} : memref<512xf32, #tpu.memory_space<vmem>>, vector<16xf32>,
      %add3A_386 = arith.addf %get3A_385, %gather3A : vector<16xf32>
      %swap3A = arith.index_cast %mul3A_379 : i32 to index
      %swap3A_387 = tpu.vector_load %arg99[%swap3A] {strides = array<i32>} : memref<512xf32, #tpu.memory_space<vmem>>, vector<16xf32>,
      tpu.vector_store %arg99[%swap3A], %add3A_386 {strides = array<i32>} : memref<512xf32, #tpu.memory_space<vmem>>, vector<16xf32>,
    }
    %scan3A_352 = arith.constant 32 : i32
    %dma_wait3A_353 = arith.constant 0 : i32
    %dma_wait3A_354 = arith.constant 0 : i32
    %dma_wait3A_355 = tpu.memref_slice %arg28[%dma_wait3A_353, %dma_wait3A_354] : memref<62500x16xf32, #tpu.memory_space<hbm>> -> memref<62500x16xf32, #tpu.memory_space<hbm>>
    tpu.wait_indirect_dma semaphore(%arg95 : memref<!tpu.dma_semaphore, #tpu.memory_space<semaphore_mem>>) src(%dma_wait3A_355 : memref<62500x16xf32, #tpu.memory_space<hbm>>) dst(%arg89 : memref<512x16xf32, #tpu.memory_space<vmem>>)
    %scan3A_356 = arith.constant 0 : i32
    %scan3A_357 = arith.constant 32 : i32
    %scan3A_358 = arith.addi %scan3A_356, %scan3A_357 : i32
    %scan3A_359 = arith.constant 1 : i32
    scf.for %scan3A_377 = %scan3A_356 to %scan3A_358 step %scan3A_359  : i32 {
      %mul3A_378 = arith.constant 16 : i32
      %mul3A_379 = arith.muli %scan3A_377, %mul3A_378 : i32
      %get3A_380 = arith.index_cast %mul3A_379 : i32 to index
      %get3A_381 = tpu.vector_load %arg55[%get3A_380] {strides = array<i32>} : memref<512xi32, #tpu.memory_space<vmem>>, vector<16xi32>,
      %add3A_382 = vector.broadcast %mul3A_379 : i32 to vector<16xi32>
      %add3A_383 = arith.addi %add3A_382, %iota3A : vector<16xi32>
      %gather3A = tpu.vector_load_idx %arg89[%add3A_383, %get3A_381] : memref<512x16xf32, #tpu.memory_space<vmem>>[vector<16xi32>, vector<16xi32>], vector<16xf32>,
      %get3A_384 = arith.index_cast %mul3A_379 : i32 to index
      %get3A_385 = tpu.vector_load %arg99[%get3A_384] {strides = array<i32>} : memref<512xf32, #tpu.memory_space<vmem>>, vector<16xf32>,
      %add3A_386 = arith.addf %get3A_385, %gather3A : vector<16xf32>
      %swap3A = arith.index_cast %mul3A_379 : i32 to index
      %swap3A_387 = tpu.vector_load %arg99[%swap3A] {strides = array<i32>} : memref<512xf32, #tpu.memory_space<vmem>>, vector<16xf32>,
      tpu.vector_store %arg99[%swap3A], %add3A_386 {strides = array<i32>} : memref<512xf32, #tpu.memory_space<vmem>>, vector<16xf32>,
    }
    %scan3A_360 = arith.constant 32 : i32
    %dma_wait3A_361 = arith.constant 0 : i32
    %dma_wait3A_362 = arith.constant 0 : i32
    %dma_wait3A_363 = tpu.memref_slice %arg29[%dma_wait3A_361, %dma_wait3A_362] : memref<62500x16xf32, #tpu.memory_space<hbm>> -> memref<62500x16xf32, #tpu.memory_space<hbm>>
    tpu.wait_indirect_dma semaphore(%arg90 : memref<!tpu.dma_semaphore, #tpu.memory_space<semaphore_mem>>) src(%dma_wait3A_363 : memref<62500x16xf32, #tpu.memory_space<hbm>>) dst(%arg84 : memref<512x16xf32, #tpu.memory_space<vmem>>)
    %scan3A_364 = arith.constant 0 : i32
    %scan3A_365 = arith.constant 32 : i32
    %scan3A_366 = arith.addi %scan3A_364, %scan3A_365 : i32
    %scan3A_367 = arith.constant 1 : i32
    scf.for %scan3A_377 = %scan3A_364 to %scan3A_366 step %scan3A_367  : i32 {
      %mul3A_378 = arith.constant 16 : i32
      %mul3A_379 = arith.muli %scan3A_377, %mul3A_378 : i32
      %get3A_380 = arith.index_cast %mul3A_379 : i32 to index
      %get3A_381 = tpu.vector_load %arg56[%get3A_380] {strides = array<i32>} : memref<512xi32, #tpu.memory_space<vmem>>, vector<16xi32>,
      %add3A_382 = vector.broadcast %mul3A_379 : i32 to vector<16xi32>
      %add3A_383 = arith.addi %add3A_382, %iota3A : vector<16xi32>
      %gather3A = tpu.vector_load_idx %arg84[%add3A_383, %get3A_381] : memref<512x16xf32, #tpu.memory_space<vmem>>[vector<16xi32>, vector<16xi32>], vector<16xf32>,
      %get3A_384 = arith.index_cast %mul3A_379 : i32 to index
      %get3A_385 = tpu.vector_load %arg99[%get3A_384] {strides = array<i32>} : memref<512xf32, #tpu.memory_space<vmem>>, vector<16xf32>,
      %add3A_386 = arith.addf %get3A_385, %gather3A : vector<16xf32>
      %swap3A = arith.index_cast %mul3A_379 : i32 to index
      %swap3A_387 = tpu.vector_load %arg99[%swap3A] {strides = array<i32>} : memref<512xf32, #tpu.memory_space<vmem>>, vector<16xf32>,
      tpu.vector_store %arg99[%swap3A], %add3A_386 {strides = array<i32>} : memref<512xf32, #tpu.memory_space<vmem>>, vector<16xf32>,
    }
    %scan3A_368 = arith.constant 32 : i32
    %dma_wait3A_369 = arith.constant 0 : i32
    %dma_wait3A_370 = arith.constant 0 : i32
    %dma_wait3A_371 = tpu.memref_slice %arg30[%dma_wait3A_369, %dma_wait3A_370] : memref<62500x16xf32, #tpu.memory_space<hbm>> -> memref<62500x16xf32, #tpu.memory_space<hbm>>
    tpu.wait_indirect_dma semaphore(%arg91 : memref<!tpu.dma_semaphore, #tpu.memory_space<semaphore_mem>>) src(%dma_wait3A_371 : memref<62500x16xf32, #tpu.memory_space<hbm>>) dst(%arg85 : memref<512x16xf32, #tpu.memory_space<vmem>>)
    %scan3A_372 = arith.constant 0 : i32
    %scan3A_373 = arith.constant 32 : i32
    %scan3A_374 = arith.addi %scan3A_372, %scan3A_373 : i32
    %scan3A_375 = arith.constant 1 : i32
    scf.for %scan3A_377 = %scan3A_372 to %scan3A_374 step %scan3A_375  : i32 {
      %mul3A_378 = arith.constant 16 : i32
      %mul3A_379 = arith.muli %scan3A_377, %mul3A_378 : i32
      %get3A_380 = arith.index_cast %mul3A_379 : i32 to index
      %get3A_381 = tpu.vector_load %arg57[%get3A_380] {strides = array<i32>} : memref<512xi32, #tpu.memory_space<vmem>>, vector<16xi32>,
      %add3A_382 = vector.broadcast %mul3A_379 : i32 to vector<16xi32>
      %add3A_383 = arith.addi %add3A_382, %iota3A : vector<16xi32>
      %gather3A = tpu.vector_load_idx %arg85[%add3A_383, %get3A_381] : memref<512x16xf32, #tpu.memory_space<vmem>>[vector<16xi32>, vector<16xi32>], vector<16xf32>,
      %get3A_384 = arith.index_cast %mul3A_379 : i32 to index
      %get3A_385 = tpu.vector_load %arg99[%get3A_384] {strides = array<i32>} : memref<512xf32, #tpu.memory_space<vmem>>, vector<16xf32>,
      %add3A_386 = arith.addf %get3A_385, %gather3A : vector<16xf32>
      %swap3A = arith.index_cast %mul3A_379 : i32 to index
      %swap3A_387 = tpu.vector_load %arg99[%swap3A] {strides = array<i32>} : memref<512xf32, #tpu.memory_space<vmem>>, vector<16xf32>,
      tpu.vector_store %arg99[%swap3A], %add3A_386 {strides = array<i32>} : memref<512xf32, #tpu.memory_space<vmem>>, vector<16xf32>,
    }
    %scan3A_376 = arith.constant 32 : i32
    "tpu.region"() ({
      %run_scoped3A = tpu.sem_alloc : memref<!tpu.dma_semaphore, #tpu.memory_space<semaphore_mem>>
      %dma_start3A_377 = arith.constant 0 : i32
      %dma_start3A_378 = tpu.memref_slice %arg31[%add3A, %dma_start3A_377] : memref<32x512xf32, #tpu.memory_space<hbm>> -> memref<1x512xf32, #tpu.memory_space<hbm>>
      %dma_start3A_379 = tpu.memref_squeeze %dma_start3A_378 : memref<1x512xf32, #tpu.memory_space<hbm>> -> memref<512xf32, #tpu.memory_space<hbm>>
      %dma_start3A_380 = arith.constant 0 : i32
      %dma_start3A_381 = tpu.memref_slice %arg31[%add3A, %dma_start3A_380] : memref<32x512xf32, #tpu.memory_space<hbm>> -> memref<1x512xf32, #tpu.memory_space<hbm>>
      %dma_start3A_382 = tpu.memref_squeeze %dma_start3A_381 : memref<1x512xf32, #tpu.memory_space<hbm>> -> memref<512xf32, #tpu.memory_space<hbm>>
      tpu.enqueue_dma source(%arg99 : memref<512xf32, #tpu.memory_space<vmem>>) target(%dma_start3A_382 : memref<512xf32, #tpu.memory_space<hbm>>) target_semaphore(%run_scoped3A : memref<!tpu.dma_semaphore, #tpu.memory_space<semaphore_mem>>)
      %dma_wait3A_383 = arith.constant 0 : i32
      %dma_wait3A_384 = tpu.memref_slice %arg31[%add3A, %dma_wait3A_383] : memref<32x512xf32, #tpu.memory_space<hbm>> -> memref<1x512xf32, #tpu.memory_space<hbm>>
      %dma_wait3A_385 = tpu.memref_squeeze %dma_wait3A_384 : memref<1x512xf32, #tpu.memory_space<hbm>> -> memref<512xf32, #tpu.memory_space<hbm>>
      %dma_wait3A_386 = arith.constant 0 : i32
      %dma_wait3A_387 = tpu.memref_slice %arg31[%add3A, %dma_wait3A_386] : memref<32x512xf32, #tpu.memory_space<hbm>> -> memref<1x512xf32, #tpu.memory_space<hbm>>
      %dma_wait3A_388 = tpu.memref_squeeze %dma_wait3A_387 : memref<1x512xf32, #tpu.memory_space<hbm>> -> memref<512xf32, #tpu.memory_space<hbm>>
      tpu.wait_dma2 semaphore(%run_scoped3A : memref<!tpu.dma_semaphore, #tpu.memory_space<semaphore_mem>>) src(%arg99 : memref<512xf32, #tpu.memory_space<vmem>>) dst(%dma_wait3A_388 : memref<512xf32, #tpu.memory_space<hbm>>)
      tpu.yield
    }) : () -> ()
    return
  }
}

</mosaic_0001>

<sc_bundles>
// kernel: kernel.3.cloned.1.call-start
scs
__scs_entry_jumppad:
0x0: {  	(pc) =	sbr.rel $0x88, $3  }
0x1: {  	(tag) =	ssettag $0x0;
	lr =	simm.s32 $0x1  }
0x2: {  	[smem:$0x3F9E] =	sst lr;
	_ =	strace $0xD0000000  }
0x3: {  	_ = 	snop  }
0x4: {  	_ = 	snop  }
0x5: {  	_ = 	snop  }
0x6: {  	_ = 	snop  }
0x7: {  	_ = 	snop  }
__scs_overlays_trampoline_lowered:
0x8: {  	[smem:$0x3FAD] =	sst s0  }
0x9: {  	[smem:$0x3FAE] =	sst s1  }
0xa: {  	[smem:$0x3FAF] =	sst s2  }
0xb: {  	[smem:$0x3FB0] =	sst s3  }
0xc: {  	[smem:$0x3FB1] =	sst s4  }
0xd: {  	[smem:$0x3FB2] =	sst s5  }
0xe: {  	[smem:$0x3FB3] =	sst s6  }
0xf: {  	[smem:$0x3FB4] =	sst s7  }
0x10: {  	[smem:$0x3FB5] =	sst s8  }
0x11: {  	[smem:$0x3FB6] =	sst s9;
	s0 =	simm.s32 @!p0 $0x0  }
0x12: {  	s1 =	sld [smem:$0x3F9C];
	s0 =	simm.s32 @p0 $0x1  }
0x13: {  	[smem:$0x3FB7] =	sst s0;
	s0 =	simm.s32 @!p1 $0x0  }
0x14: {  	s2 =	sld [smem:$0x3F9B];
	s0 =	simm.s32 @p1 $0x1  }
0x15: {  	[smem:$0x3FB8] =	sst s0;
	s0 =	simm.s32 @!p2 $0x0  }
0x16: {  	s3 =	sld [smem:$0x3FDB];
	s0 =	simm.s32 @p2 $0x1  }
0x17: {  	s4 =	simm.s32 $0x1BF5;
	[smem:$0x3FBA] =	sst s0  }
0x18: {  	s0 =	sld [smem:$0x3F9D];
	_ =	swait.ge [sflag:s4], $0x0  }
0x19: {  	s7 =	sld [smem:$0x3F9E]  }
0x1a: {  	s8 =	sadd.s32 $0xFFFFE003, lr  }
0x1b: {  	s9 =	sadd.s32 $0xFFFFFEF7, lr;
	s5 =	simm.s32 $0xFFFFFFFF;
	p2 =	slt.u32 s8, $0xFFFFF086  }
0x1c: {  	p1 =	slt.u32 s9, $0xF7A;
	s5 =	simm.s32 @!p2 $0x0  }
0x1d: {  	s5 =	simm.s32 @p1 $0x1;
	p0 =	seq.s32 s7, s2  }
0x1e: {  	s7 =	smul.u32 @!p0 $0xF7A, s2;
	p2 =	seq.s32 @!p0 s5, $0x0  }
0x1f: {  	s9 =	smul.u32 $0xF7A, s1;
	s8 =	simm.s32 @!p0 $0x1BF5;
	p2 =	por !p2, p0  }
0x20: {  	[sflag:s8] =	ssyncset.s32 @!p0 $0xFFFFF086;
	s6 =	sadd.s32 @!p0 s3, s7;
	s7 =	simm.s32 @!p0 $0x108  }
0x21: {  	s3 =	sadd.s32 s3, s9;
	s6 =	sadd.s32 @!p0 $0x88, s6;
	s7 =	simm.s32 @p2 $0x1082  }
0x22: {  	[simem:s7], [sflag:s8] =	dma.local @!p0 [hbm:s6], $0xF7A  }
0x23: {  	s9 =	sor.u32 $0xD0000000, s2;
	s6 =	simm.s32 $0x108;
	_ =	swait.ge @!p0 [sflag:s8], $0x0  }
0x24: {  	s3 =	sadd.s32 $0x88, s3;
	s6 =	simm.s32 @!p1 $0x1082;
	[sflag:s4] =	ssyncset.s32 $0xFFFFF086  }
0x25: {  	[simem:s6], [sflag:s4] =	dma.local [hbm:s3], $0xF7A  }
0x26: {  	[smem:$0x3F9E] =	sst s1;
	(tag) =	ssettag s2;
	_ =	strace s9  }
0x27: {  	s1 =	sld [smem:$0x3FAE]  }
0x28: {  	s2 =	sld [smem:$0x3FAF]  }
0x29: {  	s4 =	sld [smem:$0x3FB1]  }
0x2a: {  	p0 =	seq.s32 s5, $0x0;
	s5 =	sld [smem:$0x3FB2]  }
0x2b: {  	s6 =	sld [smem:$0x3FB3]  }
0x2c: {  	s7 =	sld [smem:$0x3FB4]  }
0x2d: {  	s3 =	simm.s32 $0x108;
	s8 =	sld [smem:$0x3FB5]  }
0x2e: {  	s3 =	simm.s32 @!p0 $0x1082;
	s9 =	sld [smem:$0x3FB6]  }
0x2f: {  	lr =	sadd.s32 s0, s3;
	s0 =	sld [smem:$0x3FAD]  }
0x30: {  	s3 =	sld [smem:$0x3FB0]  }
0x31: {  	[smem:$0x3FB9] =	sst s10  }
0x32: {  	s10 =	sld [smem:$0x3FB7];
	_ =	sdelay $0x3  }
0x33: {  	p0 =	seq.s32 s10, $0x1;
	s10 =	sld [smem:$0x3FB9];
	_ =	sdelay $0x3  }
0x34: {  	[smem:$0x3FB9] =	sst s10  }
0x35: {  	s10 =	sld [smem:$0x3FB8];
	_ =	sdelay $0x3  }
0x36: {  	p1 =	seq.s32 s10, $0x1;
	s10 =	sld [smem:$0x3FB9];
	_ =	sdelay $0x3  }
0x37: {  	[smem:$0x3FB9] =	sst s10  }
0x38: {  	s10 =	sld [smem:$0x3FBA]  }
0x39: {  	_ = 	snop;
	(pc) =	sbr.ind lr, $3  }
0x3a: {  	_ = 	snop  }
0x3b: {  	_ = 	snop  }
0x3c: {  	p2 =	seq.s32 s10, $0x1;
	s10 =	sld [smem:$0x3FB9]  }
0x3d: {  	_ =	shalt  }
0x3e: {  	_ =	shalt  }
0x3f: {  	_ =	shalt  }
0x40: {  	_ =	shalt  }
0x41: {  	_ =	shalt  }
0x42: {  	_ =	shalt  }
0x43: {  	_ =	shalt  }
0x44: {  	_ =	shalt  }
0x45: {  	_ =	shalt  }
0x46: {  	_ =	shalt  }
0x47: {  	_ =	shalt  }
0x48: {  	_ =	shalt  }
0x49: {  	_ =	shalt  }
0x4a: {  	_ =	shalt  }
0x4b: {  	_ =	shalt  }
0x4c: {  	_ =	shalt  }
0x4d: {  	_ =	shalt  }
0x4e: {  	_ =	shalt  }
0x4f: {  	_ =	shalt  }
0x50: {  	_ =	shalt  }
0x51: {  	_ =	shalt  }
0x52: {  	_ =	shalt  }
0x53: {  	_ =	shalt  }
0x54: {  	_ =	shalt  }
0x55: {  	_ =	shalt  }
0x56: {  	_ =	shalt  }
0x57: {  	_ =	shalt  }
0x58: {  	_ =	shalt  }
0x59: {  	_ =	shalt  }
0x5a: {  	_ =	shalt  }
0x5b: {  	_ =	shalt  }
0x5c: {  	_ =	shalt  }
0x5d: {  	_ =	shalt  }
0x5e: {  	_ =	shalt  }
0x5f: {  	_ =	shalt  }
0x60: {  	_ =	shalt  }
0x61: {  	_ =	shalt  }
0x62: {  	_ =	shalt  }
0x63: {  	_ =	shalt  }
0x64: {  	_ =	shalt  }
0x65: {  	_ =	shalt  }
0x66: {  	_ =	shalt  }
0x67: {  	_ =	shalt  }
0x68: {  	_ =	shalt  }
0x69: {  	_ =	shalt  }
0x6a: {  	_ =	shalt  }
0x6b: {  	_ =	shalt  }
0x6c: {  	_ =	shalt  }
0x6d: {  	_ =	shalt  }
0x6e: {  	_ =	shalt  }
0x6f: {  	_ =	shalt  }
0x70: {  	_ =	shalt  }
0x71: {  	_ =	shalt  }
0x72: {  	_ =	shalt  }
0x73: {  	_ =	shalt  }
0x74: {  	_ =	shalt  }
0x75: {  	_ =	shalt  }
0x76: {  	_ =	shalt  }
0x77: {  	_ =	shalt  }
0x78: {  	_ =	shalt  }
0x79: {  	_ =	shalt  }
0x7a: {  	_ =	shalt  }
0x7b: {  	_ =	shalt  }
0x7c: {  	_ =	shalt  }
0x7d: {  	_ =	shalt  }
0x7e: {  	_ =	shalt  }
0x7f: {  	_ =	shalt  }
0x80: {  	_ =	shalt  }
0x81: {  	_ =	shalt  }
0x82: {  	_ =	shalt  }
0x83: {  	_ =	shalt  }
0x84: {  	_ =	shalt  }
0x85: {  	_ =	shalt  }
0x86: {  	_ =	shalt  }
0x87: {  	_ =	shalt  }
.Lfunc_end0:
.L_simem_size_0:
called_computation_lowered:
.L_overlay_start_0:
0x88: {  	s2 =	sld [smem:$0x3FD9]  }
0x89: {  	s3 =	sld [smem:$0x3FFE];
	_ =	sdelay $0x1  }
0x8a: {  	s1 =	srdreg.scid  }
0x8b: {  	s0 =	sand.u32 $0x1, s1  }
0x8c: {  	s17 =	sshll.u32 s0, $0xA;
	s2 =	sadd.s32 s3, s2  }
0x8d: {  	s2 =	sadd.s32 s2, s17  }
0x8e: {  	[smem:$0x3FC5] =	sst s2  }
0x8f: {  	_ = 	snop  }
0x90: {  	s2 =	sld [smem:$0x3FD0];
	(tm) =	ssettm $0x1  }
0x91: {  	s18 =	sld [smem:$0x3FFB];
	_ =	sdelay $0x3  }
0x92: {  	_ =	strace s18  }
0x93: {  	s3 =	sld [smem:$0x3FFC];
	_ =	sdelay $0x3  }
0x94: {  	_ =	strace s3  }
0x95: {  	s3 =	sld [smem:$0x3FFD];
	_ =	sdelay $0x3  }
0x96: {  	_ =	strace s3  }
0x97: {  	_ =	strace $0x8FFFFFFF  }
0x98: {  	s19 =	sld [smem:$0x3FDB];
	_ =	sdelay $0x1  }
0x99: {  	s4 =	simm.s32 $_scs_section_size  }
0x9a: {  	s5 =	simm.s32 $_size__tile_overlayer_lowered;
	s6 =	simm.s32 $_tile_overlayer_lowered  }
0x9b: {  	s22 =	simm.s32 $0x1BFF;
	s21 =	sshll.u32 s6, $0x1;
	s3 =	sadd.s32 s4, s19  }
0x9c: {  	s7 =	simm.s32 $0x0;
	s20 =	sshll.u32 s5, $0x1;
	s5 =	sadd.s32 s21, s3  }
0x9d: {  	[timem:s7], [sflag:s22] =	dma.local [hbm:s5], s20  }
0x9e: {  	_ =	swait.ge [sflag:s22], s20  }
0x9f: {  	s4 =	ssub.s32 $0x0, s20;
	[sflag:s22] =	ssyncset.done $0x0  }
0xa0: {  	[sflag:s22] =	ssyncadd.s32 s4;
	_ =	sdelay $0x1  }
0xa1: {  	s23 =	simm.s32 $0x1B8B  }
0xa2: {  	_ =	swait.ge [sflag:s23], $0x1  }
0xa3: {  	[sflag:s23] =	ssyncset.done $0x0  }
0xa4: {  	s25 =	simm.s32 $0x1B8E;
	s24 =	sld [smem:$0x3FFE];
	[sflag:s23] =	ssyncadd.s32 $0xFFFFFFFF  }
0xa5: {  	s26 =	simm.s32 $execute0_lowered;
	[smem:$0x3FD2] =	sst s25  }
0xa6: {  	s5 =	sshll.u32 s26, $0x1;
	_ =	strace $0x80000046;
	[dreg:$0x1] =	wrdreg $0xFFFFFFFF  }
0xa7: {  	s28 =	simm.s32 $_size_execute0_lowered;
	s3 =	sadd.s32 s3, s5;
	[dreg:$0x0] =	wrdreg $0x0  }
0xa8: {  	s5 =	sshll.u32 s28, $0x1;
	[dreg:$0x2] =	wrdreg s3  }
0xa9: {  	[dreg:$0x3] =	wrdreg s5  }
0xaa: {  	[dreg:$0x4] =	wrdreg $0xC0  }
0xab: {  	_ =	task [dreg:s7], $0x5FFFF  }
0xac: {  	[dreg:$0x1] =	wrdreg $0xFFFFFFFF  }
0xad: {  	[dreg:$0x0] =	wrdreg $0x60  }
0xae: {  	[dreg:$0x2] =	wrdreg s24  }
0xaf: {  	[dreg:$0x3] =	wrdreg s2  }
0xb0: {  	[dreg:$0x4] =	wrdreg $0x9  }
0xb1: {  	_ =	task.clear_ibuf [dreg:s7], $0x5FFFF;
	_ =	strace $0x90000046  }
0xb2: {  	s29 =	simm.s32 $0x9;
	_ =	strace $0x80000048  }
0xb3: {  	_ =	swait.ge [sflag:s29], $0x1  }
0xb4: {  	[sflag:s29] =	ssyncadd.s32 $0xFFFFFFFF  }
0xb5: {  	_ =	strace $0x90000048  }
0xb6: {  	_ =	sfence  }
0xb7: {  	s30 =	sld [smem:$0x0];
	_ =	sdelay $0x2  }
0xb8: {  	s31 =	sshll.u32 s1, $0xD;
	s1 =	sshrl.u32 s1, $0x2  }
0xb9: {  	s3 =	sand.u32 $0x4000, s31;
	s1 =	sadd.s32 s1, s30  }
0xba: {  	s0 =	sor.u32 s3, s0;
	s1 =	sshll.u32 s1, $0x11  }
0xbb: {  	s0 =	sor.u32 s1, s0  }
0xbc: {  	s0 =	sadd.s32 $0x8F2B, s0  }
0xbd: {  	[sflag:s0] =	ssyncadd.remote.s32 $0x1  }
0xbe: {  	_ =	sfence.sel $0xFFFF  }
0xbf: {  	[dreg:$0x0] =	wrdreg $0xFFFFFFFF;
	(pc) =	sbr.abs _section_cstart, $3  }
0xc0: {  	[dreg:$0x1] =	wrdreg $0xFFFFFFFF  }
0xc1: {  	_ =	task.clear_ibuf [dreg:s7], $0x2FFFF;
	_ =	strace $0x9FFFFFFF  }
0xc2: {  	(tm) =	ssettm $0x7FFFFFFF  }
0xc3: {  	_ =	shalt  }
tec
execute0_lowered:
.L_overlay_start_1:
0x0: {  	(tag) =	ssettag $0x1  }
0x1: {  	s7 =	rddreg [dreg:$0x0]  }
0x2: {  	s0 =	rddreg [dreg:$0x1];
	s3 =	simm.s32 $0x0  }
0x3: {  	[smem:$0x7FF] =	sst s3;
	s6 =	sadd.s32 $0x31C400, s7  }
0x4: {  	s26 =	sadd.s32 $0x18E200, s7;
	_ =	strace $0x80000047;
	[dreg:$0x3] =	wrdreg s6  }
0x5: {  	s8 =	sadd.s32 $0x16F800, s7;
	[dreg:$0x4] =	wrdreg s26  }
0x6: {  	s9 =	sadd.s32 $0x150E00, s7;
	[dreg:$0x5] =	wrdreg s8  }
0x7: {  	s10 =	sadd.s32 $0x132400, s7;
	[dreg:$0x6] =	wrdreg s9  }
0x8: {  	s11 =	sadd.s32 $0x113A00, s7;
	[dreg:$0x7] =	wrdreg s10  }
0x9: {  	s1 =	srdreg.scid;
	s12 =	sadd.s32 $0x1EA00, s7;
	[dreg:$0x8] =	wrdreg s11  }
0xa: {  	s2 =	stileid.u32;
	s13 =	sadd.s32 $0xF5000, s7;
	[dreg:$0x9] =	wrdreg s12  }
0xb: {  	s1 =	sand.u32 $0x1, s1;
	s14 =	sadd.s32 $0x245E00, s7;
	[dreg:$0xa] =	wrdreg s13  }
0xc: {  	s2 =	sshll.u32 s2, $0x1;
	s15 =	sadd.s32 $0x227400, s7;
	[dreg:$0xb] =	wrdreg s14  }
0xd: {  	s16 =	sadd.s32 $0x208A00, s7;
	s17 =	sadd.s32 $0x1EA000, s7;
	[dreg:$0xc] =	wrdreg s15  }
0xe: {  	s18 =	sadd.s32 $0x1CB600, s7;
	s19 =	sadd.s32 $0x1ACC00, s7;
	[dreg:$0xd] =	wrdreg s16  }
0xf: {  	s20 =	sadd.s32 $0x2FDA00, s7;
	s22 =	sadd.s32 $0x2A1C00, s7;
	[dreg:$0xe] =	wrdreg s17  }
0x10: {  	s23 =	sadd.s32 $0x283200, s7;
	s28 =	sadd.s32 $0x264800, s7;
	[dreg:$0xf] =	wrdreg s18  }
0x11: {  	s29 =	sadd.s32 $0xD6600, s7;
	s30 =	sadd.s32 $0xB7C00, s7;
	[dreg:$0x10] =	wrdreg s19  }
0x12: {  	s31 =	sadd.s32 $0x99200, s7;
	s2 =	sor.u32 s1, s2;
	[dreg:$0x11] =	wrdreg s20  }
0x13: {  	s1 =	ssub.s32 $0x2, s1;
	s8 =	sadd.s32 $0x2C0600, s7;
	[dreg:$0x13] =	wrdreg s22  }
0x14: {  	[dreg:$0x15] =	wrdreg s23;
	s6 =	simm.s32 $0x7;
	s9 =	simm.s32 $0x8800  }
0x15: {  	s10 =	simm.s32 $0xA800;
	s11 =	simm.s32 $0xC800;
	s12 =	simm.s32 $0xE800  }
0x16: {  	s13 =	simm.s32 $0x10800;
	s14 =	simm.s32 $0x1;
	s15 =	simm.s32 $0x2  }
0x17: {  	s16 =	simm.s32 $0x3;
	s17 =	simm.s32 $0x4;
	s18 =	simm.s32 $0x5  }
0x18: {  	s19 =	simm.s32 $0x6;
	s20 =	simm.s32 $0x8;
	s4 =	sshll.u32 s2, $0xB  }
0x19: {  	s5 =	sshll.u32 s2, $0xA;
	s21 =	sshrl.u32 s1, $0x1;
	[dreg:$0x12] =	wrdreg s8  }
0x1a: {  	s2 =	sshll.u32 s2, $0x6;
	s8 =	simm.s32 $0x6800;
	s4 =	sadd.s32 s4, s7  }
0x1b: {  	s5 =	sadd.s32 s5, s7;
	s1 =	ssub.s32 s1, s21;
	s0 =	sadd.s32 s0, s2  }
0x1c: {  	s2 =	sadd.s32 $0x3D400, s7;
	s21 =	simm.s32 $0x0;
	[dreg:$0x14] =	wrdreg s0  }
0x1d: {  	s24 =	sadd.s32 $0x31C600, s4;
	s25 =	sadd.s32 $0x32C600, s5;
	s26 =	smax.u32 s1, $0x1  }
0x1e: {  	s0 =	sadd.s32 $0x7A800, s7;
	s1 =	sadd.s32 $0x5BE00, s7;
	[dreg:$0x16] =	wrdreg s24  }
0x1f: {  	v1 =	vlaneseq.u32;
	s4 =	simm.s32 $0x12800;
	s5 =	simm.s32 $0x16800;
	[dreg:$0x17] =	wrdreg s25  }
0x20: {  	v0 =	vmul.u32 $0x20, v1;
	v1 =	vmul.u32 $0x10, v1;
	[dreg:$0x18] =	wrdreg s26;
	s26 =	sadd.s32 $0x2DF000, s7;
	s7 =	simm.s32 $0x200  }
.LBB2_1:
0x21: {  	s22 =	rddreg [dreg:$0x16]  }
0x22: {  	[tilespmem:s4], [sflag:$0x7] =	stream.linear.gather [hbm4b:s22+s3], $0x4000, $0x38;
	[tilespmem:$0x18AD0] =	vst v63  }
0x23: {  	s24 =	rddreg [dreg:$0x17]  }
0x24: {  	[tilespmem:s5], [sflag:$0x7] =	stream.linear.gather [hbm4b:s24+s3], $0x2000, $0x38;
	[tilespmem:$0x18AD0] =	vst v63  }
0x25: {  	s25 =	rddreg [dreg:$0x3];
	s23 =	simm.s32 $0x18800  }
0x26: {  	[tilespmem:s23], [sflag:$0x7] =	stream.linear.gather [hbm4b:s25+s3], $0xD0, $0x38;
	[tilespmem:$0x18AD0] =	vst v63  }
0x27: {  	_ =	swait.ge [sflag:s6], $0x4000  }
0x28: {  	[sflag:s6] =	ssyncset.done $0x0  }
0x29: {  	v2 =	vmov s3;
	[sflag:s6] =	ssyncadd.s32 $0xFFFFC000  }
0x2a: {  	v2 =	vshll.u32 v2, $0x5;
	_ =	swait.ge [sflag:s6], $0x2000  }
0x2b: {  	v2 =	vor.u32 v0, v2;
	[sflag:s6] =	ssyncset.done $0x0  }
0x2c: {  	[sflag:s6] =	ssyncadd.s32 $0xFFFFE000  }
0x2d: {  	_ =	swait.ge [sflag:s6], $0xD0  }
0x2e: {  	[sflag:s6] =	ssyncset.done $0x0  }
0x2f: {  	[sflag:s6] =	ssyncadd.s32 $0xFFFFFF30  }
0x30: {  	v3 =	vld.idx.msk [tilespmem:v2+s4+$0x0], $0xffff;
	_ =	sdelay $0x2  }
0x31: {  	v4 =	vor.u32 $0x1, v2;
	_ =	sdelay $0x1  }
0x32: {  	s22 =	simm.s32 $0x0;
	v5 =	vshrl.u32 v3, $0x4  }
0x33: {  	v3 =	vand.u32 $0xF, v3;
	[tilespmem:s22+$0x3400] =	vst v5  }
0x34: {  	[tilespmem:s22+$0x0] =	vst v3  }
0x35: {  	v3 =	vld.idx.msk [tilespmem:v4+s4+$0x0], $0xffff;
	_ =	sdelay $0x2  }
0x36: {  	v4 =	vor.u32 $0x2, v2;
	_ =	sdelay $0x1  }
0x37: {  	v5 =	vshrl.u32 v3, $0x4  }
0x38: {  	v3 =	vand.u32 $0xF, v3;
	[tilespmem:s22+$0x3600] =	vst v5  }
0x39: {  	[tilespmem:s22+$0x200] =	vst v3  }
0x3a: {  	v3 =	vld.idx.msk [tilespmem:v4+s4+$0x0], $0xffff;
	_ =	sdelay $0x2  }
0x3b: {  	v4 =	vor.u32 $0x3, v2;
	_ =	sdelay $0x1  }
0x3c: {  	v5 =	vshrl.u32 v3, $0x4  }
0x3d: {  	v3 =	vand.u32 $0xF, v3;
	[tilespmem:s22+$0x3800] =	vst v5  }
0x3e: {  	[tilespmem:s22+$0x400] =	vst v3  }
0x3f: {  	v3 =	vld.idx.msk [tilespmem:v4+s4+$0x0], $0xffff;
	_ =	sdelay $0x2  }
0x40: {  	v4 =	vor.u32 $0x4, v2;
	_ =	sdelay $0x1  }
0x41: {  	v5 =	vshrl.u32 v3, $0x4  }
0x42: {  	v3 =	vand.u32 $0xF, v3;
	[tilespmem:s22+$0x3A00] =	vst v5  }
0x43: {  	[tilespmem:s22+$0x600] =	vst v3  }
0x44: {  	v3 =	vld.idx.msk [tilespmem:v4+s4+$0x0], $0xffff;
	_ =	sdelay $0x2  }
0x45: {  	v4 =	vor.u32 $0x5, v2;
	_ =	sdelay $0x1  }
0x46: {  	v5 =	vshrl.u32 v3, $0x4  }
0x47: {  	v3 =	vand.u32 $0xF, v3;
	[tilespmem:s22+$0x3C00] =	vst v5  }
0x48: {  	[tilespmem:s22+$0x800] =	vst v3  }
0x49: {  	v3 =	vld.idx.msk [tilespmem:v4+s4+$0x0], $0xffff;
	_ =	sdelay $0x2  }
0x4a: {  	v4 =	vor.u32 $0x6, v2;
	_ =	sdelay $0x1  }
0x4b: {  	v5 =	vshrl.u32 v3, $0x4  }
0x4c: {  	v3 =	vand.u32 $0xF, v3;
	[tilespmem:s22+$0x3E00] =	vst v5  }
0x4d: {  	[tilespmem:s22+$0xA00] =	vst v3  }
0x4e: {  	v3 =	vld.idx.msk [tilespmem:v4+s4+$0x0], $0xffff;
	_ =	sdelay $0x2  }
0x4f: {  	v4 =	vor.u32 $0x7, v2;
	_ =	sdelay $0x1  }
0x50: {  	v5 =	vshrl.u32 v3, $0x4  }
0x51: {  	v3 =	vand.u32 $0xF, v3;
	[tilespmem:s22+$0x4000] =	vst v5  }
0x52: {  	[tilespmem:s22+$0xC00] =	vst v3  }
0x53: {  	v3 =	vld.idx.msk [tilespmem:v4+s4+$0x0], $0xffff;
	_ =	sdelay $0x2  }
0x54: {  	v4 =	vor.u32 $0x8, v2;
	_ =	sdelay $0x1  }
0x55: {  	v5 =	vshrl.u32 v3, $0x4  }
0x56: {  	v3 =	vand.u32 $0xF, v3;
	[tilespmem:s22+$0x4200] =	vst v5  }
0x57: {  	[tilespmem:s22+$0xE00] =	vst v3  }
0x58: {  	v3 =	vld.idx.msk [tilespmem:v4+s4+$0x0], $0xffff;
	_ =	sdelay $0x2  }
0x59: {  	v4 =	vor.u32 $0x9, v2;
	_ =	sdelay $0x1  }
0x5a: {  	v5 =	vshrl.u32 v3, $0x4  }
0x5b: {  	v3 =	vand.u32 $0xF, v3;
	[tilespmem:s22+$0x4400] =	vst v5  }
0x5c: {  	[tilespmem:s22+$0x1000] =	vst v3  }
0x5d: {  	v3 =	vld.idx.msk [tilespmem:v4+s4+$0x0], $0xffff;
	_ =	sdelay $0x2  }
0x5e: {  	v4 =	vor.u32 $0xA, v2;
	_ =	sdelay $0x1  }
0x5f: {  	v5 =	vshrl.u32 v3, $0x4  }
0x60: {  	v3 =	vand.u32 $0xF, v3;
	[tilespmem:s22+$0x4600] =	vst v5  }
0x61: {  	[tilespmem:s22+$0x1200] =	vst v3  }
0x62: {  	v3 =	vld.idx.msk [tilespmem:v4+s4+$0x0], $0xffff;
	_ =	sdelay $0x2  }
0x63: {  	v4 =	vor.u32 $0xB, v2;
	_ =	sdelay $0x1  }
0x64: {  	v5 =	vshrl.u32 v3, $0x4  }
0x65: {  	v3 =	vand.u32 $0xF, v3;
	[tilespmem:s22+$0x4800] =	vst v5  }
0x66: {  	[tilespmem:s22+$0x1400] =	vst v3  }
0x67: {  	v3 =	vld.idx.msk [tilespmem:v4+s4+$0x0], $0xffff;
	_ =	sdelay $0x2  }
0x68: {  	v4 =	vor.u32 $0xC, v2;
	_ =	sdelay $0x1  }
0x69: {  	v5 =	vshrl.u32 v3, $0x4  }
0x6a: {  	v3 =	vand.u32 $0xF, v3;
	[tilespmem:s22+$0x4A00] =	vst v5  }
0x6b: {  	[tilespmem:s22+$0x1600] =	vst v3  }
0x6c: {  	v3 =	vld.idx.msk [tilespmem:v4+s4+$0x0], $0xffff;
	_ =	sdelay $0x2  }
0x6d: {  	v4 =	vor.u32 $0xD, v2;
	_ =	sdelay $0x1  }
0x6e: {  	v5 =	vshrl.u32 v3, $0x4  }
0x6f: {  	v3 =	vand.u32 $0xF, v3;
	[tilespmem:s22+$0x4C00] =	vst v5  }
0x70: {  	[tilespmem:s22+$0x1800] =	vst v3  }
0x71: {  	v3 =	vld.idx.msk [tilespmem:v4+s4+$0x0], $0xffff;
	_ =	sdelay $0x2  }
0x72: {  	v4 =	vor.u32 $0xE, v2;
	_ =	sdelay $0x1  }
0x73: {  	v5 =	vshrl.u32 v3, $0x4  }
0x74: {  	v3 =	vand.u32 $0xF, v3;
	[tilespmem:s22+$0x4E00] =	vst v5  }
0x75: {  	[tilespmem:s22+$0x1A00] =	vst v3  }
0x76: {  	v3 =	vld.idx.msk [tilespmem:v4+s4+$0x0], $0xffff;
	_ =	sdelay $0x2  }
0x77: {  	v4 =	vor.u32 $0xF, v2;
	_ =	sdelay $0x1  }
0x78: {  	v5 =	vshrl.u32 v3, $0x4  }
0x79: {  	v3 =	vand.u32 $0xF, v3;
	[tilespmem:s22+$0x5000] =	vst v5  }
0x7a: {  	[tilespmem:s22+$0x1C00] =	vst v3  }
0x7b: {  	v3 =	vld.idx.msk [tilespmem:v4+s4+$0x0], $0xffff;
	_ =	sdelay $0x2  }
0x7c: {  	v4 =	vor.u32 $0x10, v2;
	_ =	sdelay $0x1  }
0x7d: {  	v5 =	vshrl.u32 v3, $0x4  }
0x7e: {  	v3 =	vand.u32 $0xF, v3;
	[tilespmem:s22+$0x5200] =	vst v5  }
0x7f: {  	[tilespmem:s22+$0x1E00] =	vst v3  }
0x80: {  	v3 =	vld.idx.msk [tilespmem:v4+s4+$0x0], $0xffff;
	_ =	sdelay $0x2  }
0x81: {  	v4 =	vor.u32 $0x11, v2;
	_ =	sdelay $0x1  }
0x82: {  	v5 =	vshrl.u32 v3, $0x4  }
0x83: {  	v3 =	vand.u32 $0xF, v3;
	[tilespmem:s22+$0x5400] =	vst v5  }
0x84: {  	[tilespmem:s22+$0x2000] =	vst v3  }
0x85: {  	v3 =	vld.idx.msk [tilespmem:v4+s4+$0x0], $0xffff;
	_ =	sdelay $0x2  }
0x86: {  	v4 =	vor.u32 $0x12, v2;
	_ =	sdelay $0x1  }
0x87: {  	v5 =	vshrl.u32 v3, $0x4  }
0x88: {  	v3 =	vand.u32 $0xF, v3;
	[tilespmem:s22+$0x5600] =	vst v5  }
0x89: {  	[tilespmem:s22+$0x2200] =	vst v3  }
0x8a: {  	v3 =	vld.idx.msk [tilespmem:v4+s4+$0x0], $0xffff;
	_ =	sdelay $0x2  }
0x8b: {  	v4 =	vor.u32 $0x13, v2;
	_ =	sdelay $0x1  }
0x8c: {  	v5 =	vshrl.u32 v3, $0x4  }
0x8d: {  	v3 =	vand.u32 $0xF, v3;
	[tilespmem:s22+$0x5800] =	vst v5  }
0x8e: {  	[tilespmem:s22+$0x2400] =	vst v3  }
0x8f: {  	v3 =	vld.idx.msk [tilespmem:v4+s4+$0x0], $0xffff;
	_ =	sdelay $0x2  }
0x90: {  	v4 =	vor.u32 $0x14, v2;
	_ =	sdelay $0x1  }
0x91: {  	v5 =	vshrl.u32 v3, $0x4  }
0x92: {  	v3 =	vand.u32 $0xF, v3;
	[tilespmem:s22+$0x5A00] =	vst v5  }
0x93: {  	[tilespmem:s22+$0x2600] =	vst v3  }
0x94: {  	v3 =	vld.idx.msk [tilespmem:v4+s4+$0x0], $0xffff;
	_ =	sdelay $0x2  }
0x95: {  	v4 =	vor.u32 $0x15, v2;
	_ =	sdelay $0x1  }
0x96: {  	v5 =	vshrl.u32 v3, $0x4  }
0x97: {  	v3 =	vand.u32 $0xF, v3;
	[tilespmem:s22+$0x5C00] =	vst v5  }
0x98: {  	[tilespmem:s22+$0x2800] =	vst v3  }
0x99: {  	v3 =	vld.idx.msk [tilespmem:v4+s4+$0x0], $0xffff;
	_ =	sdelay $0x2  }
0x9a: {  	v4 =	vor.u32 $0x16, v2;
	_ =	sdelay $0x1  }
0x9b: {  	v5 =	vshrl.u32 v3, $0x4  }
0x9c: {  	v3 =	vand.u32 $0xF, v3;
	[tilespmem:s22+$0x5E00] =	vst v5  }
0x9d: {  	[tilespmem:s22+$0x2A00] =	vst v3  }
0x9e: {  	v3 =	vld.idx.msk [tilespmem:v4+s4+$0x0], $0xffff;
	_ =	sdelay $0x4  }
0x9f: {  	v4 =	vshrl.u32 v3, $0x4  }
0xa0: {  	[tilespmem:s22+$0x6000] =	vst v4;
	v4 =	vor.u32 $0x17, v2;
	_ =	sdelay $0x1  }
0xa1: {  	v5 =	vand.u32 $0xF, v3  }
0xa2: {  	s24 =	simm.s32 $0x0;
	s23 =	simm.s32 $0x40;
	v3 =	vor.u32 $0x18, v2;
	v2 =	vor.u32 $0x19, v2;
	[tilespmem:s22+$0x2C00] =	vst v5  }
.LBB2_2:
0xa3: {  	p0 =	sne.s32 s23, $0x7C0  }
0xa4: {  	v4 =	vld.idx.msk [tilespmem:v4+s4+$0x0], $0xffff;
	s24 =	sadd.s32 $0x10, s24;
	s25 =	smov.u32 s23;
	s23 =	sadd.s32 $0x40, s23  }
0xa5: {  	_ =	sdelay $0x4  }
0xa6: {  	v5 =	vshrl.u32 v4, $0x4;
	v4 =	vand.u32 $0xF, v4  }
0xa7: {  	[tilespmem:s22+$0x6200] =	vst v5  }
0xa8: {  	[tilespmem:s22+$0x2E00] =	vst v4  }
0xa9: {  	v3 =	vld.idx.msk [tilespmem:v3+s4+$0x0], $0xffff;
	_ =	sdelay $0x5  }
0xaa: {  	v4 =	vshrl.u32 v3, $0x4;
	v3 =	vand.u32 $0xF, v3  }
0xab: {  	[tilespmem:s22+$0x6400] =	vst v4  }
0xac: {  	[tilespmem:s22+$0x3000] =	vst v3  }
0xad: {  	v3 =	vld.idx.msk [tilespmem:v2+s4+$0x0], $0xffff;
	_ =	sdelay $0x1  }
0xae: {  	v2 =	vmov s24  }
0xaf: {  	v2 =	vshll.u32 v2, $0x5  }
0xb0: {  	v2 =	vor.u32 v0, v2;
	_ =	sdelay $0x1  }
0xb1: {  	v4 =	vshrl.u32 v3, $0x4;
	v3 =	vand.u32 $0xF, v3  }
0xb2: {  	[tilespmem:s22+$0x6600] =	vst v4  }
0xb3: {  	[tilespmem:s22+$0x3200] =	vst v3  }
0xb4: {  	v3 =	vld.idx.msk [tilespmem:v2+s4+$0x0], $0xffff;
	_ =	sdelay $0x2  }
0xb5: {  	v4 =	vor.u32 $0x1, v2;
	_ =	sdelay $0x2  }
0xb6: {  	s22 =	sshra.s32 s25, $0x2;
	v5 =	vshrl.u32 v3, $0x4;
	v3 =	vand.u32 $0xF, v3  }
0xb7: {  	[tilespmem:s22+$0x3400] =	vst v5  }
0xb8: {  	[tilespmem:s22+$0x0] =	vst v3  }
0xb9: {  	v3 =	vld.idx.msk [tilespmem:v4+s4+$0x0], $0xffff;
	_ =	sdelay $0x1  }
0xba: {  	v4 =	vor.u32 $0x2, v2;
	_ =	sdelay $0x3  }
0xbb: {  	v5 =	vshrl.u32 v3, $0x4;
	v3 =	vand.u32 $0xF, v3  }
0xbc: {  	[tilespmem:s22+$0x3600] =	vst v5  }
0xbd: {  	[tilespmem:s22+$0x200] =	vst v3  }
0xbe: {  	v3 =	vld.idx.msk [tilespmem:v4+s4+$0x0], $0xffff  }
0xbf: {  	v4 =	vor.u32 $0x3, v2;
	_ =	sdelay $0x4  }
0xc0: {  	v5 =	vshrl.u32 v3, $0x4;
	v3 =	vand.u32 $0xF, v3  }
0xc1: {  	[tilespmem:s22+$0x3800] =	vst v5  }
0xc2: {  	[tilespmem:s22+$0x400] =	vst v3  }
0xc3: {  	v3 =	vld.idx.msk [tilespmem:v4+s4+$0x0], $0xffff;
	v4 =	vor.u32 $0x4, v2;
	_ =	sdelay $0x5  }
0xc4: {  	v5 =	vshrl.u32 v3, $0x4;
	v3 =	vand.u32 $0xF, v3  }
0xc5: {  	[tilespmem:s22+$0x3A00] =	vst v5  }
0xc6: {  	[tilespmem:s22+$0x600] =	vst v3;
	v3 =	vor.u32 $0x5, v2  }
0xc7: {  	v4 =	vld.idx.msk [tilespmem:v4+s4+$0x0], $0xffff;
	_ =	sdelay $0x5  }
0xc8: {  	v5 =	vshrl.u32 v4, $0x4;
	v4 =	vand.u32 $0xF, v4  }
0xc9: {  	[tilespmem:s22+$0x3C00] =	vst v5;
	v5 =	vor.u32 $0x6, v2  }
0xca: {  	[tilespmem:s22+$0x800] =	vst v4  }
0xcb: {  	v3 =	vld.idx.msk [tilespmem:v3+s4+$0x0], $0xffff;
	_ =	sdelay $0x5  }
0xcc: {  	v6 =	vor.u32 $0x7, v2;
	v4 =	vshrl.u32 v3, $0x4;
	v3 =	vand.u32 $0xF, v3  }
0xcd: {  	[tilespmem:s22+$0x3E00] =	vst v4  }
0xce: {  	[tilespmem:s22+$0xA00] =	vst v3  }
0xcf: {  	v3 =	vld.idx.msk [tilespmem:v5+s4+$0x0], $0xffff;
	_ =	sdelay $0x4  }
0xd0: {  	v4 =	vor.u32 $0x8, v2  }
0xd1: {  	v5 =	vshrl.u32 v3, $0x4;
	v3 =	vand.u32 $0xF, v3  }
0xd2: {  	[tilespmem:s22+$0x4000] =	vst v5  }
0xd3: {  	[tilespmem:s22+$0xC00] =	vst v3  }
0xd4: {  	v3 =	vld.idx.msk [tilespmem:v6+s4+$0x0], $0xffff;
	_ =	sdelay $0x3  }
0xd5: {  	v5 =	vor.u32 $0x9, v2;
	_ =	sdelay $0x1  }
0xd6: {  	v6 =	vshrl.u32 v3, $0x4;
	v3 =	vand.u32 $0xF, v3  }
0xd7: {  	[tilespmem:s22+$0x4200] =	vst v6  }
0xd8: {  	[tilespmem:s22+$0xE00] =	vst v3  }
0xd9: {  	v3 =	vld.idx.msk [tilespmem:v4+s4+$0x0], $0xffff;
	_ =	sdelay $0x2  }
0xda: {  	v4 =	vor.u32 $0xA, v2;
	_ =	sdelay $0x2  }
0xdb: {  	v6 =	vshrl.u32 v3, $0x4;
	v3 =	vand.u32 $0xF, v3  }
0xdc: {  	[tilespmem:s22+$0x4400] =	vst v6  }
0xdd: {  	[tilespmem:s22+$0x1000] =	vst v3  }
0xde: {  	v3 =	vld.idx.msk [tilespmem:v5+s4+$0x0], $0xffff;
	_ =	sdelay $0x1  }
0xdf: {  	v5 =	vor.u32 $0xB, v2;
	_ =	sdelay $0x3  }
0xe0: {  	v6 =	vshrl.u32 v3, $0x4;
	v3 =	vand.u32 $0xF, v3  }
0xe1: {  	[tilespmem:s22+$0x4600] =	vst v6  }
0xe2: {  	[tilespmem:s22+$0x1200] =	vst v3  }
0xe3: {  	v3 =	vld.idx.msk [tilespmem:v4+s4+$0x0], $0xffff  }
0xe4: {  	v4 =	vor.u32 $0xC, v2;
	_ =	sdelay $0x4  }
0xe5: {  	v6 =	vshrl.u32 v3, $0x4;
	v3 =	vand.u32 $0xF, v3  }
0xe6: {  	[tilespmem:s22+$0x4800] =	vst v6  }
0xe7: {  	[tilespmem:s22+$0x1400] =	vst v3  }
0xe8: {  	v3 =	vld.idx.msk [tilespmem:v5+s4+$0x0], $0xffff;
	v5 =	vor.u32 $0xD, v2;
	_ =	sdelay $0x5  }
0xe9: {  	v6 =	vshrl.u32 v3, $0x4;
	v3 =	vand.u32 $0xF, v3  }
0xea: {  	[tilespmem:s22+$0x4A00] =	vst v6  }
0xeb: {  	[tilespmem:s22+$0x1600] =	vst v3;
	v3 =	vor.u32 $0xE, v2  }
0xec: {  	v4 =	vld.idx.msk [tilespmem:v4+s4+$0x0], $0xffff;
	_ =	sdelay $0x5  }
0xed: {  	v6 =	vshrl.u32 v4, $0x4;
	v4 =	vand.u32 $0xF, v4  }
0xee: {  	[tilespmem:s22+$0x4C00] =	vst v6;
	v6 =	vor.u32 $0xF, v2  }
0xef: {  	[tilespmem:s22+$0x1800] =	vst v4  }
0xf0: {  	v4 =	vld.idx.msk [tilespmem:v5+s4+$0x0], $0xffff;
	_ =	sdelay $0x5  }
0xf1: {  	v7 =	vor.u32 $0x10, v2;
	v5 =	vshrl.u32 v4, $0x4;
	v4 =	vand.u32 $0xF, v4  }
0xf2: {  	[tilespmem:s22+$0x4E00] =	vst v5  }
0xf3: {  	[tilespmem:s22+$0x1A00] =	vst v4  }
0xf4: {  	v3 =	vld.idx.msk [tilespmem:v3+s4+$0x0], $0xffff;
	_ =	sdelay $0x4  }
0xf5: {  	v4 =	vor.u32 $0x11, v2  }
0xf6: {  	v5 =	vshrl.u32 v3, $0x4;
	v3 =	vand.u32 $0xF, v3  }
0xf7: {  	[tilespmem:s22+$0x5000] =	vst v5  }
0xf8: {  	[tilespmem:s22+$0x1C00] =	vst v3  }
0xf9: {  	v3 =	vld.idx.msk [tilespmem:v6+s4+$0x0], $0xffff;
	_ =	sdelay $0x3  }
0xfa: {  	v5 =	vor.u32 $0x12, v2;
	_ =	sdelay $0x1  }
0xfb: {  	v6 =	vshrl.u32 v3, $0x4;
	v3 =	vand.u32 $0xF, v3  }
0xfc: {  	[tilespmem:s22+$0x5200] =	vst v6  }
0xfd: {  	[tilespmem:s22+$0x1E00] =	vst v3  }
0xfe: {  	v3 =	vld.idx.msk [tilespmem:v7+s4+$0x0], $0xffff;
	_ =	sdelay $0x2  }
0xff: {  	v6 =	vor.u32 $0x13, v2;
	_ =	sdelay $0x2  }
0x100: {  	v7 =	vshrl.u32 v3, $0x4;
	v3 =	vand.u32 $0xF, v3  }
0x101: {  	[tilespmem:s22+$0x5400] =	vst v7  }
0x102: {  	[tilespmem:s22+$0x2000] =	vst v3  }
0x103: {  	v3 =	vld.idx.msk [tilespmem:v4+s4+$0x0], $0xffff;
	_ =	sdelay $0x1  }
0x104: {  	v7 =	vor.u32 $0x14, v2;
	_ =	sdelay $0x3  }
0x105: {  	v4 =	vshrl.u32 v3, $0x4;
	v3 =	vand.u32 $0xF, v3  }
0x106: {  	[tilespmem:s22+$0x5600] =	vst v4  }
0x107: {  	[tilespmem:s22+$0x2200] =	vst v3  }
0x108: {  	v3 =	vld.idx.msk [tilespmem:v5+s4+$0x0], $0xffff  }
0x109: {  	v5 =	vor.u32 $0x15, v2;
	_ =	sdelay $0x4  }
0x10a: {  	v4 =	vshrl.u32 v3, $0x4;
	v3 =	vand.u32 $0xF, v3  }
0x10b: {  	[tilespmem:s22+$0x5800] =	vst v4  }
0x10c: {  	[tilespmem:s22+$0x2400] =	vst v3  }
0x10d: {  	v3 =	vld.idx.msk [tilespmem:v6+s4+$0x0], $0xffff;
	v6 =	vor.u32 $0x16, v2;
	_ =	sdelay $0x5  }
0x10e: {  	v4 =	vshrl.u32 v3, $0x4;
	v3 =	vand.u32 $0xF, v3  }
0x10f: {  	[tilespmem:s22+$0x5A00] =	vst v4  }
0x110: {  	v4 =	vor.u32 $0x17, v2;
	[tilespmem:s22+$0x2600] =	vst v3  }
0x111: {  	v3 =	vld.idx.msk [tilespmem:v7+s4+$0x0], $0xffff;
	_ =	sdelay $0x5  }
0x112: {  	v7 =	vshrl.u32 v3, $0x4;
	v8 =	vand.u32 $0xF, v3  }
0x113: {  	v3 =	vor.u32 $0x18, v2;
	[tilespmem:s22+$0x5C00] =	vst v7  }
0x114: {  	[tilespmem:s22+$0x2800] =	vst v8  }
0x115: {  	v5 =	vld.idx.msk [tilespmem:v5+s4+$0x0], $0xffff;
	_ =	sdelay $0x5  }
0x116: {  	v2 =	vor.u32 $0x19, v2;
	v7 =	vshrl.u32 v5, $0x4;
	v5 =	vand.u32 $0xF, v5  }
0x117: {  	[tilespmem:s22+$0x5E00] =	vst v7  }
0x118: {  	[tilespmem:s22+$0x2A00] =	vst v5  }
0x119: {  	v5 =	vld.idx.msk [tilespmem:v6+s4+$0x0], $0xffff;
	_ =	sdelay $0x3  }
.Ltmp0:
0x11a: {  	(pc) =	sbr.rel @p0 .LBB2_2-.Ltmp0, $4  }
0x11b: {  	_ = 	snop  }
0x11c: {  	v6 =	vshrl.u32 v5, $0x4;
	v5 =	vand.u32 $0xF, v5  }
0x11d: {  	[tilespmem:s22+$0x6000] =	vst v6  }
0x11e: {  	[tilespmem:s22+$0x2C00] =	vst v5  }
0x11f: {  	_ =	sdelay $0x3  }
0x120: {  	v4 =	vld.idx.msk [tilespmem:v4+s4+$0x0], $0xffff;
	_ =	sdelay $0x4  }
0x121: {  	v5 =	vshrl.u32 v4, $0x4  }
0x122: {  	v4 =	vand.u32 $0xF, v4;
	[tilespmem:s22+$0x6200] =	vst v5  }
0x123: {  	[tilespmem:s22+$0x2E00] =	vst v4  }
0x124: {  	v3 =	vld.idx.msk [tilespmem:v3+s4+$0x0], $0xffff;
	_ =	sdelay $0x4  }
0x125: {  	v4 =	vshrl.u32 v3, $0x4  }
0x126: {  	v3 =	vand.u32 $0xF, v3;
	[tilespmem:s22+$0x6400] =	vst v4  }
0x127: {  	[tilespmem:s22+$0x3000] =	vst v3  }
0x128: {  	v2 =	vld.idx.msk [tilespmem:v2+s4+$0x0], $0xffff;
	_ =	sdelay $0x4  }
0x129: {  	v3 =	vshrl.u32 v2, $0x4  }
0x12a: {  	v2 =	vand.u32 $0xF, v2;
	[tilespmem:s22+$0x6600] =	vst v3  }
0x12b: {  	s25 =	rddreg [dreg:$0x9];
	s23 =	simm.s32 $0x3400;
	[tilespmem:s22+$0x3200] =	vst v2  }
0x12c: {  	[tilespmem:s8], [sflag:$0x1] =	stream.indirect.gather [hbm4b:s25+s7], $0x10, s23, s7, $0xb8;
	[tilespmem:$0x18AD0] =	vst v63  }
0x12d: {  	s24 =	rddreg [dreg:$0x0];
	s25 =	simm.s32 $0x3600  }
0x12e: {  	[tilespmem:s9], [sflag:$0x2] =	stream.indirect.gather [hbm4b:s24+s7], $0x10, s25, s7, $0xb8;
	[tilespmem:$0x18AD0] =	vst v63  }
0x12f: {  	s23 =	rddreg [dreg:$0x4];
	s24 =	simm.s32 $0x3800  }
0x130: {  	[tilespmem:s10], [sflag:$0x3] =	stream.indirect.gather [hbm4b:s23+s7], $0x10, s24, s7, $0xb8;
	[tilespmem:$0x18AD0] =	vst v63  }
0x131: {  	s22 =	simm.s32 $0x0;
	s25 =	rddreg [dreg:$0x5];
	s24 =	simm.s32 $0x3A00  }
0x132: {  	v2 =	vmov s22;
	[tilespmem:s11], [sflag:$0x4] =	stream.indirect.gather [hbm4b:s25+s7], $0x10, s24, s7, $0xb8;
	[tilespmem:$0x18AD0] =	vst v63  }
0x133: {  	v2 =	vshll.u32 v2, $0x4;
	s24 =	rddreg [dreg:$0x6];
	s25 =	simm.s32 $0x3C00  }
0x134: {  	v13 =	vor.u32 v1, v2;
	[tilespmem:s12], [sflag:$0x5] =	stream.indirect.gather [hbm4b:s24+s7], $0x10, s25, s7, $0xb8;
	[tilespmem:$0x18AD0] =	vst v63  }
0x135: {  	v2 =	vor.u32 $0x1, v13;
	s24 =	rddreg [dreg:$0x7];
	s25 =	simm.s32 $0x3E00  }
0x136: {  	[tilespmem:s13], [sflag:$0x6] =	stream.indirect.gather [hbm4b:s24+s7], $0x10, s25, s7, $0xb8;
	[tilespmem:$0x18AD0] =	vst v63  }
0x137: {  	v4 =	vor.u32 $0x2, v13;
	v3 =	vld [tilespmem:$0x18800]  }
0x138: {  	v6 =	vld [tilespmem:$0x18810]  }
0x139: {  	v8 =	vor.u32 $0x3, v13;
	v5 =	vld.idx.msk [tilespmem:v13+s5+$0x0], $0xffff  }
0x13a: {  	v9 =	vld.idx.msk [tilespmem:v2+s5+$0x0], $0xffff  }
0x13b: {  	v10 =	vor.u32 $0x4, v13;
	v7 =	vld [tilespmem:$0x18820]  }
0x13c: {  	v12 =	vor.u32 $0x5, v13;
	v11 =	vld.idx.msk [tilespmem:v4+s5+$0x0], $0xffff  }
0x13d: {  	v4 =	vld [tilespmem:$0x18830]  }
0x13e: {  	v15 =	vor.u32 $0x6, v13;
	v14 =	vld.idx.msk [tilespmem:v8+s5+$0x0], $0xffff  }
0x13f: {  	v2 =	vld [tilespmem:$0x18840];
	v8 =	vmul.f32 v5, v3;
	v9 =	vmul.f32 v9, v6  }
0x140: {  	v16 =	vor.u32 $0x7, v13;
	v10 =	vld.idx.msk [tilespmem:v10+s5+$0x0], $0xffff  }
0x141: {  	v12 =	vld.idx.msk [tilespmem:v12+s5+$0x0], $0xffff;
	v11 =	vmul.f32 v11, v7;
	v9 =	vadd.f32 v9, v8  }
0x142: {  	v17 =	vor.u32 $0x8, v13;
	v5 =	vld [tilespmem:$0x18850]  }
0x143: {  	v15 =	vld.idx.msk [tilespmem:v15+s5+$0x0], $0xffff;
	v14 =	vmul.f32 v14, v4;
	v11 =	vadd.f32 v11, v9  }
0x144: {  	v18 =	vor.u32 $0x9, v13;
	v8 =	vld [tilespmem:$0x18860]  }
0x145: {  	v16 =	vld.idx.msk [tilespmem:v16+s5+$0x0], $0xffff;
	v11 =	vadd.f32 v14, v11;
	v14 =	vmul.f32 v10, v2  }
0x146: {  	v9 =	vld [tilespmem:$0x18870]  }
0x147: {  	v19 =	vor.u32 $0xA, v13;
	v17 =	vld.idx.msk [tilespmem:v17+s5+$0x0], $0xffff;
	v12 =	vmul.f32 v12, v5;
	v14 =	vadd.f32 v14, v11  }
0x148: {  	v10 =	vld [tilespmem:$0x18880]  }
0x149: {  	v20 =	vor.u32 $0xB, v13;
	v18 =	vld.idx.msk [tilespmem:v18+s5+$0x0], $0xffff;
	v15 =	vmul.f32 v15, v8;
	v14 =	vadd.f32 v12, v14  }
0x14a: {  	v11 =	vld [tilespmem:$0x18890]  }
0x14b: {  	v21 =	vor.u32 $0xC, v13;
	v12 =	vld [tilespmem:$0x188A0];
	v14 =	vadd.f32 v15, v14;
	v15 =	vmul.f32 v16, v9  }
0x14c: {  	v16 =	vld.idx.msk [tilespmem:v19+s5+$0x0], $0xffff  }
0x14d: {  	v13 =	vld [tilespmem:$0x188B0];
	v17 =	vmul.f32 v17, v10;
	v15 =	vadd.f32 v15, v14  }
0x14e: {  	v19 =	vld.idx.msk [tilespmem:v20+s5+$0x0], $0xffff  }
0x14f: {  	v14 =	vld [tilespmem:$0x188C0];
	v15 =	vadd.f32 v17, v15;
	v17 =	vmul.f32 v18, v11  }
0x150: {  	v18 =	vld.idx.msk [tilespmem:v21+s5+$0x0], $0xffff  }
0x151: {  	v16 =	vmul.f32 v16, v12;
	v15 =	vadd.f32 v17, v15  }
0x152: {  	s24 =	simm.s32 $0x10  }
0x153: {  	v17 =	vmov s24;
	v15 =	vadd.f32 v16, v15;
	v16 =	vmul.f32 v19, v13  }
0x154: {  	v17 =	vshll.u32 v17, $0x4  }
0x155: {  	v17 =	vor.u32 v1, v17;
	v15 =	vadd.f32 v16, v15;
	v16 =	vmul.f32 v18, v14  }
0x156: {  	v18 =	vor.u32 $0x1, v17  }
0x157: {  	v15 =	vadd.f32 v16, v15  }
0x158: {  	s22 =	simm.s32 $0x188D0;
	v16 =	vor.u32 $0x2, v17  }
0x159: {  	[tilespmem:s22+$0x0] =	vst v15  }
0x15a: {  	v19 =	vor.u32 $0x3, v17;
	v15 =	vld.idx.msk [tilespmem:v17+s5+$0x0], $0xffff  }
0x15b: {  	v18 =	vld.idx.msk [tilespmem:v18+s5+$0x0], $0xffff  }
0x15c: {  	v20 =	vor.u32 $0x4, v17  }
0x15d: {  	v16 =	vld.idx.msk [tilespmem:v16+s5+$0x0], $0xffff  }
0x15e: {  	v59 =	vor.u32 $0x5, v17  }
0x15f: {  	v19 =	vld.idx.msk [tilespmem:v19+s5+$0x0], $0xffff  }
0x160: {  	v22 =	vor.u32 $0x6, v17;
	v15 =	vmul.f32 v15, v3;
	v18 =	vmul.f32 v18, v6  }
0x161: {  	v20 =	vld.idx.msk [tilespmem:v20+s5+$0x0], $0xffff  }
0x162: {  	v23 =	vor.u32 $0x7, v17;
	v15 =	vadd.f32 v18, v15;
	v16 =	vmul.f32 v16, v7  }
0x163: {  	v18 =	vld.idx.msk [tilespmem:v59+s5+$0x0], $0xffff  }
0x164: {  	v60 =	vor.u32 $0x8, v17;
	v15 =	vadd.f32 v16, v15;
	v16 =	vmul.f32 v19, v4  }
0x165: {  	v19 =	vld.idx.msk [tilespmem:v22+s5+$0x0], $0xffff  }
0x166: {  	v61 =	vor.u32 $0x9, v17;
	v15 =	vadd.f32 v16, v15;
	v16 =	vmul.f32 v20, v2  }
0x167: {  	v20 =	vld.idx.msk [tilespmem:v23+s5+$0x0], $0xffff  }
0x168: {  	v15 =	vadd.f32 v16, v15;
	v16 =	vmul.f32 v18, v5  }
0x169: {  	v62 =	vor.u32 $0xA, v17;
	v18 =	vld.idx.msk [tilespmem:v60+s5+$0x0], $0xffff  }
0x16a: {  	v15 =	vadd.f32 v16, v15;
	v16 =	vmul.f32 v19, v8  }
0x16b: {  	v63 =	vor.u32 $0xB, v17;
	v19 =	vld.idx.msk [tilespmem:v61+s5+$0x0], $0xffff  }
0x16c: {  	v15 =	vadd.f32 v16, v15;
	v16 =	vmul.f32 v20, v9  }
0x16d: {  	v17 =	vor.u32 $0xC, v17  }
0x16e: {  	v20 =	vld.idx.msk [tilespmem:v62+s5+$0x0], $0xffff;
	v15 =	vadd.f32 v16, v15;
	v16 =	vmul.f32 v18, v10;
	_ =	sdelay $0x1  }
0x16f: {  	v18 =	vld.idx.msk [tilespmem:v63+s5+$0x0], $0xffff;
	v15 =	vadd.f32 v16, v15;
	v16 =	vmul.f32 v19, v11;
	_ =	sdelay $0x1  }
0x170: {  	v16 =	vadd.f32 v16, v15;
	v15 =	vld.idx.msk [tilespmem:v17+s5+$0x0], $0xffff  }
0x171: {  	v19 =	vmul.f32 v20, v12  }
0x172: {  	s25 =	simm.s32 $0x20  }
0x173: {  	s23 =	simm.s32 $0x30;
	v17 =	vmov s25;
	v18 =	vmul.f32 v18, v13;
	v16 =	vadd.f32 v19, v16  }
.LBB2_4:
0x174: {  	p0 =	sne.s32 s23, $0x1F0;
	v17 =	vshll.u32 v17, $0x4  }
0x175: {  	v15 =	vmul.f32 v15, v14;
	v17 =	vor.u32 v1, v17;
	v16 =	vadd.f32 v18, v16  }
0x176: {  	v18 =	vor.u32 $0x1, v17  }
0x177: {  	v15 =	vadd.f32 v15, v16  }
0x178: {  	s22 =	sadd.s32 $0x10, s22;
	v16 =	vor.u32 $0x2, v17  }
0x179: {  	[tilespmem:s22+$0x0] =	vst v15  }
0x17a: {  	v19 =	vor.u32 $0x3, v17;
	v15 =	vld.idx.msk [tilespmem:v17+s5+$0x0], $0xffff  }
0x17b: {  	v18 =	vld.idx.msk [tilespmem:v18+s5+$0x0], $0xffff  }
0x17c: {  	v20 =	vor.u32 $0x4, v17  }
0x17d: {  	v16 =	vld.idx.msk [tilespmem:v16+s5+$0x0], $0xffff  }
0x17e: {  	v21 =	vor.u32 $0x5, v17  }
0x17f: {  	v19 =	vld.idx.msk [tilespmem:v19+s5+$0x0], $0xffff  }
0x180: {  	v22 =	vor.u32 $0x6, v17  }
0x181: {  	v15 =	vmul.f32 v15, v3;
	v18 =	vmul.f32 v18, v6;
	v20 =	vld.idx.msk [tilespmem:v20+s5+$0x0], $0xffff  }
0x182: {  	v23 =	vor.u32 $0x7, v17  }
0x183: {  	v15 =	vadd.f32 v18, v15;
	v16 =	vmul.f32 v16, v7;
	v18 =	vld.idx.msk [tilespmem:v21+s5+$0x0], $0xffff  }
0x184: {  	v21 =	vor.u32 $0x8, v17  }
0x185: {  	v15 =	vadd.f32 v16, v15;
	v16 =	vmul.f32 v19, v4;
	v19 =	vld.idx.msk [tilespmem:v22+s5+$0x0], $0xffff  }
0x186: {  	v22 =	vor.u32 $0x9, v17  }
0x187: {  	v15 =	vadd.f32 v16, v15;
	v16 =	vmul.f32 v20, v2;
	v20 =	vld.idx.msk [tilespmem:v23+s5+$0x0], $0xffff  }
0x188: {  	v23 =	vor.u32 $0xA, v17  }
0x189: {  	v15 =	vadd.f32 v16, v15;
	v16 =	vmul.f32 v18, v5;
	v18 =	vld.idx.msk [tilespmem:v21+s5+$0x0], $0xffff  }
0x18a: {  	v21 =	vor.u32 $0xB, v17  }
0x18b: {  	v15 =	vadd.f32 v16, v15;
	v16 =	vmul.f32 v19, v8;
	v19 =	vld.idx.msk [tilespmem:v22+s5+$0x0], $0xffff  }
0x18c: {  	v17 =	vor.u32 $0xC, v17  }
0x18d: {  	v15 =	vadd.f32 v16, v15;
	v16 =	vmul.f32 v20, v9;
	v20 =	vld.idx.msk [tilespmem:v23+s5+$0x0], $0xffff;
	_ =	sdelay $0x1  }
0x18e: {  	v15 =	vadd.f32 v16, v15;
	v16 =	vmul.f32 v18, v10;
	v18 =	vld.idx.msk [tilespmem:v21+s5+$0x0], $0xffff;
	_ =	sdelay $0x1  }
.Ltmp1:
0x18f: {  	v16 =	vadd.f32 v16, v15;
	v19 =	vmul.f32 v19, v11;
	v15 =	vld.idx.msk [tilespmem:v17+s5+$0x0], $0xffff;
	(pc) =	sbr.rel @p0 .LBB2_4-.Ltmp1, $3  }
0x190: {  	_ = 	snop  }
0x191: {  	v16 =	vadd.f32 v19, v16;
	v19 =	vmul.f32 v20, v12;
	_ =	sdelay $0x1  }
0x192: {  	v17 =	vmov s23;
	s23 =	sadd.s32 $0x10, s23;
	v16 =	vadd.f32 v19, v16;
	v18 =	vmul.f32 v18, v13  }
0x193: {  	v17 =	vshll.u32 v17, $0x4  }
0x194: {  	v15 =	vmul.f32 v15, v14;
	v17 =	vor.u32 v1, v17;
	v16 =	vadd.f32 v18, v16  }
0x195: {  	v45 =	vor.u32 $0x1, v17  }
0x196: {  	v15 =	vadd.f32 v15, v16  }
0x197: {  	s22 =	sadd.s32 $0x10, s22;
	v46 =	vor.u32 $0x2, v17  }
0x198: {  	[tilespmem:s22+$0x0] =	vst v15  }
0x199: {  	v19 =	vor.u32 $0x3, v17;
	v15 =	vld.idx.msk [tilespmem:v17+s5+$0x0], $0xffff  }
0x19a: {  	v18 =	vld.idx.msk [tilespmem:v45+s5+$0x0], $0xffff  }
0x19b: {  	v20 =	vor.u32 $0x4, v17  }
0x19c: {  	v16 =	vld.idx.msk [tilespmem:v46+s5+$0x0], $0xffff  }
0x19d: {  	v21 =	vor.u32 $0x5, v17  }
0x19e: {  	v19 =	vld.idx.msk [tilespmem:v19+s5+$0x0], $0xffff  }
0x19f: {  	v22 =	vor.u32 $0x6, v17;
	v3 =	vmul.f32 v15, v3;
	v6 =	vmul.f32 v18, v6  }
0x1a0: {  	v47 =	vld.idx.msk [tilespmem:v20+s5+$0x0], $0xffff  }
0x1a1: {  	v48 =	vor.u32 $0x7, v17;
	v49 =	vmul.f32 v16, v7;
	v3 =	vadd.f32 v6, v3  }
0x1a2: {  	v50 =	vld.idx.msk [tilespmem:v21+s5+$0x0], $0xffff  }
0x1a3: {  	v51 =	vor.u32 $0x8, v17;
	v4 =	vmul.f32 v19, v4;
	v3 =	vadd.f32 v49, v3  }
0x1a4: {  	v52 =	vld.idx.msk [tilespmem:v22+s5+$0x0], $0xffff  }
0x1a5: {  	v53 =	vor.u32 $0x9, v17;
	v2 =	vmul.f32 v47, v2;
	v3 =	vadd.f32 v4, v3  }
0x1a6: {  	v54 =	vld.idx.msk [tilespmem:v48+s5+$0x0], $0xffff  }
0x1a7: {  	v55 =	vor.u32 $0xA, v17;
	v2 =	vadd.f32 v2, v3;
	v3 =	vmul.f32 v50, v5  }
0x1a8: {  	v56 =	vld.idx.msk [tilespmem:v51+s5+$0x0], $0xffff  }
0x1a9: {  	v57 =	vor.u32 $0xB, v17;
	v2 =	vadd.f32 v3, v2;
	v3 =	vmul.f32 v52, v8  }
0x1aa: {  	v58 =	vld.idx.msk [tilespmem:v53+s5+$0x0], $0xffff  }
0x1ab: {  	v59 =	vor.u32 $0xC, v17;
	v2 =	vadd.f32 v3, v2;
	v3 =	vmul.f32 v54, v9  }
0x1ac: {  	v60 =	vld.idx.msk [tilespmem:v55+s5+$0x0], $0xffff  }
0x1ad: {  	v2 =	vadd.f32 v3, v2;
	v3 =	vmul.f32 v56, v10  }
0x1ae: {  	v61 =	vld.idx.msk [tilespmem:v57+s5+$0x0], $0xffff  }
0x1af: {  	v2 =	vadd.f32 v3, v2;
	v3 =	vmul.f32 v58, v11  }
0x1b0: {  	v62 =	vld.idx.msk [tilespmem:v59+s5+$0x0], $0xffff  }
0x1b1: {  	v2 =	vadd.f32 v3, v2;
	v3 =	vmul.f32 v60, v12;
	_ =	sdelay $0x1  }
0x1b2: {  	v2 =	vadd.f32 v3, v2;
	v3 =	vmul.f32 v61, v13;
	_ =	sdelay $0x1  }
0x1b3: {  	v2 =	vadd.f32 v3, v2;
	v3 =	vmul.f32 v62, v14;
	_ =	sdelay $0x1  }
0x1b4: {  	v2 =	vadd.f32 v3, v2  }
0x1b5: {  	s22 =	sadd.s32 $0x10, s22  }
0x1b6: {  	[tilespmem:s22+$0x0] =	vst v2  }
0x1b7: {  	_ =	swait.ge [sflag:s14], $0x2000  }
0x1b8: {  	[sflag:s14] =	ssyncset.done $0x0  }
0x1b9: {  	s25 =	simm.s32 $0x0;
	[sflag:s14] =	ssyncadd.s32 $0xFFFFE000  }
0x1ba: {  	v2 =	vld [tilespmem:s25+$0x0];
	_ =	sdelay $0x2  }
0x1bb: {  	v3 =	vmov s25  }
0x1bc: {  	v3 =	vshll.u32 v3, $0x4  }
0x1bd: {  	v3 =	vor.u32 v1, v3;
	v63 =	vand.u32 $0xFFFFFFF8, v2  }
0x1be: {  	v2 =	vand.u32 $0x7, v2;
	v3 =	vadd.s32 v3, v63  }
0x1bf: {  	v2 =	vor.u32 v2, v3;
	_ =	sdelay $0x2  }
0x1c0: {  	s22 =	simm.s32 $0x188D0  }
0x1c1: {  	v3 =	vld [tilespmem:s22+$0x0]  }
0x1c2: {  	v2 =	vld.idx.msk [tilespmem:v2+s8+$0x0], $0xffff;
	_ =	sdelay $0x4  }
0x1c3: {  	v2 =	vadd.f32 v3, v2;
	_ =	sdelay $0x1  }
0x1c4: {  	s23 =	simm.s32 $0x10;
	[tilespmem:s22+$0x0] =	vst v2  }
0x1c5: {  	s24 =	simm.s32 $0x20;
	s25 =	simm.s32 $0x10;
	v2 =	vld [tilespmem:s23+$0x0]  }
.LBB2_6:
0x1c6: {  	p0 =	sne.s32 s24, $0x1F0;
	_ =	sdelay $0x1  }
0x1c7: {  	v3 =	vmov s23;
	s23 =	smov.u32 s24  }
0x1c8: {  	v3 =	vshll.u32 v3, $0x4  }
0x1c9: {  	v3 =	vor.u32 v1, v3;
	v4 =	vand.u32 $0xFFFFFFF8, v2  }
0x1ca: {  	v2 =	vand.u32 $0x7, v2;
	v3 =	vadd.s32 v3, v4  }
0x1cb: {  	v2 =	vor.u32 v2, v3;
	_ =	sdelay $0x4  }
0x1cc: {  	s22 =	sadd.s32 $0x10, s22;
	v2 =	vld.idx.msk [tilespmem:v2+s8+$0x0], $0xffff  }
0x1cd: {  	v3 =	vld [tilespmem:s22+$0x0];
	_ =	sdelay $0x3  }
.Ltmp2:
0x1ce: {  	(pc) =	sbr.rel @p0 .LBB2_6-.Ltmp2, $3  }
0x1cf: {  	v2 =	vadd.f32 v3, v2;
	_ =	sdelay $0x1  }
0x1d0: {  	s25 =	sadd.s32 $0x10, s25;
	[tilespmem:s22+$0x0] =	vst v2  }
0x1d1: {  	s24 =	sadd.s32 $0x10, s24;
	v2 =	vld [tilespmem:s25+$0x0]  }
0x1d2: {  	_ =	sdelay $0x1  }
0x1d3: {  	v3 =	vmov s23  }
0x1d4: {  	v3 =	vshll.u32 v3, $0x4  }
0x1d5: {  	v3 =	vor.u32 v1, v3;
	v4 =	vand.u32 $0xFFFFFFF8, v2  }
0x1d6: {  	v2 =	vand.u32 $0x7, v2;
	v3 =	vadd.s32 v3, v4  }
0x1d7: {  	v2 =	vor.u32 v2, v3;
	_ =	sdelay $0x2  }
0x1d8: {  	s22 =	sadd.s32 $0x10, s22  }
0x1d9: {  	v3 =	vld [tilespmem:s22+$0x0]  }
0x1da: {  	v2 =	vld.idx.msk [tilespmem:v2+s8+$0x0], $0xffff;
	_ =	sdelay $0x4  }
0x1db: {  	v2 =	vadd.f32 v3, v2;
	_ =	sdelay $0x1  }
0x1dc: {  	s25 =	rddreg [dreg:$0x8];
	s24 =	simm.s32 $0x4000;
	[tilespmem:s22+$0x0] =	vst v2;
	s22 =	simm.s32 $0x200  }
0x1dd: {  	[tilespmem:s8], [sflag:$0x1] =	stream.indirect.gather [hbm4b:s25+s22], $0x10, s24, s22, $0xb8;
	[tilespmem:$0x18AD0] =	vst v63  }
0x1de: {  	_ =	swait.ge [sflag:s15], $0x2000  }
0x1df: {  	[sflag:s15] =	ssyncset.done $0x0  }
0x1e0: {  	[sflag:s15] =	ssyncadd.s32 $0xFFFFE000  }
0x1e1: {  	v2 =	vld [tilespmem:s22+$0x0];
	_ =	sdelay $0x1  }
0x1e2: {  	s25 =	simm.s32 $0x0  }
0x1e3: {  	v3 =	vmov s25  }
0x1e4: {  	v3 =	vshll.u32 v3, $0x4  }
0x1e5: {  	v3 =	vor.u32 v1, v3;
	v63 =	vand.u32 $0xFFFFFFF8, v2  }
0x1e6: {  	v2 =	vand.u32 $0x7, v2;
	v3 =	vadd.s32 v3, v63  }
0x1e7: {  	v2 =	vor.u32 v2, v3;
	_ =	sdelay $0x2  }
0x1e8: {  	s22 =	simm.s32 $0x188D0  }
0x1e9: {  	v3 =	vld [tilespmem:s22+$0x0]  }
0x1ea: {  	v2 =	vld.idx.msk [tilespmem:v2+s9+$0x0], $0xffff;
	_ =	sdelay $0x4  }
0x1eb: {  	v2 =	vadd.f32 v3, v2;
	_ =	sdelay $0x1  }
0x1ec: {  	s23 =	simm.s32 $0x210;
	[tilespmem:s22+$0x0] =	vst v2  }
0x1ed: {  	s24 =	simm.s32 $0x10;
	s25 =	simm.s32 $0x20;
	v2 =	vld [tilespmem:s23+$0x0]  }
.LBB2_8:
0x1ee: {  	p0 =	sne.s32 s25, $0x1F0;
	_ =	sdelay $0x1  }
0x1ef: {  	v3 =	vmov s24;
	s24 =	smov.u32 s25  }
0x1f0: {  	v3 =	vshll.u32 v3, $0x4  }
0x1f1: {  	v3 =	vor.u32 v1, v3;
	v4 =	vand.u32 $0xFFFFFFF8, v2  }
0x1f2: {  	v2 =	vand.u32 $0x7, v2;
	v3 =	vadd.s32 v3, v4  }
0x1f3: {  	v2 =	vor.u32 v2, v3;
	_ =	sdelay $0x4  }
0x1f4: {  	s22 =	sadd.s32 $0x10, s22;
	v2 =	vld.idx.msk [tilespmem:v2+s9+$0x0], $0xffff  }
0x1f5: {  	v3 =	vld [tilespmem:s22+$0x0];
	_ =	sdelay $0x3  }
.Ltmp3:
0x1f6: {  	(pc) =	sbr.rel @p0 .LBB2_8-.Ltmp3, $3  }
0x1f7: {  	v2 =	vadd.f32 v3, v2;
	_ =	sdelay $0x1  }
0x1f8: {  	s23 =	sadd.s32 $0x10, s23;
	[tilespmem:s22+$0x0] =	vst v2  }
0x1f9: {  	s25 =	sadd.s32 $0x10, s25;
	v2 =	vld [tilespmem:s23+$0x0]  }
0x1fa: {  	_ =	sdelay $0x1  }
0x1fb: {  	v3 =	vmov s24  }
0x1fc: {  	v3 =	vshll.u32 v3, $0x4  }
0x1fd: {  	v3 =	vor.u32 v1, v3;
	v4 =	vand.u32 $0xFFFFFFF8, v2  }
0x1fe: {  	v2 =	vand.u32 $0x7, v2;
	v3 =	vadd.s32 v3, v4  }
0x1ff: {  	v2 =	vor.u32 v2, v3;
	_ =	sdelay $0x2  }
0x200: {  	s22 =	sadd.s32 $0x10, s22  }
0x201: {  	v3 =	vld [tilespmem:s22+$0x0]  }
0x202: {  	v2 =	vld.idx.msk [tilespmem:v2+s9+$0x0], $0xffff;
	_ =	sdelay $0x4  }
0x203: {  	v2 =	vadd.f32 v3, v2;
	_ =	sdelay $0x1  }
0x204: {  	s25 =	rddreg [dreg:$0xa];
	s23 =	simm.s32 $0x4200;
	[tilespmem:s22+$0x0] =	vst v2  }
0x205: {  	[tilespmem:s9], [sflag:$0x2] =	stream.indirect.gather [hbm4b:s25+s7], $0x10, s23, s7, $0xb8;
	[tilespmem:$0x18AD0] =	vst v63  }
0x206: {  	_ =	swait.ge [sflag:s16], $0x2000  }
0x207: {  	[sflag:s16] =	ssyncset.done $0x0  }
0x208: {  	s24 =	simm.s32 $0x400;
	[sflag:s16] =	ssyncadd.s32 $0xFFFFE000  }
0x209: {  	v2 =	vld [tilespmem:s24+$0x0];
	_ =	sdelay $0x1  }
0x20a: {  	s25 =	simm.s32 $0x0  }
0x20b: {  	v3 =	vmov s25  }
0x20c: {  	v3 =	vshll.u32 v3, $0x4  }
0x20d: {  	v3 =	vor.u32 v1, v3;
	v63 =	vand.u32 $0xFFFFFFF8, v2  }
0x20e: {  	v2 =	vand.u32 $0x7, v2;
	v3 =	vadd.s32 v3, v63  }
0x20f: {  	v2 =	vor.u32 v2, v3;
	_ =	sdelay $0x2  }
0x210: {  	s22 =	simm.s32 $0x188D0  }
0x211: {  	v3 =	vld [tilespmem:s22+$0x0]  }
0x212: {  	v2 =	vld.idx.msk [tilespmem:v2+s10+$0x0], $0xffff;
	_ =	sdelay $0x4  }
0x213: {  	v2 =	vadd.f32 v3, v2;
	_ =	sdelay $0x1  }
0x214: {  	s23 =	simm.s32 $0x410;
	[tilespmem:s22+$0x0] =	vst v2  }
0x215: {  	s25 =	simm.s32 $0x20;
	s24 =	simm.s32 $0x10;
	v2 =	vld [tilespmem:s23+$0x0]  }
.LBB2_10:
0x216: {  	p0 =	sne.s32 s25, $0x1F0;
	_ =	sdelay $0x1  }
0x217: {  	v3 =	vmov s24;
	s24 =	smov.u32 s25  }
0x218: {  	v3 =	vshll.u32 v3, $0x4  }
0x219: {  	v3 =	vor.u32 v1, v3;
	v4 =	vand.u32 $0xFFFFFFF8, v2  }
0x21a: {  	v2 =	vand.u32 $0x7, v2;
	v3 =	vadd.s32 v3, v4  }
0x21b: {  	v2 =	vor.u32 v2, v3;
	_ =	sdelay $0x4  }
0x21c: {  	s22 =	sadd.s32 $0x10, s22;
	v2 =	vld.idx.msk [tilespmem:v2+s10+$0x0], $0xffff  }
0x21d: {  	v3 =	vld [tilespmem:s22+$0x0];
	_ =	sdelay $0x3  }
.Ltmp4:
0x21e: {  	(pc) =	sbr.rel @p0 .LBB2_10-.Ltmp4, $3  }
0x21f: {  	v2 =	vadd.f32 v3, v2;
	_ =	sdelay $0x1  }
0x220: {  	s23 =	sadd.s32 $0x10, s23;
	[tilespmem:s22+$0x0] =	vst v2  }
0x221: {  	s25 =	sadd.s32 $0x10, s25;
	v2 =	vld [tilespmem:s23+$0x0]  }
0x222: {  	_ =	sdelay $0x1  }
0x223: {  	v3 =	vmov s24  }
0x224: {  	v3 =	vshll.u32 v3, $0x4  }
0x225: {  	v3 =	vor.u32 v1, v3;
	v4 =	vand.u32 $0xFFFFFFF8, v2  }
0x226: {  	v2 =	vand.u32 $0x7, v2;
	v3 =	vadd.s32 v3, v4  }
0x227: {  	v2 =	vor.u32 v2, v3;
	_ =	sdelay $0x2  }
0x228: {  	s22 =	sadd.s32 $0x10, s22  }
0x229: {  	v3 =	vld [tilespmem:s22+$0x0]  }
0x22a: {  	v2 =	vld.idx.msk [tilespmem:v2+s10+$0x0], $0xffff;
	_ =	sdelay $0x4  }
0x22b: {  	v2 =	vadd.f32 v3, v2;
	_ =	sdelay $0x1  }
0x22c: {  	s25 =	rddreg [dreg:$0xb];
	s23 =	simm.s32 $0x4400;
	[tilespmem:s22+$0x0] =	vst v2  }
0x22d: {  	[tilespmem:s10], [sflag:$0x3] =	stream.indirect.gather [hbm4b:s25+s7], $0x10, s23, s7, $0xb8;
	[tilespmem:$0x18AD0] =	vst v63  }
0x22e: {  	_ =	swait.ge [sflag:s17], $0x2000  }
0x22f: {  	[sflag:s17] =	ssyncset.done $0x0  }
0x230: {  	s24 =	simm.s32 $0x600;
	[sflag:s17] =	ssyncadd.s32 $0xFFFFE000  }
0x231: {  	v2 =	vld [tilespmem:s24+$0x0];
	_ =	sdelay $0x1  }
0x232: {  	s25 =	simm.s32 $0x0  }
0x233: {  	v3 =	vmov s25  }
0x234: {  	v3 =	vshll.u32 v3, $0x4  }
0x235: {  	v3 =	vor.u32 v1, v3;
	v63 =	vand.u32 $0xFFFFFFF8, v2  }
0x236: {  	v2 =	vand.u32 $0x7, v2;
	v3 =	vadd.s32 v3, v63  }
0x237: {  	v2 =	vor.u32 v2, v3;
	_ =	sdelay $0x2  }
0x238: {  	s22 =	simm.s32 $0x188D0  }
0x239: {  	v3 =	vld [tilespmem:s22+$0x0]  }
0x23a: {  	v2 =	vld.idx.msk [tilespmem:v2+s11+$0x0], $0xffff;
	_ =	sdelay $0x4  }
0x23b: {  	v2 =	vadd.f32 v3, v2;
	_ =	sdelay $0x1  }
0x23c: {  	s23 =	simm.s32 $0x610;
	[tilespmem:s22+$0x0] =	vst v2  }
0x23d: {  	s25 =	simm.s32 $0x20;
	s24 =	simm.s32 $0x10;
	v2 =	vld [tilespmem:s23+$0x0]  }
.LBB2_12:
0x23e: {  	p0 =	sne.s32 s25, $0x1F0;
	_ =	sdelay $0x1  }
0x23f: {  	v3 =	vmov s24;
	s24 =	smov.u32 s25  }
0x240: {  	v3 =	vshll.u32 v3, $0x4  }
0x241: {  	v3 =	vor.u32 v1, v3;
	v4 =	vand.u32 $0xFFFFFFF8, v2  }
0x242: {  	v2 =	vand.u32 $0x7, v2;
	v3 =	vadd.s32 v3, v4  }
0x243: {  	v2 =	vor.u32 v2, v3;
	_ =	sdelay $0x4  }
0x244: {  	s22 =	sadd.s32 $0x10, s22;
	v2 =	vld.idx.msk [tilespmem:v2+s11+$0x0], $0xffff  }
0x245: {  	v3 =	vld [tilespmem:s22+$0x0];
	_ =	sdelay $0x3  }
.Ltmp5:
0x246: {  	(pc) =	sbr.rel @p0 .LBB2_12-.Ltmp5, $3  }
0x247: {  	v2 =	vadd.f32 v3, v2;
	_ =	sdelay $0x1  }
0x248: {  	s23 =	sadd.s32 $0x10, s23;
	[tilespmem:s22+$0x0] =	vst v2  }
0x249: {  	s25 =	sadd.s32 $0x10, s25;
	v2 =	vld [tilespmem:s23+$0x0]  }
0x24a: {  	_ =	sdelay $0x1  }
0x24b: {  	v3 =	vmov s24  }
0x24c: {  	v3 =	vshll.u32 v3, $0x4  }
0x24d: {  	v3 =	vor.u32 v1, v3;
	v4 =	vand.u32 $0xFFFFFFF8, v2  }
0x24e: {  	v2 =	vand.u32 $0x7, v2;
	v3 =	vadd.s32 v3, v4  }
0x24f: {  	v2 =	vor.u32 v2, v3;
	_ =	sdelay $0x2  }
0x250: {  	s22 =	sadd.s32 $0x10, s22  }
0x251: {  	v3 =	vld [tilespmem:s22+$0x0]  }
0x252: {  	v2 =	vld.idx.msk [tilespmem:v2+s11+$0x0], $0xffff;
	_ =	sdelay $0x4  }
0x253: {  	v2 =	vadd.f32 v3, v2;
	_ =	sdelay $0x1  }
0x254: {  	s25 =	rddreg [dreg:$0xc];
	s23 =	simm.s32 $0x4600;
	[tilespmem:s22+$0x0] =	vst v2  }
0x255: {  	[tilespmem:s11], [sflag:$0x4] =	stream.indirect.gather [hbm4b:s25+s7], $0x10, s23, s7, $0xb8;
	[tilespmem:$0x18AD0] =	vst v63  }
0x256: {  	_ =	swait.ge [sflag:s18], $0x2000  }
0x257: {  	[sflag:s18] =	ssyncset.done $0x0  }
0x258: {  	s24 =	simm.s32 $0x800;
	[sflag:s18] =	ssyncadd.s32 $0xFFFFE000  }
0x259: {  	v2 =	vld [tilespmem:s24+$0x0];
	_ =	sdelay $0x1  }
0x25a: {  	s25 =	simm.s32 $0x0  }
0x25b: {  	v3 =	vmov s25  }
0x25c: {  	v3 =	vshll.u32 v3, $0x4  }
0x25d: {  	v3 =	vor.u32 v1, v3;
	v63 =	vand.u32 $0xFFFFFFF8, v2  }
0x25e: {  	v2 =	vand.u32 $0x7, v2;
	v3 =	vadd.s32 v3, v63  }
0x25f: {  	v2 =	vor.u32 v2, v3;
	_ =	sdelay $0x2  }
0x260: {  	s22 =	simm.s32 $0x188D0  }
0x261: {  	v3 =	vld [tilespmem:s22+$0x0]  }
0x262: {  	v2 =	vld.idx.msk [tilespmem:v2+s12+$0x0], $0xffff;
	_ =	sdelay $0x4  }
0x263: {  	v2 =	vadd.f32 v3, v2;
	_ =	sdelay $0x1  }
0x264: {  	s23 =	simm.s32 $0x810;
	[tilespmem:s22+$0x0] =	vst v2  }
0x265: {  	s25 =	simm.s32 $0x20;
	s24 =	simm.s32 $0x10;
	v2 =	vld [tilespmem:s23+$0x0]  }
.LBB2_14:
0x266: {  	p0 =	sne.s32 s25, $0x1F0;
	_ =	sdelay $0x1  }
0x267: {  	v3 =	vmov s24;
	s24 =	smov.u32 s25  }
0x268: {  	v3 =	vshll.u32 v3, $0x4  }
0x269: {  	v3 =	vor.u32 v1, v3;
	v4 =	vand.u32 $0xFFFFFFF8, v2  }
0x26a: {  	v2 =	vand.u32 $0x7, v2;
	v3 =	vadd.s32 v3, v4  }
0x26b: {  	v2 =	vor.u32 v2, v3;
	_ =	sdelay $0x4  }
0x26c: {  	s22 =	sadd.s32 $0x10, s22;
	v2 =	vld.idx.msk [tilespmem:v2+s12+$0x0], $0xffff  }
0x26d: {  	v3 =	vld [tilespmem:s22+$0x0];
	_ =	sdelay $0x3  }
.Ltmp6:
0x26e: {  	(pc) =	sbr.rel @p0 .LBB2_14-.Ltmp6, $3  }
0x26f: {  	v2 =	vadd.f32 v3, v2;
	_ =	sdelay $0x1  }
0x270: {  	s23 =	sadd.s32 $0x10, s23;
	[tilespmem:s22+$0x0] =	vst v2  }
0x271: {  	s25 =	sadd.s32 $0x10, s25;
	v2 =	vld [tilespmem:s23+$0x0]  }
0x272: {  	_ =	sdelay $0x1  }
0x273: {  	v3 =	vmov s24  }
0x274: {  	v3 =	vshll.u32 v3, $0x4  }
0x275: {  	v3 =	vor.u32 v1, v3;
	v4 =	vand.u32 $0xFFFFFFF8, v2  }
0x276: {  	v2 =	vand.u32 $0x7, v2;
	v3 =	vadd.s32 v3, v4  }
0x277: {  	v2 =	vor.u32 v2, v3;
	_ =	sdelay $0x2  }
0x278: {  	s22 =	sadd.s32 $0x10, s22  }
0x279: {  	v3 =	vld [tilespmem:s22+$0x0]  }
0x27a: {  	v2 =	vld.idx.msk [tilespmem:v2+s12+$0x0], $0xffff;
	_ =	sdelay $0x4  }
0x27b: {  	v2 =	vadd.f32 v3, v2;
	_ =	sdelay $0x1  }
0x27c: {  	s25 =	rddreg [dreg:$0xd];
	s23 =	simm.s32 $0x4800;
	[tilespmem:s22+$0x0] =	vst v2  }
0x27d: {  	[tilespmem:s12], [sflag:$0x5] =	stream.indirect.gather [hbm4b:s25+s7], $0x10, s23, s7, $0xb8;
	[tilespmem:$0x18AD0] =	vst v63  }
0x27e: {  	_ =	swait.ge [sflag:s19], $0x2000  }
0x27f: {  	[sflag:s19] =	ssyncset.done $0x0  }
0x280: {  	s24 =	simm.s32 $0xA00;
	[sflag:s19] =	ssyncadd.s32 $0xFFFFE000  }
0x281: {  	v2 =	vld [tilespmem:s24+$0x0];
	_ =	sdelay $0x1  }
0x282: {  	s25 =	simm.s32 $0x0  }
0x283: {  	v3 =	vmov s25  }
0x284: {  	v3 =	vshll.u32 v3, $0x4  }
0x285: {  	v3 =	vor.u32 v1, v3;
	v63 =	vand.u32 $0xFFFFFFF8, v2  }
0x286: {  	v2 =	vand.u32 $0x7, v2;
	v3 =	vadd.s32 v3, v63  }
0x287: {  	v2 =	vor.u32 v2, v3;
	_ =	sdelay $0x2  }
0x288: {  	s22 =	simm.s32 $0x188D0  }
0x289: {  	v3 =	vld [tilespmem:s22+$0x0]  }
0x28a: {  	v2 =	vld.idx.msk [tilespmem:v2+s13+$0x0], $0xffff;
	_ =	sdelay $0x4  }
0x28b: {  	v2 =	vadd.f32 v3, v2;
	_ =	sdelay $0x1  }
0x28c: {  	s23 =	simm.s32 $0xA10;
	[tilespmem:s22+$0x0] =	vst v2  }
0x28d: {  	s25 =	simm.s32 $0x20;
	s24 =	simm.s32 $0x10;
	v2 =	vld [tilespmem:s23+$0x0]  }
.LBB2_16:
0x28e: {  	p0 =	sne.s32 s25, $0x1F0;
	_ =	sdelay $0x1  }
0x28f: {  	v3 =	vmov s24;
	s24 =	smov.u32 s25  }
0x290: {  	v3 =	vshll.u32 v3, $0x4  }
0x291: {  	v3 =	vor.u32 v1, v3;
	v4 =	vand.u32 $0xFFFFFFF8, v2  }
0x292: {  	v2 =	vand.u32 $0x7, v2;
	v3 =	vadd.s32 v3, v4  }
0x293: {  	v2 =	vor.u32 v2, v3;
	_ =	sdelay $0x4  }
0x294: {  	s22 =	sadd.s32 $0x10, s22;
	v2 =	vld.idx.msk [tilespmem:v2+s13+$0x0], $0xffff  }
0x295: {  	v3 =	vld [tilespmem:s22+$0x0];
	_ =	sdelay $0x3  }
.Ltmp7:
0x296: {  	(pc) =	sbr.rel @p0 .LBB2_16-.Ltmp7, $3  }
0x297: {  	v2 =	vadd.f32 v3, v2;
	_ =	sdelay $0x1  }
0x298: {  	s23 =	sadd.s32 $0x10, s23;
	[tilespmem:s22+$0x0] =	vst v2  }
0x299: {  	s25 =	sadd.s32 $0x10, s25;
	v2 =	vld [tilespmem:s23+$0x0]  }
0x29a: {  	_ =	sdelay $0x1  }
0x29b: {  	v3 =	vmov s24  }
0x29c: {  	v3 =	vshll.u32 v3, $0x4  }
0x29d: {  	v3 =	vor.u32 v1, v3;
	v4 =	vand.u32 $0xFFFFFFF8, v2  }
0x29e: {  	v2 =	vand.u32 $0x7, v2;
	v3 =	vadd.s32 v3, v4  }
0x29f: {  	v2 =	vor.u32 v2, v3;
	_ =	sdelay $0x2  }
0x2a0: {  	s22 =	sadd.s32 $0x10, s22  }
0x2a1: {  	v3 =	vld [tilespmem:s22+$0x0]  }
0x2a2: {  	v2 =	vld.idx.msk [tilespmem:v2+s13+$0x0], $0xffff;
	_ =	sdelay $0x4  }
0x2a3: {  	v2 =	vadd.f32 v3, v2;
	_ =	sdelay $0x1  }
0x2a4: {  	s25 =	rddreg [dreg:$0xe];
	s23 =	simm.s32 $0x4A00;
	[tilespmem:s22+$0x0] =	vst v2  }
0x2a5: {  	[tilespmem:s13], [sflag:$0x6] =	stream.indirect.gather [hbm4b:s25+s7], $0x10, s23, s7, $0xb8;
	[tilespmem:$0x18AD0] =	vst v63  }
0x2a6: {  	_ =	swait.ge [sflag:s14], $0x2000  }
0x2a7: {  	[sflag:s14] =	ssyncset.done $0x0  }
0x2a8: {  	s24 =	simm.s32 $0xC00;
	[sflag:s14] =	ssyncadd.s32 $0xFFFFE000  }
0x2a9: {  	v2 =	vld [tilespmem:s24+$0x0];
	_ =	sdelay $0x1  }
0x2aa: {  	s25 =	simm.s32 $0x0  }
0x2ab: {  	v3 =	vmov s25  }
0x2ac: {  	v3 =	vshll.u32 v3, $0x4  }
0x2ad: {  	v3 =	vor.u32 v1, v3;
	v63 =	vand.u32 $0xFFFFFFF8, v2  }
0x2ae: {  	v2 =	vand.u32 $0x7, v2;
	v3 =	vadd.s32 v3, v63  }
0x2af: {  	v2 =	vor.u32 v2, v3;
	_ =	sdelay $0x2  }
0x2b0: {  	s22 =	simm.s32 $0x188D0  }
0x2b1: {  	v3 =	vld [tilespmem:s22+$0x0]  }
0x2b2: {  	v2 =	vld.idx.msk [tilespmem:v2+s8+$0x0], $0xffff;
	_ =	sdelay $0x4  }
0x2b3: {  	v2 =	vadd.f32 v3, v2;
	_ =	sdelay $0x1  }
0x2b4: {  	s23 =	simm.s32 $0xC10;
	[tilespmem:s22+$0x0] =	vst v2  }
0x2b5: {  	s25 =	simm.s32 $0x20;
	s24 =	simm.s32 $0x10;
	v2 =	vld [tilespmem:s23+$0x0]  }
.LBB2_18:
0x2b6: {  	p0 =	sne.s32 s25, $0x1F0;
	_ =	sdelay $0x1  }
0x2b7: {  	v3 =	vmov s24;
	s24 =	smov.u32 s25  }
0x2b8: {  	v3 =	vshll.u32 v3, $0x4  }
0x2b9: {  	v3 =	vor.u32 v1, v3;
	v4 =	vand.u32 $0xFFFFFFF8, v2  }
0x2ba: {  	v2 =	vand.u32 $0x7, v2;
	v3 =	vadd.s32 v3, v4  }
0x2bb: {  	v2 =	vor.u32 v2, v3;
	_ =	sdelay $0x4  }
0x2bc: {  	s22 =	sadd.s32 $0x10, s22;
	v2 =	vld.idx.msk [tilespmem:v2+s8+$0x0], $0xffff  }
0x2bd: {  	v3 =	vld [tilespmem:s22+$0x0];
	_ =	sdelay $0x3  }
.Ltmp8:
0x2be: {  	(pc) =	sbr.rel @p0 .LBB2_18-.Ltmp8, $3  }
0x2bf: {  	v2 =	vadd.f32 v3, v2;
	_ =	sdelay $0x1  }
0x2c0: {  	s23 =	sadd.s32 $0x10, s23;
	[tilespmem:s22+$0x0] =	vst v2  }
0x2c1: {  	s25 =	sadd.s32 $0x10, s25;
	v2 =	vld [tilespmem:s23+$0x0]  }
0x2c2: {  	_ =	sdelay $0x1  }
0x2c3: {  	v3 =	vmov s24  }
0x2c4: {  	v3 =	vshll.u32 v3, $0x4  }
0x2c5: {  	v3 =	vor.u32 v1, v3;
	v4 =	vand.u32 $0xFFFFFFF8, v2  }
0x2c6: {  	v2 =	vand.u32 $0x7, v2;
	v3 =	vadd.s32 v3, v4  }
0x2c7: {  	v2 =	vor.u32 v2, v3;
	_ =	sdelay $0x2  }
0x2c8: {  	s22 =	sadd.s32 $0x10, s22  }
0x2c9: {  	v3 =	vld [tilespmem:s22+$0x0]  }
0x2ca: {  	v2 =	vld.idx.msk [tilespmem:v2+s8+$0x0], $0xffff;
	_ =	sdelay $0x4  }
0x2cb: {  	v2 =	vadd.f32 v3, v2;
	_ =	sdelay $0x1  }
0x2cc: {  	s25 =	rddreg [dreg:$0xf];
	s23 =	simm.s32 $0x4C00;
	[tilespmem:s22+$0x0] =	vst v2  }
0x2cd: {  	[tilespmem:s8], [sflag:$0x1] =	stream.indirect.gather [hbm4b:s25+s7], $0x10, s23, s7, $0xb8;
	[tilespmem:$0x18AD0] =	vst v63  }
0x2ce: {  	_ =	swait.ge [sflag:s15], $0x2000  }
0x2cf: {  	[sflag:s15] =	ssyncset.done $0x0  }
0x2d0: {  	s24 =	simm.s32 $0xE00;
	[sflag:s15] =	ssyncadd.s32 $0xFFFFE000  }
0x2d1: {  	v2 =	vld [tilespmem:s24+$0x0];
	_ =	sdelay $0x1  }
0x2d2: {  	s25 =	simm.s32 $0x0  }
0x2d3: {  	v3 =	vmov s25  }
0x2d4: {  	v3 =	vshll.u32 v3, $0x4  }
0x2d5: {  	v3 =	vor.u32 v1, v3;
	v63 =	vand.u32 $0xFFFFFFF8, v2  }
0x2d6: {  	v2 =	vand.u32 $0x7, v2;
	v3 =	vadd.s32 v3, v63  }
0x2d7: {  	v2 =	vor.u32 v2, v3;
	_ =	sdelay $0x2  }
0x2d8: {  	s22 =	simm.s32 $0x188D0  }
0x2d9: {  	v3 =	vld [tilespmem:s22+$0x0]  }
0x2da: {  	v2 =	vld.idx.msk [tilespmem:v2+s9+$0x0], $0xffff;
	_ =	sdelay $0x4  }
0x2db: {  	v2 =	vadd.f32 v3, v2;
	_ =	sdelay $0x1  }
0x2dc: {  	s23 =	simm.s32 $0xE10;
	[tilespmem:s22+$0x0] =	vst v2  }
0x2dd: {  	s25 =	simm.s32 $0x20;
	s24 =	simm.s32 $0x10;
	v2 =	vld [tilespmem:s23+$0x0]  }
.LBB2_20:
0x2de: {  	p0 =	sne.s32 s25, $0x1F0;
	_ =	sdelay $0x1  }
0x2df: {  	v3 =	vmov s24;
	s24 =	smov.u32 s25  }
0x2e0: {  	v3 =	vshll.u32 v3, $0x4  }
0x2e1: {  	v3 =	vor.u32 v1, v3;
	v4 =	vand.u32 $0xFFFFFFF8, v2  }
0x2e2: {  	v2 =	vand.u32 $0x7, v2;
	v3 =	vadd.s32 v3, v4  }
0x2e3: {  	v2 =	vor.u32 v2, v3;
	_ =	sdelay $0x4  }
0x2e4: {  	s22 =	sadd.s32 $0x10, s22;
	v2 =	vld.idx.msk [tilespmem:v2+s9+$0x0], $0xffff  }
0x2e5: {  	v3 =	vld [tilespmem:s22+$0x0];
	_ =	sdelay $0x3  }
.Ltmp9:
0x2e6: {  	(pc) =	sbr.rel @p0 .LBB2_20-.Ltmp9, $3  }
0x2e7: {  	v2 =	vadd.f32 v3, v2;
	_ =	sdelay $0x1  }
0x2e8: {  	s23 =	sadd.s32 $0x10, s23;
	[tilespmem:s22+$0x0] =	vst v2  }
0x2e9: {  	s25 =	sadd.s32 $0x10, s25;
	v2 =	vld [tilespmem:s23+$0x0]  }
0x2ea: {  	_ =	sdelay $0x1  }
0x2eb: {  	v3 =	vmov s24  }
0x2ec: {  	v3 =	vshll.u32 v3, $0x4  }
0x2ed: {  	v3 =	vor.u32 v1, v3;
	v4 =	vand.u32 $0xFFFFFFF8, v2  }
0x2ee: {  	v2 =	vand.u32 $0x7, v2;
	v3 =	vadd.s32 v3, v4  }
0x2ef: {  	v2 =	vor.u32 v2, v3;
	_ =	sdelay $0x2  }
0x2f0: {  	s22 =	sadd.s32 $0x10, s22  }
0x2f1: {  	v3 =	vld [tilespmem:s22+$0x0]  }
0x2f2: {  	v2 =	vld.idx.msk [tilespmem:v2+s9+$0x0], $0xffff;
	_ =	sdelay $0x4  }
0x2f3: {  	v2 =	vadd.f32 v3, v2;
	_ =	sdelay $0x1  }
0x2f4: {  	s25 =	rddreg [dreg:$0x10];
	s23 =	simm.s32 $0x4E00;
	[tilespmem:s22+$0x0] =	vst v2  }
0x2f5: {  	[tilespmem:s9], [sflag:$0x2] =	stream.indirect.gather [hbm4b:s25+s7], $0x10, s23, s7, $0xb8;
	[tilespmem:$0x18AD0] =	vst v63  }
0x2f6: {  	_ =	swait.ge [sflag:s16], $0x2000  }
0x2f7: {  	[sflag:s16] =	ssyncset.done $0x0  }
0x2f8: {  	s24 =	simm.s32 $0x1000;
	[sflag:s16] =	ssyncadd.s32 $0xFFFFE000  }
0x2f9: {  	v2 =	vld [tilespmem:s24+$0x0];
	_ =	sdelay $0x1  }
0x2fa: {  	s25 =	simm.s32 $0x0  }
0x2fb: {  	v3 =	vmov s25  }
0x2fc: {  	v3 =	vshll.u32 v3, $0x4  }
0x2fd: {  	v3 =	vor.u32 v1, v3;
	v63 =	vand.u32 $0xFFFFFFF8, v2  }
0x2fe: {  	v2 =	vand.u32 $0x7, v2;
	v3 =	vadd.s32 v3, v63  }
0x2ff: {  	v2 =	vor.u32 v2, v3;
	_ =	sdelay $0x2  }
0x300: {  	s22 =	simm.s32 $0x188D0  }
0x301: {  	v3 =	vld [tilespmem:s22+$0x0]  }
0x302: {  	v2 =	vld.idx.msk [tilespmem:v2+s10+$0x0], $0xffff;
	_ =	sdelay $0x4  }
0x303: {  	v2 =	vadd.f32 v3, v2;
	_ =	sdelay $0x1  }
0x304: {  	s23 =	simm.s32 $0x1010;
	[tilespmem:s22+$0x0] =	vst v2  }
0x305: {  	s25 =	simm.s32 $0x20;
	s24 =	simm.s32 $0x10;
	v2 =	vld [tilespmem:s23+$0x0]  }
.LBB2_22:
0x306: {  	p0 =	sne.s32 s25, $0x1F0;
	_ =	sdelay $0x1  }
0x307: {  	v3 =	vmov s24;
	s24 =	smov.u32 s25  }
0x308: {  	v3 =	vshll.u32 v3, $0x4  }
0x309: {  	v3 =	vor.u32 v1, v3;
	v4 =	vand.u32 $0xFFFFFFF8, v2  }
0x30a: {  	v2 =	vand.u32 $0x7, v2;
	v3 =	vadd.s32 v3, v4  }
0x30b: {  	v2 =	vor.u32 v2, v3;
	_ =	sdelay $0x4  }
0x30c: {  	s22 =	sadd.s32 $0x10, s22;
	v2 =	vld.idx.msk [tilespmem:v2+s10+$0x0], $0xffff  }
0x30d: {  	v3 =	vld [tilespmem:s22+$0x0];
	_ =	sdelay $0x3  }
.Ltmp10:
0x30e: {  	(pc) =	sbr.rel @p0 .LBB2_22-.Ltmp10, $3  }
0x30f: {  	v2 =	vadd.f32 v3, v2;
	_ =	sdelay $0x1  }
0x310: {  	s23 =	sadd.s32 $0x10, s23;
	[tilespmem:s22+$0x0] =	vst v2  }
0x311: {  	s25 =	sadd.s32 $0x10, s25;
	v2 =	vld [tilespmem:s23+$0x0]  }
0x312: {  	_ =	sdelay $0x1  }
0x313: {  	v3 =	vmov s24  }
0x314: {  	v3 =	vshll.u32 v3, $0x4  }
0x315: {  	v3 =	vor.u32 v1, v3;
	v4 =	vand.u32 $0xFFFFFFF8, v2  }
0x316: {  	v2 =	vand.u32 $0x7, v2;
	v3 =	vadd.s32 v3, v4  }
0x317: {  	v2 =	vor.u32 v2, v3;
	_ =	sdelay $0x2  }
0x318: {  	s22 =	sadd.s32 $0x10, s22  }
0x319: {  	v3 =	vld [tilespmem:s22+$0x0]  }
0x31a: {  	v2 =	vld.idx.msk [tilespmem:v2+s10+$0x0], $0xffff;
	_ =	sdelay $0x4  }
0x31b: {  	v2 =	vadd.f32 v3, v2;
	_ =	sdelay $0x1  }
0x31c: {  	s25 =	rddreg [dreg:$0x11];
	s23 =	simm.s32 $0x5000;
	[tilespmem:s22+$0x0] =	vst v2  }
0x31d: {  	[tilespmem:s10], [sflag:$0x3] =	stream.indirect.gather [hbm4b:s25+s7], $0x10, s23, s7, $0xb8;
	[tilespmem:$0x18AD0] =	vst v63  }
0x31e: {  	_ =	swait.ge [sflag:s17], $0x2000  }
0x31f: {  	[sflag:s17] =	ssyncset.done $0x0  }
0x320: {  	s24 =	simm.s32 $0x1200;
	[sflag:s17] =	ssyncadd.s32 $0xFFFFE000  }
0x321: {  	v2 =	vld [tilespmem:s24+$0x0];
	_ =	sdelay $0x1  }
0x322: {  	s25 =	simm.s32 $0x0  }
0x323: {  	v3 =	vmov s25  }
0x324: {  	v3 =	vshll.u32 v3, $0x4  }
0x325: {  	v3 =	vor.u32 v1, v3;
	v63 =	vand.u32 $0xFFFFFFF8, v2  }
0x326: {  	v2 =	vand.u32 $0x7, v2;
	v3 =	vadd.s32 v3, v63  }
0x327: {  	v2 =	vor.u32 v2, v3;
	_ =	sdelay $0x2  }
0x328: {  	s22 =	simm.s32 $0x188D0  }
0x329: {  	v3 =	vld [tilespmem:s22+$0x0]  }
0x32a: {  	v2 =	vld.idx.msk [tilespmem:v2+s11+$0x0], $0xffff;
	_ =	sdelay $0x4  }
0x32b: {  	v2 =	vadd.f32 v3, v2;
	_ =	sdelay $0x1  }
0x32c: {  	s23 =	simm.s32 $0x1210;
	[tilespmem:s22+$0x0] =	vst v2  }
0x32d: {  	s25 =	simm.s32 $0x20;
	s24 =	simm.s32 $0x10;
	v2 =	vld [tilespmem:s23+$0x0]  }
.LBB2_24:
0x32e: {  	p0 =	sne.s32 s25, $0x1F0;
	_ =	sdelay $0x1  }
0x32f: {  	v3 =	vmov s24;
	s24 =	smov.u32 s25  }
0x330: {  	v3 =	vshll.u32 v3, $0x4  }
0x331: {  	v3 =	vor.u32 v1, v3;
	v4 =	vand.u32 $0xFFFFFFF8, v2  }
0x332: {  	v2 =	vand.u32 $0x7, v2;
	v3 =	vadd.s32 v3, v4  }
0x333: {  	v2 =	vor.u32 v2, v3;
	_ =	sdelay $0x4  }
0x334: {  	s22 =	sadd.s32 $0x10, s22;
	v2 =	vld.idx.msk [tilespmem:v2+s11+$0x0], $0xffff  }
0x335: {  	v3 =	vld [tilespmem:s22+$0x0];
	_ =	sdelay $0x3  }
.Ltmp11:
0x336: {  	(pc) =	sbr.rel @p0 .LBB2_24-.Ltmp11, $3  }
0x337: {  	v2 =	vadd.f32 v3, v2;
	_ =	sdelay $0x1  }
0x338: {  	s23 =	sadd.s32 $0x10, s23;
	[tilespmem:s22+$0x0] =	vst v2  }
0x339: {  	s25 =	sadd.s32 $0x10, s25;
	v2 =	vld [tilespmem:s23+$0x0]  }
0x33a: {  	_ =	sdelay $0x1  }
0x33b: {  	v3 =	vmov s24  }
0x33c: {  	v3 =	vshll.u32 v3, $0x4  }
0x33d: {  	v3 =	vor.u32 v1, v3;
	v4 =	vand.u32 $0xFFFFFFF8, v2  }
0x33e: {  	v2 =	vand.u32 $0x7, v2;
	v3 =	vadd.s32 v3, v4  }
0x33f: {  	v2 =	vor.u32 v2, v3;
	_ =	sdelay $0x2  }
0x340: {  	s22 =	sadd.s32 $0x10, s22  }
0x341: {  	v3 =	vld [tilespmem:s22+$0x0]  }
0x342: {  	v2 =	vld.idx.msk [tilespmem:v2+s11+$0x0], $0xffff;
	_ =	sdelay $0x4  }
0x343: {  	v2 =	vadd.f32 v3, v2;
	_ =	sdelay $0x1  }
0x344: {  	s23 =	simm.s32 $0x5200;
	[tilespmem:s22+$0x0] =	vst v2  }
0x345: {  	[tilespmem:s11], [sflag:$0x4] =	stream.indirect.gather [hbm4b:s26+s7], $0x10, s23, s7, $0xb8;
	[tilespmem:$0x18AD0] =	vst v63  }
0x346: {  	_ =	swait.ge [sflag:s18], $0x2000  }
0x347: {  	[sflag:s18] =	ssyncset.done $0x0  }
0x348: {  	s24 =	simm.s32 $0x1400;
	[sflag:s18] =	ssyncadd.s32 $0xFFFFE000  }
0x349: {  	v2 =	vld [tilespmem:s24+$0x0];
	_ =	sdelay $0x1  }
0x34a: {  	s25 =	simm.s32 $0x0  }
0x34b: {  	v3 =	vmov s25  }
0x34c: {  	v3 =	vshll.u32 v3, $0x4  }
0x34d: {  	v3 =	vor.u32 v1, v3;
	v63 =	vand.u32 $0xFFFFFFF8, v2  }
0x34e: {  	v2 =	vand.u32 $0x7, v2;
	v3 =	vadd.s32 v3, v63  }
0x34f: {  	v2 =	vor.u32 v2, v3;
	_ =	sdelay $0x2  }
0x350: {  	s22 =	simm.s32 $0x188D0  }
0x351: {  	v3 =	vld [tilespmem:s22+$0x0]  }
0x352: {  	v2 =	vld.idx.msk [tilespmem:v2+s12+$0x0], $0xffff;
	_ =	sdelay $0x4  }
0x353: {  	v2 =	vadd.f32 v3, v2;
	_ =	sdelay $0x1  }
0x354: {  	s23 =	simm.s32 $0x1410;
	[tilespmem:s22+$0x0] =	vst v2  }
0x355: {  	s25 =	simm.s32 $0x20;
	s24 =	simm.s32 $0x10;
	v2 =	vld [tilespmem:s23+$0x0]  }
.LBB2_26:
0x356: {  	p0 =	sne.s32 s25, $0x1F0;
	_ =	sdelay $0x1  }
0x357: {  	v3 =	vmov s24;
	s24 =	smov.u32 s25  }
0x358: {  	v3 =	vshll.u32 v3, $0x4  }
0x359: {  	v3 =	vor.u32 v1, v3;
	v4 =	vand.u32 $0xFFFFFFF8, v2  }
0x35a: {  	v2 =	vand.u32 $0x7, v2;
	v3 =	vadd.s32 v3, v4  }
0x35b: {  	v2 =	vor.u32 v2, v3;
	_ =	sdelay $0x4  }
0x35c: {  	s22 =	sadd.s32 $0x10, s22;
	v2 =	vld.idx.msk [tilespmem:v2+s12+$0x0], $0xffff  }
0x35d: {  	v3 =	vld [tilespmem:s22+$0x0];
	_ =	sdelay $0x3  }
.Ltmp12:
0x35e: {  	(pc) =	sbr.rel @p0 .LBB2_26-.Ltmp12, $3  }
0x35f: {  	v2 =	vadd.f32 v3, v2;
	_ =	sdelay $0x1  }
0x360: {  	s23 =	sadd.s32 $0x10, s23;
	[tilespmem:s22+$0x0] =	vst v2  }
0x361: {  	s25 =	sadd.s32 $0x10, s25;
	v2 =	vld [tilespmem:s23+$0x0]  }
0x362: {  	_ =	sdelay $0x1  }
0x363: {  	v3 =	vmov s24  }
0x364: {  	v3 =	vshll.u32 v3, $0x4  }
0x365: {  	v3 =	vor.u32 v1, v3;
	v4 =	vand.u32 $0xFFFFFFF8, v2  }
0x366: {  	v2 =	vand.u32 $0x7, v2;
	v3 =	vadd.s32 v3, v4  }
0x367: {  	v2 =	vor.u32 v2, v3;
	_ =	sdelay $0x2  }
0x368: {  	s22 =	sadd.s32 $0x10, s22  }
0x369: {  	v3 =	vld [tilespmem:s22+$0x0]  }
0x36a: {  	v2 =	vld.idx.msk [tilespmem:v2+s12+$0x0], $0xffff;
	_ =	sdelay $0x4  }
0x36b: {  	v2 =	vadd.f32 v3, v2;
	_ =	sdelay $0x1  }
0x36c: {  	s25 =	rddreg [dreg:$0x12];
	s23 =	simm.s32 $0x5400;
	[tilespmem:s22+$0x0] =	vst v2  }
0x36d: {  	[tilespmem:s12], [sflag:$0x5] =	stream.indirect.gather [hbm4b:s25+s7], $0x10, s23, s7, $0xb8;
	[tilespmem:$0x18AD0] =	vst v63  }
0x36e: {  	_ =	swait.ge [sflag:s19], $0x2000  }
0x36f: {  	[sflag:s19] =	ssyncset.done $0x0  }
0x370: {  	s24 =	simm.s32 $0x1600;
	[sflag:s19] =	ssyncadd.s32 $0xFFFFE000  }
0x371: {  	v2 =	vld [tilespmem:s24+$0x0];
	_ =	sdelay $0x1  }
0x372: {  	s25 =	simm.s32 $0x0  }
0x373: {  	v3 =	vmov s25  }
0x374: {  	v3 =	vshll.u32 v3, $0x4  }
0x375: {  	v3 =	vor.u32 v1, v3;
	v63 =	vand.u32 $0xFFFFFFF8, v2  }
0x376: {  	v2 =	vand.u32 $0x7, v2;
	v3 =	vadd.s32 v3, v63  }
0x377: {  	v2 =	vor.u32 v2, v3;
	_ =	sdelay $0x2  }
0x378: {  	s22 =	simm.s32 $0x188D0  }
0x379: {  	v3 =	vld [tilespmem:s22+$0x0]  }
0x37a: {  	v2 =	vld.idx.msk [tilespmem:v2+s13+$0x0], $0xffff;
	_ =	sdelay $0x4  }
0x37b: {  	v2 =	vadd.f32 v3, v2;
	_ =	sdelay $0x1  }
0x37c: {  	s23 =	simm.s32 $0x1610;
	[tilespmem:s22+$0x0] =	vst v2  }
0x37d: {  	s25 =	simm.s32 $0x20;
	s24 =	simm.s32 $0x10;
	v2 =	vld [tilespmem:s23+$0x0]  }
.LBB2_28:
0x37e: {  	p0 =	sne.s32 s25, $0x1F0;
	_ =	sdelay $0x1  }
0x37f: {  	v3 =	vmov s24;
	s24 =	smov.u32 s25  }
0x380: {  	v3 =	vshll.u32 v3, $0x4  }
0x381: {  	v3 =	vor.u32 v1, v3;
	v4 =	vand.u32 $0xFFFFFFF8, v2  }
0x382: {  	v2 =	vand.u32 $0x7, v2;
	v3 =	vadd.s32 v3, v4  }
0x383: {  	v2 =	vor.u32 v2, v3;
	_ =	sdelay $0x4  }
0x384: {  	s22 =	sadd.s32 $0x10, s22;
	v2 =	vld.idx.msk [tilespmem:v2+s13+$0x0], $0xffff  }
0x385: {  	v3 =	vld [tilespmem:s22+$0x0];
	_ =	sdelay $0x3  }
.Ltmp13:
0x386: {  	(pc) =	sbr.rel @p0 .LBB2_28-.Ltmp13, $3  }
0x387: {  	v2 =	vadd.f32 v3, v2;
	_ =	sdelay $0x1  }
0x388: {  	s23 =	sadd.s32 $0x10, s23;
	[tilespmem:s22+$0x0] =	vst v2  }
0x389: {  	s25 =	sadd.s32 $0x10, s25;
	v2 =	vld [tilespmem:s23+$0x0]  }
0x38a: {  	_ =	sdelay $0x1  }
0x38b: {  	v3 =	vmov s24  }
0x38c: {  	v3 =	vshll.u32 v3, $0x4  }
0x38d: {  	v3 =	vor.u32 v1, v3;
	v4 =	vand.u32 $0xFFFFFFF8, v2  }
0x38e: {  	v2 =	vand.u32 $0x7, v2;
	v3 =	vadd.s32 v3, v4  }
0x38f: {  	v2 =	vor.u32 v2, v3;
	_ =	sdelay $0x2  }
0x390: {  	s22 =	sadd.s32 $0x10, s22  }
0x391: {  	v3 =	vld [tilespmem:s22+$0x0]  }
0x392: {  	v2 =	vld.idx.msk [tilespmem:v2+s13+$0x0], $0xffff;
	_ =	sdelay $0x4  }
0x393: {  	v2 =	vadd.f32 v3, v2;
	_ =	sdelay $0x1  }
0x394: {  	s25 =	rddreg [dreg:$0x13];
	s23 =	simm.s32 $0x5600;
	[tilespmem:s22+$0x0] =	vst v2  }
0x395: {  	[tilespmem:s13], [sflag:$0x6] =	stream.indirect.gather [hbm4b:s25+s7], $0x10, s23, s7, $0xb8;
	[tilespmem:$0x18AD0] =	vst v63  }
0x396: {  	_ =	swait.ge [sflag:s14], $0x2000  }
0x397: {  	[sflag:s14] =	ssyncset.done $0x0  }
0x398: {  	s24 =	simm.s32 $0x1800;
	[sflag:s14] =	ssyncadd.s32 $0xFFFFE000  }
0x399: {  	v2 =	vld [tilespmem:s24+$0x0];
	_ =	sdelay $0x1  }
0x39a: {  	s25 =	simm.s32 $0x0  }
0x39b: {  	v3 =	vmov s25  }
0x39c: {  	v3 =	vshll.u32 v3, $0x4  }
0x39d: {  	v3 =	vor.u32 v1, v3;
	v63 =	vand.u32 $0xFFFFFFF8, v2  }
0x39e: {  	v2 =	vand.u32 $0x7, v2;
	v3 =	vadd.s32 v3, v63  }
0x39f: {  	v2 =	vor.u32 v2, v3;
	_ =	sdelay $0x2  }
0x3a0: {  	s22 =	simm.s32 $0x188D0  }
0x3a1: {  	v3 =	vld [tilespmem:s22+$0x0]  }
0x3a2: {  	v2 =	vld.idx.msk [tilespmem:v2+s8+$0x0], $0xffff;
	_ =	sdelay $0x4  }
0x3a3: {  	v2 =	vadd.f32 v3, v2;
	_ =	sdelay $0x1  }
0x3a4: {  	s23 =	simm.s32 $0x1810;
	[tilespmem:s22+$0x0] =	vst v2  }
0x3a5: {  	s25 =	simm.s32 $0x20;
	s24 =	simm.s32 $0x10;
	v2 =	vld [tilespmem:s23+$0x0]  }
.LBB2_30:
0x3a6: {  	p0 =	sne.s32 s25, $0x1F0;
	_ =	sdelay $0x1  }
0x3a7: {  	v3 =	vmov s24;
	s24 =	smov.u32 s25  }
0x3a8: {  	v3 =	vshll.u32 v3, $0x4  }
0x3a9: {  	v3 =	vor.u32 v1, v3;
	v4 =	vand.u32 $0xFFFFFFF8, v2  }
0x3aa: {  	v2 =	vand.u32 $0x7, v2;
	v3 =	vadd.s32 v3, v4  }
0x3ab: {  	v2 =	vor.u32 v2, v3;
	_ =	sdelay $0x4  }
0x3ac: {  	s22 =	sadd.s32 $0x10, s22;
	v2 =	vld.idx.msk [tilespmem:v2+s8+$0x0], $0xffff  }
0x3ad: {  	v3 =	vld [tilespmem:s22+$0x0];
	_ =	sdelay $0x3  }
.Ltmp14:
0x3ae: {  	(pc) =	sbr.rel @p0 .LBB2_30-.Ltmp14, $3  }
0x3af: {  	v2 =	vadd.f32 v3, v2;
	_ =	sdelay $0x1  }
0x3b0: {  	s23 =	sadd.s32 $0x10, s23;
	[tilespmem:s22+$0x0] =	vst v2  }
0x3b1: {  	s25 =	sadd.s32 $0x10, s25;
	v2 =	vld [tilespmem:s23+$0x0]  }
0x3b2: {  	_ =	sdelay $0x1  }
0x3b3: {  	v3 =	vmov s24  }
0x3b4: {  	v3 =	vshll.u32 v3, $0x4  }
0x3b5: {  	v3 =	vor.u32 v1, v3;
	v4 =	vand.u32 $0xFFFFFFF8, v2  }
0x3b6: {  	v2 =	vand.u32 $0x7, v2;
	v3 =	vadd.s32 v3, v4  }
0x3b7: {  	v2 =	vor.u32 v2, v3;
	_ =	sdelay $0x2  }
0x3b8: {  	s22 =	sadd.s32 $0x10, s22  }
0x3b9: {  	v3 =	vld [tilespmem:s22+$0x0]  }
0x3ba: {  	v2 =	vld.idx.msk [tilespmem:v2+s8+$0x0], $0xffff;
	_ =	sdelay $0x4  }
0x3bb: {  	v2 =	vadd.f32 v3, v2;
	_ =	sdelay $0x1  }
0x3bc: {  	s25 =	rddreg [dreg:$0x15];
	s23 =	simm.s32 $0x5800;
	[tilespmem:s22+$0x0] =	vst v2  }
0x3bd: {  	[tilespmem:s8], [sflag:$0x1] =	stream.indirect.gather [hbm4b:s25+s7], $0x10, s23, s7, $0xb8;
	[tilespmem:$0x18AD0] =	vst v63  }
0x3be: {  	_ =	swait.ge [sflag:s15], $0x2000  }
0x3bf: {  	[sflag:s15] =	ssyncset.done $0x0  }
0x3c0: {  	s24 =	simm.s32 $0x1A00;
	[sflag:s15] =	ssyncadd.s32 $0xFFFFE000  }
0x3c1: {  	v2 =	vld [tilespmem:s24+$0x0];
	_ =	sdelay $0x1  }
0x3c2: {  	s25 =	simm.s32 $0x0  }
0x3c3: {  	v3 =	vmov s25  }
0x3c4: {  	v3 =	vshll.u32 v3, $0x4  }
0x3c5: {  	v3 =	vor.u32 v1, v3;
	v63 =	vand.u32 $0xFFFFFFF8, v2  }
0x3c6: {  	v2 =	vand.u32 $0x7, v2;
	v3 =	vadd.s32 v3, v63  }
0x3c7: {  	v2 =	vor.u32 v2, v3;
	_ =	sdelay $0x2  }
0x3c8: {  	s22 =	simm.s32 $0x188D0  }
0x3c9: {  	v3 =	vld [tilespmem:s22+$0x0]  }
0x3ca: {  	v2 =	vld.idx.msk [tilespmem:v2+s9+$0x0], $0xffff;
	_ =	sdelay $0x4  }
0x3cb: {  	v2 =	vadd.f32 v3, v2;
	_ =	sdelay $0x1  }
0x3cc: {  	s23 =	simm.s32 $0x1A10;
	[tilespmem:s22+$0x0] =	vst v2  }
0x3cd: {  	s25 =	simm.s32 $0x20;
	s24 =	simm.s32 $0x10;
	v2 =	vld [tilespmem:s23+$0x0]  }
.LBB2_32:
0x3ce: {  	p0 =	sne.s32 s25, $0x1F0;
	_ =	sdelay $0x1  }
0x3cf: {  	v3 =	vmov s24;
	s24 =	smov.u32 s25  }
0x3d0: {  	v3 =	vshll.u32 v3, $0x4  }
0x3d1: {  	v3 =	vor.u32 v1, v3;
	v4 =	vand.u32 $0xFFFFFFF8, v2  }
0x3d2: {  	v2 =	vand.u32 $0x7, v2;
	v3 =	vadd.s32 v3, v4  }
0x3d3: {  	v2 =	vor.u32 v2, v3;
	_ =	sdelay $0x4  }
0x3d4: {  	s22 =	sadd.s32 $0x10, s22;
	v2 =	vld.idx.msk [tilespmem:v2+s9+$0x0], $0xffff  }
0x3d5: {  	v3 =	vld [tilespmem:s22+$0x0];
	_ =	sdelay $0x3  }
.Ltmp15:
0x3d6: {  	(pc) =	sbr.rel @p0 .LBB2_32-.Ltmp15, $3  }
0x3d7: {  	v2 =	vadd.f32 v3, v2;
	_ =	sdelay $0x1  }
0x3d8: {  	s23 =	sadd.s32 $0x10, s23;
	[tilespmem:s22+$0x0] =	vst v2  }
0x3d9: {  	s25 =	sadd.s32 $0x10, s25;
	v2 =	vld [tilespmem:s23+$0x0]  }
0x3da: {  	_ =	sdelay $0x1  }
0x3db: {  	v3 =	vmov s24  }
0x3dc: {  	v3 =	vshll.u32 v3, $0x4  }
0x3dd: {  	v3 =	vor.u32 v1, v3;
	v4 =	vand.u32 $0xFFFFFFF8, v2  }
0x3de: {  	v2 =	vand.u32 $0x7, v2;
	v3 =	vadd.s32 v3, v4  }
0x3df: {  	v2 =	vor.u32 v2, v3;
	_ =	sdelay $0x2  }
0x3e0: {  	s22 =	sadd.s32 $0x10, s22  }
0x3e1: {  	v3 =	vld [tilespmem:s22+$0x0]  }
0x3e2: {  	v2 =	vld.idx.msk [tilespmem:v2+s9+$0x0], $0xffff;
	_ =	sdelay $0x4  }
0x3e3: {  	v2 =	vadd.f32 v3, v2;
	_ =	sdelay $0x1  }
0x3e4: {  	s23 =	simm.s32 $0x5A00;
	[tilespmem:s22+$0x0] =	vst v2  }
0x3e5: {  	[tilespmem:s9], [sflag:$0x2] =	stream.indirect.gather [hbm4b:s28+s7], $0x10, s23, s7, $0xb8;
	[tilespmem:$0x18AD0] =	vst v63  }
0x3e6: {  	_ =	swait.ge [sflag:s16], $0x2000  }
0x3e7: {  	[sflag:s16] =	ssyncset.done $0x0  }
0x3e8: {  	s24 =	simm.s32 $0x1C00;
	[sflag:s16] =	ssyncadd.s32 $0xFFFFE000  }
0x3e9: {  	v2 =	vld [tilespmem:s24+$0x0];
	_ =	sdelay $0x1  }
0x3ea: {  	s25 =	simm.s32 $0x0  }
0x3eb: {  	v3 =	vmov s25  }
0x3ec: {  	v3 =	vshll.u32 v3, $0x4  }
0x3ed: {  	v3 =	vor.u32 v1, v3;
	v63 =	vand.u32 $0xFFFFFFF8, v2  }
0x3ee: {  	v2 =	vand.u32 $0x7, v2;
	v3 =	vadd.s32 v3, v63  }
0x3ef: {  	v2 =	vor.u32 v2, v3;
	_ =	sdelay $0x2  }
0x3f0: {  	s22 =	simm.s32 $0x188D0  }
0x3f1: {  	v3 =	vld [tilespmem:s22+$0x0]  }
0x3f2: {  	v2 =	vld.idx.msk [tilespmem:v2+s10+$0x0], $0xffff;
	_ =	sdelay $0x4  }
0x3f3: {  	v2 =	vadd.f32 v3, v2;
	_ =	sdelay $0x1  }
0x3f4: {  	s23 =	simm.s32 $0x1C10;
	[tilespmem:s22+$0x0] =	vst v2  }
0x3f5: {  	s25 =	simm.s32 $0x20;
	s24 =	simm.s32 $0x10;
	v2 =	vld [tilespmem:s23+$0x0]  }
.LBB2_34:
0x3f6: {  	p0 =	sne.s32 s25, $0x1F0;
	_ =	sdelay $0x1  }
0x3f7: {  	v3 =	vmov s24;
	s24 =	smov.u32 s25  }
0x3f8: {  	v3 =	vshll.u32 v3, $0x4  }
0x3f9: {  	v3 =	vor.u32 v1, v3;
	v4 =	vand.u32 $0xFFFFFFF8, v2  }
0x3fa: {  	v2 =	vand.u32 $0x7, v2;
	v3 =	vadd.s32 v3, v4  }
0x3fb: {  	v2 =	vor.u32 v2, v3;
	_ =	sdelay $0x4  }
0x3fc: {  	s22 =	sadd.s32 $0x10, s22;
	v2 =	vld.idx.msk [tilespmem:v2+s10+$0x0], $0xffff  }
0x3fd: {  	v3 =	vld [tilespmem:s22+$0x0];
	_ =	sdelay $0x3  }
.Ltmp16:
0x3fe: {  	(pc) =	sbr.rel @p0 .LBB2_34-.Ltmp16, $3  }
0x3ff: {  	v2 =	vadd.f32 v3, v2;
	_ =	sdelay $0x1  }
0x400: {  	s23 =	sadd.s32 $0x10, s23;
	[tilespmem:s22+$0x0] =	vst v2  }
0x401: {  	s25 =	sadd.s32 $0x10, s25;
	v2 =	vld [tilespmem:s23+$0x0]  }
0x402: {  	_ =	sdelay $0x1  }
0x403: {  	v3 =	vmov s24  }
0x404: {  	v3 =	vshll.u32 v3, $0x4  }
0x405: {  	v3 =	vor.u32 v1, v3;
	v4 =	vand.u32 $0xFFFFFFF8, v2  }
0x406: {  	v2 =	vand.u32 $0x7, v2;
	v3 =	vadd.s32 v3, v4  }
0x407: {  	v2 =	vor.u32 v2, v3;
	_ =	sdelay $0x2  }
0x408: {  	s22 =	sadd.s32 $0x10, s22  }
0x409: {  	v3 =	vld [tilespmem:s22+$0x0]  }
0x40a: {  	v2 =	vld.idx.msk [tilespmem:v2+s10+$0x0], $0xffff;
	_ =	sdelay $0x4  }
0x40b: {  	v2 =	vadd.f32 v3, v2;
	_ =	sdelay $0x1  }
0x40c: {  	s23 =	simm.s32 $0x5C00;
	[tilespmem:s22+$0x0] =	vst v2  }
0x40d: {  	[tilespmem:s10], [sflag:$0x3] =	stream.indirect.gather [hbm4b:s29+s7], $0x10, s23, s7, $0xb8;
	[tilespmem:$0x18AD0] =	vst v63  }
0x40e: {  	_ =	swait.ge [sflag:s17], $0x2000  }
0x40f: {  	[sflag:s17] =	ssyncset.done $0x0  }
0x410: {  	s24 =	simm.s32 $0x1E00;
	[sflag:s17] =	ssyncadd.s32 $0xFFFFE000  }
0x411: {  	v2 =	vld [tilespmem:s24+$0x0];
	_ =	sdelay $0x1  }
0x412: {  	s25 =	simm.s32 $0x0  }
0x413: {  	v3 =	vmov s25  }
0x414: {  	v3 =	vshll.u32 v3, $0x4  }
0x415: {  	v3 =	vor.u32 v1, v3;
	v63 =	vand.u32 $0xFFFFFFF8, v2  }
0x416: {  	v2 =	vand.u32 $0x7, v2;
	v3 =	vadd.s32 v3, v63  }
0x417: {  	v2 =	vor.u32 v2, v3;
	_ =	sdelay $0x2  }
0x418: {  	s22 =	simm.s32 $0x188D0  }
0x419: {  	v3 =	vld [tilespmem:s22+$0x0]  }
0x41a: {  	v2 =	vld.idx.msk [tilespmem:v2+s11+$0x0], $0xffff;
	_ =	sdelay $0x4  }
0x41b: {  	v2 =	vadd.f32 v3, v2;
	_ =	sdelay $0x1  }
0x41c: {  	s23 =	simm.s32 $0x1E10;
	[tilespmem:s22+$0x0] =	vst v2  }
0x41d: {  	s25 =	simm.s32 $0x20;
	s24 =	simm.s32 $0x10;
	v2 =	vld [tilespmem:s23+$0x0]  }
.LBB2_36:
0x41e: {  	p0 =	sne.s32 s25, $0x1F0;
	_ =	sdelay $0x1  }
0x41f: {  	v3 =	vmov s24;
	s24 =	smov.u32 s25  }
0x420: {  	v3 =	vshll.u32 v3, $0x4  }
0x421: {  	v3 =	vor.u32 v1, v3;
	v4 =	vand.u32 $0xFFFFFFF8, v2  }
0x422: {  	v2 =	vand.u32 $0x7, v2;
	v3 =	vadd.s32 v3, v4  }
0x423: {  	v2 =	vor.u32 v2, v3;
	_ =	sdelay $0x4  }
0x424: {  	s22 =	sadd.s32 $0x10, s22;
	v2 =	vld.idx.msk [tilespmem:v2+s11+$0x0], $0xffff  }
0x425: {  	v3 =	vld [tilespmem:s22+$0x0];
	_ =	sdelay $0x3  }
.Ltmp17:
0x426: {  	(pc) =	sbr.rel @p0 .LBB2_36-.Ltmp17, $3  }
0x427: {  	v2 =	vadd.f32 v3, v2;
	_ =	sdelay $0x1  }
0x428: {  	s23 =	sadd.s32 $0x10, s23;
	[tilespmem:s22+$0x0] =	vst v2  }
0x429: {  	s25 =	sadd.s32 $0x10, s25;
	v2 =	vld [tilespmem:s23+$0x0]  }
0x42a: {  	_ =	sdelay $0x1  }
0x42b: {  	v3 =	vmov s24  }
0x42c: {  	v3 =	vshll.u32 v3, $0x4  }
0x42d: {  	v3 =	vor.u32 v1, v3;
	v4 =	vand.u32 $0xFFFFFFF8, v2  }
0x42e: {  	v2 =	vand.u32 $0x7, v2;
	v3 =	vadd.s32 v3, v4  }
0x42f: {  	v2 =	vor.u32 v2, v3;
	_ =	sdelay $0x2  }
0x430: {  	s22 =	sadd.s32 $0x10, s22  }
0x431: {  	v3 =	vld [tilespmem:s22+$0x0]  }
0x432: {  	v2 =	vld.idx.msk [tilespmem:v2+s11+$0x0], $0xffff;
	_ =	sdelay $0x4  }
0x433: {  	v2 =	vadd.f32 v3, v2;
	_ =	sdelay $0x1  }
0x434: {  	s23 =	simm.s32 $0x5E00;
	[tilespmem:s22+$0x0] =	vst v2  }
0x435: {  	[tilespmem:s11], [sflag:$0x4] =	stream.indirect.gather [hbm4b:s30+s7], $0x10, s23, s7, $0xb8;
	[tilespmem:$0x18AD0] =	vst v63  }
0x436: {  	_ =	swait.ge [sflag:s18], $0x2000  }
0x437: {  	[sflag:s18] =	ssyncset.done $0x0  }
0x438: {  	s24 =	simm.s32 $0x2000;
	[sflag:s18] =	ssyncadd.s32 $0xFFFFE000  }
0x439: {  	v2 =	vld [tilespmem:s24+$0x0];
	_ =	sdelay $0x1  }
0x43a: {  	s25 =	simm.s32 $0x0  }
0x43b: {  	v3 =	vmov s25  }
0x43c: {  	v3 =	vshll.u32 v3, $0x4  }
0x43d: {  	v3 =	vor.u32 v1, v3;
	v63 =	vand.u32 $0xFFFFFFF8, v2  }
0x43e: {  	v2 =	vand.u32 $0x7, v2;
	v3 =	vadd.s32 v3, v63  }
0x43f: {  	v2 =	vor.u32 v2, v3;
	_ =	sdelay $0x2  }
0x440: {  	s22 =	simm.s32 $0x188D0  }
0x441: {  	v3 =	vld [tilespmem:s22+$0x0]  }
0x442: {  	v2 =	vld.idx.msk [tilespmem:v2+s12+$0x0], $0xffff;
	_ =	sdelay $0x4  }
0x443: {  	v2 =	vadd.f32 v3, v2;
	_ =	sdelay $0x1  }
0x444: {  	s23 =	simm.s32 $0x2010;
	[tilespmem:s22+$0x0] =	vst v2  }
0x445: {  	s25 =	simm.s32 $0x20;
	s24 =	simm.s32 $0x10;
	v2 =	vld [tilespmem:s23+$0x0]  }
.LBB2_38:
0x446: {  	p0 =	sne.s32 s25, $0x1F0;
	_ =	sdelay $0x1  }
0x447: {  	v3 =	vmov s24;
	s24 =	smov.u32 s25  }
0x448: {  	v3 =	vshll.u32 v3, $0x4  }
0x449: {  	v3 =	vor.u32 v1, v3;
	v4 =	vand.u32 $0xFFFFFFF8, v2  }
0x44a: {  	v2 =	vand.u32 $0x7, v2;
	v3 =	vadd.s32 v3, v4  }
0x44b: {  	v2 =	vor.u32 v2, v3;
	_ =	sdelay $0x4  }
0x44c: {  	s22 =	sadd.s32 $0x10, s22;
	v2 =	vld.idx.msk [tilespmem:v2+s12+$0x0], $0xffff  }
0x44d: {  	v3 =	vld [tilespmem:s22+$0x0];
	_ =	sdelay $0x3  }
.Ltmp18:
0x44e: {  	(pc) =	sbr.rel @p0 .LBB2_38-.Ltmp18, $3  }
0x44f: {  	v2 =	vadd.f32 v3, v2;
	_ =	sdelay $0x1  }
0x450: {  	s23 =	sadd.s32 $0x10, s23;
	[tilespmem:s22+$0x0] =	vst v2  }
0x451: {  	s25 =	sadd.s32 $0x10, s25;
	v2 =	vld [tilespmem:s23+$0x0]  }
0x452: {  	_ =	sdelay $0x1  }
0x453: {  	v3 =	vmov s24  }
0x454: {  	v3 =	vshll.u32 v3, $0x4  }
0x455: {  	v3 =	vor.u32 v1, v3;
	v4 =	vand.u32 $0xFFFFFFF8, v2  }
0x456: {  	v2 =	vand.u32 $0x7, v2;
	v3 =	vadd.s32 v3, v4  }
0x457: {  	v2 =	vor.u32 v2, v3;
	_ =	sdelay $0x2  }
0x458: {  	s22 =	sadd.s32 $0x10, s22  }
0x459: {  	v3 =	vld [tilespmem:s22+$0x0]  }
0x45a: {  	v2 =	vld.idx.msk [tilespmem:v2+s12+$0x0], $0xffff;
	_ =	sdelay $0x4  }
0x45b: {  	v2 =	vadd.f32 v3, v2;
	_ =	sdelay $0x1  }
0x45c: {  	s23 =	simm.s32 $0x6000;
	[tilespmem:s22+$0x0] =	vst v2  }
0x45d: {  	[tilespmem:s12], [sflag:$0x5] =	stream.indirect.gather [hbm4b:s31+s7], $0x10, s23, s7, $0xb8;
	[tilespmem:$0x18AD0] =	vst v63  }
0x45e: {  	_ =	swait.ge [sflag:s19], $0x2000  }
0x45f: {  	[sflag:s19] =	ssyncset.done $0x0  }
0x460: {  	s24 =	simm.s32 $0x2200;
	[sflag:s19] =	ssyncadd.s32 $0xFFFFE000  }
0x461: {  	v2 =	vld [tilespmem:s24+$0x0];
	_ =	sdelay $0x1  }
0x462: {  	s25 =	simm.s32 $0x0  }
0x463: {  	v3 =	vmov s25  }
0x464: {  	v3 =	vshll.u32 v3, $0x4  }
0x465: {  	v3 =	vor.u32 v1, v3;
	v63 =	vand.u32 $0xFFFFFFF8, v2  }
0x466: {  	v2 =	vand.u32 $0x7, v2;
	v3 =	vadd.s32 v3, v63  }
0x467: {  	v2 =	vor.u32 v2, v3;
	_ =	sdelay $0x2  }
0x468: {  	s22 =	simm.s32 $0x188D0  }
0x469: {  	v3 =	vld [tilespmem:s22+$0x0]  }
0x46a: {  	v2 =	vld.idx.msk [tilespmem:v2+s13+$0x0], $0xffff;
	_ =	sdelay $0x4  }
0x46b: {  	v2 =	vadd.f32 v3, v2;
	_ =	sdelay $0x1  }
0x46c: {  	s23 =	simm.s32 $0x2210;
	[tilespmem:s22+$0x0] =	vst v2  }
0x46d: {  	s25 =	simm.s32 $0x20;
	s24 =	simm.s32 $0x10;
	v2 =	vld [tilespmem:s23+$0x0]  }
.LBB2_40:
0x46e: {  	p0 =	sne.s32 s25, $0x1F0;
	_ =	sdelay $0x1  }
0x46f: {  	v3 =	vmov s24;
	s24 =	smov.u32 s25  }
0x470: {  	v3 =	vshll.u32 v3, $0x4  }
0x471: {  	v3 =	vor.u32 v1, v3;
	v4 =	vand.u32 $0xFFFFFFF8, v2  }
0x472: {  	v2 =	vand.u32 $0x7, v2;
	v3 =	vadd.s32 v3, v4  }
0x473: {  	v2 =	vor.u32 v2, v3;
	_ =	sdelay $0x4  }
0x474: {  	s22 =	sadd.s32 $0x10, s22;
	v2 =	vld.idx.msk [tilespmem:v2+s13+$0x0], $0xffff  }
0x475: {  	v3 =	vld [tilespmem:s22+$0x0];
	_ =	sdelay $0x3  }
.Ltmp19:
0x476: {  	(pc) =	sbr.rel @p0 .LBB2_40-.Ltmp19, $3  }
0x477: {  	v2 =	vadd.f32 v3, v2;
	_ =	sdelay $0x1  }
0x478: {  	s23 =	sadd.s32 $0x10, s23;
	[tilespmem:s22+$0x0] =	vst v2  }
0x479: {  	s25 =	sadd.s32 $0x10, s25;
	v2 =	vld [tilespmem:s23+$0x0]  }
0x47a: {  	_ =	sdelay $0x1  }
0x47b: {  	v3 =	vmov s24  }
0x47c: {  	v3 =	vshll.u32 v3, $0x4  }
0x47d: {  	v3 =	vor.u32 v1, v3;
	v4 =	vand.u32 $0xFFFFFFF8, v2  }
0x47e: {  	v2 =	vand.u32 $0x7, v2;
	v3 =	vadd.s32 v3, v4  }
0x47f: {  	v2 =	vor.u32 v2, v3;
	_ =	sdelay $0x2  }
0x480: {  	s22 =	sadd.s32 $0x10, s22  }
0x481: {  	v3 =	vld [tilespmem:s22+$0x0]  }
0x482: {  	v2 =	vld.idx.msk [tilespmem:v2+s13+$0x0], $0xffff;
	_ =	sdelay $0x4  }
0x483: {  	v2 =	vadd.f32 v3, v2;
	_ =	sdelay $0x1  }
0x484: {  	s23 =	simm.s32 $0x6200;
	[tilespmem:s22+$0x0] =	vst v2  }
0x485: {  	[tilespmem:s13], [sflag:$0x6] =	stream.indirect.gather [hbm4b:s0+s7], $0x10, s23, s7, $0xb8;
	[tilespmem:$0x18AD0] =	vst v63  }
0x486: {  	_ =	swait.ge [sflag:s14], $0x2000  }
0x487: {  	[sflag:s14] =	ssyncset.done $0x0  }
0x488: {  	s24 =	simm.s32 $0x2400;
	[sflag:s14] =	ssyncadd.s32 $0xFFFFE000  }
0x489: {  	v2 =	vld [tilespmem:s24+$0x0];
	_ =	sdelay $0x1  }
0x48a: {  	s25 =	simm.s32 $0x0  }
0x48b: {  	v3 =	vmov s25  }
0x48c: {  	v3 =	vshll.u32 v3, $0x4  }
0x48d: {  	v3 =	vor.u32 v1, v3;
	v63 =	vand.u32 $0xFFFFFFF8, v2  }
0x48e: {  	v2 =	vand.u32 $0x7, v2;
	v3 =	vadd.s32 v3, v63  }
0x48f: {  	v2 =	vor.u32 v2, v3;
	_ =	sdelay $0x2  }
0x490: {  	s22 =	simm.s32 $0x188D0  }
0x491: {  	v3 =	vld [tilespmem:s22+$0x0]  }
0x492: {  	v2 =	vld.idx.msk [tilespmem:v2+s8+$0x0], $0xffff;
	_ =	sdelay $0x4  }
0x493: {  	v2 =	vadd.f32 v3, v2;
	_ =	sdelay $0x1  }
0x494: {  	s23 =	simm.s32 $0x2410;
	[tilespmem:s22+$0x0] =	vst v2  }
0x495: {  	s25 =	simm.s32 $0x20;
	s24 =	simm.s32 $0x10;
	v2 =	vld [tilespmem:s23+$0x0]  }
.LBB2_42:
0x496: {  	p0 =	sne.s32 s25, $0x1F0;
	_ =	sdelay $0x1  }
0x497: {  	v3 =	vmov s24;
	s24 =	smov.u32 s25  }
0x498: {  	v3 =	vshll.u32 v3, $0x4  }
0x499: {  	v3 =	vor.u32 v1, v3;
	v4 =	vand.u32 $0xFFFFFFF8, v2  }
0x49a: {  	v2 =	vand.u32 $0x7, v2;
	v3 =	vadd.s32 v3, v4  }
0x49b: {  	v2 =	vor.u32 v2, v3;
	_ =	sdelay $0x4  }
0x49c: {  	s22 =	sadd.s32 $0x10, s22;
	v2 =	vld.idx.msk [tilespmem:v2+s8+$0x0], $0xffff  }
0x49d: {  	v3 =	vld [tilespmem:s22+$0x0];
	_ =	sdelay $0x3  }
.Ltmp20:
0x49e: {  	(pc) =	sbr.rel @p0 .LBB2_42-.Ltmp20, $3  }
0x49f: {  	v2 =	vadd.f32 v3, v2;
	_ =	sdelay $0x1  }
0x4a0: {  	s23 =	sadd.s32 $0x10, s23;
	[tilespmem:s22+$0x0] =	vst v2  }
0x4a1: {  	s25 =	sadd.s32 $0x10, s25;
	v2 =	vld [tilespmem:s23+$0x0]  }
0x4a2: {  	_ =	sdelay $0x1  }
0x4a3: {  	v3 =	vmov s24  }
0x4a4: {  	v3 =	vshll.u32 v3, $0x4  }
0x4a5: {  	v3 =	vor.u32 v1, v3;
	v4 =	vand.u32 $0xFFFFFFF8, v2  }
0x4a6: {  	v2 =	vand.u32 $0x7, v2;
	v3 =	vadd.s32 v3, v4  }
0x4a7: {  	v2 =	vor.u32 v2, v3;
	_ =	sdelay $0x2  }
0x4a8: {  	s22 =	sadd.s32 $0x10, s22  }
0x4a9: {  	v3 =	vld [tilespmem:s22+$0x0]  }
0x4aa: {  	v2 =	vld.idx.msk [tilespmem:v2+s8+$0x0], $0xffff;
	_ =	sdelay $0x4  }
0x4ab: {  	v2 =	vadd.f32 v3, v2;
	_ =	sdelay $0x1  }
0x4ac: {  	s23 =	simm.s32 $0x6400;
	[tilespmem:s22+$0x0] =	vst v2  }
0x4ad: {  	[tilespmem:s8], [sflag:$0x1] =	stream.indirect.gather [hbm4b:s1+s7], $0x10, s23, s7, $0xb8;
	[tilespmem:$0x18AD0] =	vst v63  }
0x4ae: {  	_ =	swait.ge [sflag:s15], $0x2000  }
0x4af: {  	[sflag:s15] =	ssyncset.done $0x0  }
0x4b0: {  	s24 =	simm.s32 $0x2600;
	[sflag:s15] =	ssyncadd.s32 $0xFFFFE000  }
0x4b1: {  	v2 =	vld [tilespmem:s24+$0x0];
	_ =	sdelay $0x1  }
0x4b2: {  	s25 =	simm.s32 $0x0  }
0x4b3: {  	v3 =	vmov s25  }
0x4b4: {  	v3 =	vshll.u32 v3, $0x4  }
0x4b5: {  	v3 =	vor.u32 v1, v3;
	v63 =	vand.u32 $0xFFFFFFF8, v2  }
0x4b6: {  	v2 =	vand.u32 $0x7, v2;
	v3 =	vadd.s32 v3, v63  }
0x4b7: {  	v2 =	vor.u32 v2, v3;
	_ =	sdelay $0x2  }
0x4b8: {  	s22 =	simm.s32 $0x188D0  }
0x4b9: {  	v3 =	vld [tilespmem:s22+$0x0]  }
0x4ba: {  	v2 =	vld.idx.msk [tilespmem:v2+s9+$0x0], $0xffff;
	_ =	sdelay $0x4  }
0x4bb: {  	v2 =	vadd.f32 v3, v2;
	_ =	sdelay $0x1  }
0x4bc: {  	s23 =	simm.s32 $0x2610;
	[tilespmem:s22+$0x0] =	vst v2  }
0x4bd: {  	s25 =	simm.s32 $0x20;
	s24 =	simm.s32 $0x10;
	v2 =	vld [tilespmem:s23+$0x0]  }
.LBB2_44:
0x4be: {  	p0 =	sne.s32 s25, $0x1F0;
	_ =	sdelay $0x1  }
0x4bf: {  	v3 =	vmov s24;
	s24 =	smov.u32 s25  }
0x4c0: {  	v3 =	vshll.u32 v3, $0x4  }
0x4c1: {  	v3 =	vor.u32 v1, v3;
	v4 =	vand.u32 $0xFFFFFFF8, v2  }
0x4c2: {  	v2 =	vand.u32 $0x7, v2;
	v3 =	vadd.s32 v3, v4  }
0x4c3: {  	v2 =	vor.u32 v2, v3;
	_ =	sdelay $0x4  }
0x4c4: {  	s22 =	sadd.s32 $0x10, s22;
	v2 =	vld.idx.msk [tilespmem:v2+s9+$0x0], $0xffff  }
0x4c5: {  	v3 =	vld [tilespmem:s22+$0x0];
	_ =	sdelay $0x3  }
.Ltmp21:
0x4c6: {  	(pc) =	sbr.rel @p0 .LBB2_44-.Ltmp21, $3  }
0x4c7: {  	v2 =	vadd.f32 v3, v2;
	_ =	sdelay $0x1  }
0x4c8: {  	s23 =	sadd.s32 $0x10, s23;
	[tilespmem:s22+$0x0] =	vst v2  }
0x4c9: {  	s25 =	sadd.s32 $0x10, s25;
	v2 =	vld [tilespmem:s23+$0x0]  }
0x4ca: {  	_ =	sdelay $0x1  }
0x4cb: {  	v3 =	vmov s24  }
0x4cc: {  	v3 =	vshll.u32 v3, $0x4  }
0x4cd: {  	v3 =	vor.u32 v1, v3;
	v4 =	vand.u32 $0xFFFFFFF8, v2  }
0x4ce: {  	v2 =	vand.u32 $0x7, v2;
	v3 =	vadd.s32 v3, v4  }
0x4cf: {  	v2 =	vor.u32 v2, v3;
	_ =	sdelay $0x2  }
0x4d0: {  	s22 =	sadd.s32 $0x10, s22  }
0x4d1: {  	v3 =	vld [tilespmem:s22+$0x0]  }
0x4d2: {  	v2 =	vld.idx.msk [tilespmem:v2+s9+$0x0], $0xffff;
	_ =	sdelay $0x4  }
0x4d3: {  	v2 =	vadd.f32 v3, v2;
	_ =	sdelay $0x1  }
0x4d4: {  	s23 =	simm.s32 $0x6600;
	[tilespmem:s22+$0x0] =	vst v2  }
0x4d5: {  	[tilespmem:s9], [sflag:$0x2] =	stream.indirect.gather [hbm4b:s2+s7], $0x10, s23, s7, $0xb8;
	[tilespmem:$0x18AD0] =	vst v63  }
0x4d6: {  	_ =	swait.ge [sflag:s16], $0x2000  }
0x4d7: {  	[sflag:s16] =	ssyncset.done $0x0  }
0x4d8: {  	s24 =	simm.s32 $0x2800;
	[sflag:s16] =	ssyncadd.s32 $0xFFFFE000  }
0x4d9: {  	v2 =	vld [tilespmem:s24+$0x0];
	_ =	sdelay $0x1  }
0x4da: {  	s25 =	simm.s32 $0x0  }
0x4db: {  	v3 =	vmov s25  }
0x4dc: {  	v3 =	vshll.u32 v3, $0x4  }
0x4dd: {  	v3 =	vor.u32 v1, v3;
	v63 =	vand.u32 $0xFFFFFFF8, v2  }
0x4de: {  	v2 =	vand.u32 $0x7, v2;
	v3 =	vadd.s32 v3, v63  }
0x4df: {  	v2 =	vor.u32 v2, v3;
	_ =	sdelay $0x2  }
0x4e0: {  	s22 =	simm.s32 $0x188D0  }
0x4e1: {  	v3 =	vld [tilespmem:s22+$0x0]  }
0x4e2: {  	v2 =	vld.idx.msk [tilespmem:v2+s10+$0x0], $0xffff;
	_ =	sdelay $0x4  }
0x4e3: {  	v2 =	vadd.f32 v3, v2;
	_ =	sdelay $0x1  }
0x4e4: {  	s23 =	simm.s32 $0x2810;
	[tilespmem:s22+$0x0] =	vst v2  }
0x4e5: {  	s25 =	simm.s32 $0x20;
	s24 =	simm.s32 $0x10;
	v2 =	vld [tilespmem:s23+$0x0]  }
.LBB2_46:
0x4e6: {  	p0 =	sne.s32 s25, $0x1F0;
	_ =	sdelay $0x1  }
0x4e7: {  	v3 =	vmov s24;
	s24 =	smov.u32 s25  }
0x4e8: {  	v3 =	vshll.u32 v3, $0x4  }
0x4e9: {  	v3 =	vor.u32 v1, v3;
	v4 =	vand.u32 $0xFFFFFFF8, v2  }
0x4ea: {  	v2 =	vand.u32 $0x7, v2;
	v3 =	vadd.s32 v3, v4  }
0x4eb: {  	v2 =	vor.u32 v2, v3;
	_ =	sdelay $0x4  }
0x4ec: {  	s22 =	sadd.s32 $0x10, s22;
	v2 =	vld.idx.msk [tilespmem:v2+s10+$0x0], $0xffff  }
0x4ed: {  	v3 =	vld [tilespmem:s22+$0x0];
	_ =	sdelay $0x3  }
.Ltmp22:
0x4ee: {  	(pc) =	sbr.rel @p0 .LBB2_46-.Ltmp22, $3  }
0x4ef: {  	v2 =	vadd.f32 v3, v2;
	_ =	sdelay $0x1  }
0x4f0: {  	s23 =	sadd.s32 $0x10, s23;
	[tilespmem:s22+$0x0] =	vst v2  }
0x4f1: {  	s25 =	sadd.s32 $0x10, s25;
	v2 =	vld [tilespmem:s23+$0x0]  }
0x4f2: {  	_ =	sdelay $0x1  }
0x4f3: {  	v3 =	vmov s24  }
0x4f4: {  	v3 =	vshll.u32 v3, $0x4  }
0x4f5: {  	v3 =	vor.u32 v1, v3;
	v4 =	vand.u32 $0xFFFFFFF8, v2  }
0x4f6: {  	v2 =	vand.u32 $0x7, v2;
	v3 =	vadd.s32 v3, v4  }
0x4f7: {  	v2 =	vor.u32 v2, v3;
	_ =	sdelay $0x2  }
0x4f8: {  	s22 =	sadd.s32 $0x10, s22  }
0x4f9: {  	v3 =	vld [tilespmem:s22+$0x0]  }
0x4fa: {  	v2 =	vld.idx.msk [tilespmem:v2+s10+$0x0], $0xffff;
	_ =	sdelay $0x4  }
0x4fb: {  	v2 =	vadd.f32 v3, v2;
	_ =	sdelay $0x1  }
0x4fc: {  	[tilespmem:s22+$0x0] =	vst v2  }
0x4fd: {  	_ =	swait.ge [sflag:s17], $0x2000  }
0x4fe: {  	[sflag:s17] =	ssyncset.done $0x0  }
0x4ff: {  	s24 =	simm.s32 $0x2A00;
	[sflag:s17] =	ssyncadd.s32 $0xFFFFE000  }
0x500: {  	v2 =	vld [tilespmem:s24+$0x0];
	_ =	sdelay $0x1  }
0x501: {  	s25 =	simm.s32 $0x0  }
0x502: {  	v3 =	vmov s25  }
0x503: {  	v3 =	vshll.u32 v3, $0x4  }
0x504: {  	v3 =	vor.u32 v1, v3;
	v63 =	vand.u32 $0xFFFFFFF8, v2  }
0x505: {  	v2 =	vand.u32 $0x7, v2;
	v3 =	vadd.s32 v3, v63  }
0x506: {  	v2 =	vor.u32 v2, v3;
	_ =	sdelay $0x2  }
0x507: {  	s22 =	simm.s32 $0x188D0  }
0x508: {  	v3 =	vld [tilespmem:s22+$0x0]  }
0x509: {  	v2 =	vld.idx.msk [tilespmem:v2+s11+$0x0], $0xffff;
	_ =	sdelay $0x4  }
0x50a: {  	v2 =	vadd.f32 v3, v2;
	_ =	sdelay $0x1  }
0x50b: {  	s23 =	simm.s32 $0x2A10;
	[tilespmem:s22+$0x0] =	vst v2  }
0x50c: {  	s25 =	simm.s32 $0x20;
	s24 =	simm.s32 $0x10;
	v2 =	vld [tilespmem:s23+$0x0]  }
.LBB2_48:
0x50d: {  	p0 =	sne.s32 s25, $0x1F0;
	_ =	sdelay $0x1  }
0x50e: {  	v3 =	vmov s24;
	s24 =	smov.u32 s25  }
0x50f: {  	v3 =	vshll.u32 v3, $0x4  }
0x510: {  	v3 =	vor.u32 v1, v3;
	v4 =	vand.u32 $0xFFFFFFF8, v2  }
0x511: {  	v2 =	vand.u32 $0x7, v2;
	v3 =	vadd.s32 v3, v4  }
0x512: {  	v2 =	vor.u32 v2, v3;
	_ =	sdelay $0x4  }
0x513: {  	s22 =	sadd.s32 $0x10, s22;
	v2 =	vld.idx.msk [tilespmem:v2+s11+$0x0], $0xffff  }
0x514: {  	v3 =	vld [tilespmem:s22+$0x0];
	_ =	sdelay $0x3  }
.Ltmp23:
0x515: {  	(pc) =	sbr.rel @p0 .LBB2_48-.Ltmp23, $3  }
0x516: {  	v2 =	vadd.f32 v3, v2;
	_ =	sdelay $0x1  }
0x517: {  	s23 =	sadd.s32 $0x10, s23;
	[tilespmem:s22+$0x0] =	vst v2  }
0x518: {  	s25 =	sadd.s32 $0x10, s25;
	v2 =	vld [tilespmem:s23+$0x0]  }
0x519: {  	_ =	sdelay $0x1  }
0x51a: {  	v3 =	vmov s24  }
0x51b: {  	v3 =	vshll.u32 v3, $0x4  }
0x51c: {  	v3 =	vor.u32 v1, v3;
	v4 =	vand.u32 $0xFFFFFFF8, v2  }
0x51d: {  	v2 =	vand.u32 $0x7, v2;
	v3 =	vadd.s32 v3, v4  }
0x51e: {  	v2 =	vor.u32 v2, v3;
	_ =	sdelay $0x2  }
0x51f: {  	s22 =	sadd.s32 $0x10, s22  }
0x520: {  	v3 =	vld [tilespmem:s22+$0x0]  }
0x521: {  	v2 =	vld.idx.msk [tilespmem:v2+s11+$0x0], $0xffff;
	_ =	sdelay $0x4  }
0x522: {  	v2 =	vadd.f32 v3, v2;
	_ =	sdelay $0x1  }
0x523: {  	[tilespmem:s22+$0x0] =	vst v2  }
0x524: {  	_ =	swait.ge [sflag:s18], $0x2000  }
0x525: {  	[sflag:s18] =	ssyncset.done $0x0  }
0x526: {  	s24 =	simm.s32 $0x2C00;
	[sflag:s18] =	ssyncadd.s32 $0xFFFFE000  }
0x527: {  	v2 =	vld [tilespmem:s24+$0x0];
	_ =	sdelay $0x1  }
0x528: {  	s25 =	simm.s32 $0x0  }
0x529: {  	v3 =	vmov s25  }
0x52a: {  	v3 =	vshll.u32 v3, $0x4  }
0x52b: {  	v3 =	vor.u32 v1, v3;
	v63 =	vand.u32 $0xFFFFFFF8, v2  }
0x52c: {  	v2 =	vand.u32 $0x7, v2;
	v3 =	vadd.s32 v3, v63  }
0x52d: {  	v2 =	vor.u32 v2, v3;
	_ =	sdelay $0x2  }
0x52e: {  	s22 =	simm.s32 $0x188D0  }
0x52f: {  	v3 =	vld [tilespmem:s22+$0x0]  }
0x530: {  	v2 =	vld.idx.msk [tilespmem:v2+s12+$0x0], $0xffff;
	_ =	sdelay $0x4  }
0x531: {  	v2 =	vadd.f32 v3, v2;
	_ =	sdelay $0x1  }
0x532: {  	s23 =	simm.s32 $0x2C10;
	[tilespmem:s22+$0x0] =	vst v2  }
0x533: {  	s25 =	simm.s32 $0x20;
	s24 =	simm.s32 $0x10;
	v2 =	vld [tilespmem:s23+$0x0]  }
.LBB2_50:
0x534: {  	p0 =	sne.s32 s25, $0x1F0;
	_ =	sdelay $0x1  }
0x535: {  	v3 =	vmov s24;
	s24 =	smov.u32 s25  }
0x536: {  	v3 =	vshll.u32 v3, $0x4  }
0x537: {  	v3 =	vor.u32 v1, v3;
	v4 =	vand.u32 $0xFFFFFFF8, v2  }
0x538: {  	v2 =	vand.u32 $0x7, v2;
	v3 =	vadd.s32 v3, v4  }
0x539: {  	v2 =	vor.u32 v2, v3;
	_ =	sdelay $0x4  }
0x53a: {  	s22 =	sadd.s32 $0x10, s22;
	v2 =	vld.idx.msk [tilespmem:v2+s12+$0x0], $0xffff  }
0x53b: {  	v3 =	vld [tilespmem:s22+$0x0];
	_ =	sdelay $0x3  }
.Ltmp24:
0x53c: {  	(pc) =	sbr.rel @p0 .LBB2_50-.Ltmp24, $3  }
0x53d: {  	v2 =	vadd.f32 v3, v2;
	_ =	sdelay $0x1  }
0x53e: {  	s23 =	sadd.s32 $0x10, s23;
	[tilespmem:s22+$0x0] =	vst v2  }
0x53f: {  	s25 =	sadd.s32 $0x10, s25;
	v2 =	vld [tilespmem:s23+$0x0]  }
0x540: {  	_ =	sdelay $0x1  }
0x541: {  	v3 =	vmov s24  }
0x542: {  	v3 =	vshll.u32 v3, $0x4  }
0x543: {  	v3 =	vor.u32 v1, v3;
	v4 =	vand.u32 $0xFFFFFFF8, v2  }
0x544: {  	v2 =	vand.u32 $0x7, v2;
	v3 =	vadd.s32 v3, v4  }
0x545: {  	v2 =	vor.u32 v2, v3;
	_ =	sdelay $0x2  }
0x546: {  	s22 =	sadd.s32 $0x10, s22  }
0x547: {  	v3 =	vld [tilespmem:s22+$0x0]  }
0x548: {  	v2 =	vld.idx.msk [tilespmem:v2+s12+$0x0], $0xffff;
	_ =	sdelay $0x4  }
0x549: {  	v2 =	vadd.f32 v3, v2;
	_ =	sdelay $0x1  }
0x54a: {  	[tilespmem:s22+$0x0] =	vst v2  }
0x54b: {  	_ =	swait.ge [sflag:s19], $0x2000  }
0x54c: {  	[sflag:s19] =	ssyncset.done $0x0  }
0x54d: {  	s24 =	simm.s32 $0x2E00;
	[sflag:s19] =	ssyncadd.s32 $0xFFFFE000  }
0x54e: {  	v2 =	vld [tilespmem:s24+$0x0];
	_ =	sdelay $0x1  }
0x54f: {  	s25 =	simm.s32 $0x0  }
0x550: {  	v3 =	vmov s25  }
0x551: {  	v3 =	vshll.u32 v3, $0x4  }
0x552: {  	v3 =	vor.u32 v1, v3;
	v63 =	vand.u32 $0xFFFFFFF8, v2  }
0x553: {  	v2 =	vand.u32 $0x7, v2;
	v3 =	vadd.s32 v3, v63  }
0x554: {  	v2 =	vor.u32 v2, v3;
	_ =	sdelay $0x2  }
0x555: {  	s22 =	simm.s32 $0x188D0  }
0x556: {  	v3 =	vld [tilespmem:s22+$0x0]  }
0x557: {  	v2 =	vld.idx.msk [tilespmem:v2+s13+$0x0], $0xffff;
	_ =	sdelay $0x4  }
0x558: {  	v2 =	vadd.f32 v3, v2;
	_ =	sdelay $0x1  }
0x559: {  	s23 =	simm.s32 $0x2E10;
	[tilespmem:s22+$0x0] =	vst v2  }
0x55a: {  	s25 =	simm.s32 $0x20;
	s24 =	simm.s32 $0x10;
	v2 =	vld [tilespmem:s23+$0x0]  }
.LBB2_52:
0x55b: {  	p0 =	sne.s32 s25, $0x1F0;
	_ =	sdelay $0x1  }
0x55c: {  	v3 =	vmov s24;
	s24 =	smov.u32 s25  }
0x55d: {  	v3 =	vshll.u32 v3, $0x4  }
0x55e: {  	v3 =	vor.u32 v1, v3;
	v4 =	vand.u32 $0xFFFFFFF8, v2  }
0x55f: {  	v2 =	vand.u32 $0x7, v2;
	v3 =	vadd.s32 v3, v4  }
0x560: {  	v2 =	vor.u32 v2, v3;
	_ =	sdelay $0x4  }
0x561: {  	s22 =	sadd.s32 $0x10, s22;
	v2 =	vld.idx.msk [tilespmem:v2+s13+$0x0], $0xffff  }
0x562: {  	v3 =	vld [tilespmem:s22+$0x0];
	_ =	sdelay $0x3  }
.Ltmp25:
0x563: {  	(pc) =	sbr.rel @p0 .LBB2_52-.Ltmp25, $3  }
0x564: {  	v2 =	vadd.f32 v3, v2;
	_ =	sdelay $0x1  }
0x565: {  	s23 =	sadd.s32 $0x10, s23;
	[tilespmem:s22+$0x0] =	vst v2  }
0x566: {  	s25 =	sadd.s32 $0x10, s25;
	v2 =	vld [tilespmem:s23+$0x0]  }
0x567: {  	_ =	sdelay $0x1  }
0x568: {  	v3 =	vmov s24  }
0x569: {  	v3 =	vshll.u32 v3, $0x4  }
0x56a: {  	v3 =	vor.u32 v1, v3;
	v4 =	vand.u32 $0xFFFFFFF8, v2  }
0x56b: {  	v2 =	vand.u32 $0x7, v2;
	v3 =	vadd.s32 v3, v4  }
0x56c: {  	v2 =	vor.u32 v2, v3;
	_ =	sdelay $0x2  }
0x56d: {  	s22 =	sadd.s32 $0x10, s22  }
0x56e: {  	v3 =	vld [tilespmem:s22+$0x0]  }
0x56f: {  	v2 =	vld.idx.msk [tilespmem:v2+s13+$0x0], $0xffff;
	_ =	sdelay $0x4  }
0x570: {  	v2 =	vadd.f32 v3, v2;
	_ =	sdelay $0x1  }
0x571: {  	[tilespmem:s22+$0x0] =	vst v2  }
0x572: {  	_ =	swait.ge [sflag:s14], $0x2000  }
0x573: {  	[sflag:s14] =	ssyncset.done $0x0  }
0x574: {  	s24 =	simm.s32 $0x3000;
	[sflag:s14] =	ssyncadd.s32 $0xFFFFE000  }
0x575: {  	v2 =	vld [tilespmem:s24+$0x0];
	_ =	sdelay $0x1  }
0x576: {  	s25 =	simm.s32 $0x0  }
0x577: {  	v3 =	vmov s25  }
0x578: {  	v3 =	vshll.u32 v3, $0x4  }
0x579: {  	v3 =	vor.u32 v1, v3;
	v63 =	vand.u32 $0xFFFFFFF8, v2  }
0x57a: {  	v2 =	vand.u32 $0x7, v2;
	v3 =	vadd.s32 v3, v63  }
0x57b: {  	v2 =	vor.u32 v2, v3;
	_ =	sdelay $0x2  }
0x57c: {  	s22 =	simm.s32 $0x188D0  }
0x57d: {  	v3 =	vld [tilespmem:s22+$0x0]  }
0x57e: {  	v2 =	vld.idx.msk [tilespmem:v2+s8+$0x0], $0xffff;
	_ =	sdelay $0x4  }
0x57f: {  	v2 =	vadd.f32 v3, v2;
	_ =	sdelay $0x1  }
0x580: {  	s23 =	simm.s32 $0x3010;
	[tilespmem:s22+$0x0] =	vst v2  }
0x581: {  	s25 =	simm.s32 $0x20;
	s24 =	simm.s32 $0x10;
	v2 =	vld [tilespmem:s23+$0x0]  }
.LBB2_54:
0x582: {  	p0 =	sne.s32 s25, $0x1F0;
	_ =	sdelay $0x1  }
0x583: {  	v3 =	vmov s24;
	s24 =	smov.u32 s25  }
0x584: {  	v3 =	vshll.u32 v3, $0x4  }
0x585: {  	v3 =	vor.u32 v1, v3;
	v4 =	vand.u32 $0xFFFFFFF8, v2  }
0x586: {  	v2 =	vand.u32 $0x7, v2;
	v3 =	vadd.s32 v3, v4  }
0x587: {  	v2 =	vor.u32 v2, v3;
	_ =	sdelay $0x4  }
0x588: {  	s22 =	sadd.s32 $0x10, s22;
	v2 =	vld.idx.msk [tilespmem:v2+s8+$0x0], $0xffff  }
0x589: {  	v3 =	vld [tilespmem:s22+$0x0];
	_ =	sdelay $0x3  }
.Ltmp26:
0x58a: {  	(pc) =	sbr.rel @p0 .LBB2_54-.Ltmp26, $3  }
0x58b: {  	v2 =	vadd.f32 v3, v2;
	_ =	sdelay $0x1  }
0x58c: {  	s23 =	sadd.s32 $0x10, s23;
	[tilespmem:s22+$0x0] =	vst v2  }
0x58d: {  	s25 =	sadd.s32 $0x10, s25;
	v2 =	vld [tilespmem:s23+$0x0]  }
0x58e: {  	_ =	sdelay $0x1  }
0x58f: {  	v3 =	vmov s24  }
0x590: {  	v3 =	vshll.u32 v3, $0x4  }
0x591: {  	v3 =	vor.u32 v1, v3;
	v4 =	vand.u32 $0xFFFFFFF8, v2  }
0x592: {  	v2 =	vand.u32 $0x7, v2;
	v3 =	vadd.s32 v3, v4  }
0x593: {  	v2 =	vor.u32 v2, v3;
	_ =	sdelay $0x2  }
0x594: {  	s22 =	sadd.s32 $0x10, s22  }
0x595: {  	v3 =	vld [tilespmem:s22+$0x0]  }
0x596: {  	v2 =	vld.idx.msk [tilespmem:v2+s8+$0x0], $0xffff;
	_ =	sdelay $0x4  }
0x597: {  	v2 =	vadd.f32 v3, v2;
	_ =	sdelay $0x1  }
0x598: {  	[tilespmem:s22+$0x0] =	vst v2  }
0x599: {  	_ =	swait.ge [sflag:s15], $0x2000  }
0x59a: {  	[sflag:s15] =	ssyncset.done $0x0  }
0x59b: {  	s24 =	simm.s32 $0x3200;
	[sflag:s15] =	ssyncadd.s32 $0xFFFFE000  }
0x59c: {  	v2 =	vld [tilespmem:s24+$0x0];
	_ =	sdelay $0x1  }
0x59d: {  	s25 =	simm.s32 $0x0  }
0x59e: {  	v3 =	vmov s25  }
0x59f: {  	v3 =	vshll.u32 v3, $0x4  }
0x5a0: {  	v3 =	vor.u32 v1, v3;
	v63 =	vand.u32 $0xFFFFFFF8, v2  }
0x5a1: {  	v2 =	vand.u32 $0x7, v2;
	v3 =	vadd.s32 v3, v63  }
0x5a2: {  	v2 =	vor.u32 v2, v3;
	_ =	sdelay $0x2  }
0x5a3: {  	s22 =	simm.s32 $0x188D0  }
0x5a4: {  	v3 =	vld [tilespmem:s22+$0x0]  }
0x5a5: {  	v2 =	vld.idx.msk [tilespmem:v2+s9+$0x0], $0xffff;
	_ =	sdelay $0x4  }
0x5a6: {  	v2 =	vadd.f32 v3, v2;
	_ =	sdelay $0x1  }
0x5a7: {  	s23 =	simm.s32 $0x3210;
	[tilespmem:s22+$0x0] =	vst v2  }
0x5a8: {  	s25 =	simm.s32 $0x20;
	s24 =	simm.s32 $0x10;
	v2 =	vld [tilespmem:s23+$0x0]  }
.LBB2_56:
0x5a9: {  	p0 =	sne.s32 s25, $0x1F0;
	_ =	sdelay $0x1  }
0x5aa: {  	v3 =	vmov s24;
	s24 =	smov.u32 s25  }
0x5ab: {  	v3 =	vshll.u32 v3, $0x4  }
0x5ac: {  	v3 =	vor.u32 v1, v3;
	v4 =	vand.u32 $0xFFFFFFF8, v2  }
0x5ad: {  	v2 =	vand.u32 $0x7, v2;
	v3 =	vadd.s32 v3, v4  }
0x5ae: {  	v2 =	vor.u32 v2, v3;
	_ =	sdelay $0x4  }
0x5af: {  	s22 =	sadd.s32 $0x10, s22;
	v2 =	vld.idx.msk [tilespmem:v2+s9+$0x0], $0xffff  }
0x5b0: {  	v3 =	vld [tilespmem:s22+$0x0];
	_ =	sdelay $0x3  }
.Ltmp27:
0x5b1: {  	(pc) =	sbr.rel @p0 .LBB2_56-.Ltmp27, $3  }
0x5b2: {  	v2 =	vadd.f32 v3, v2;
	_ =	sdelay $0x1  }
0x5b3: {  	s23 =	sadd.s32 $0x10, s23;
	[tilespmem:s22+$0x0] =	vst v2  }
0x5b4: {  	s25 =	sadd.s32 $0x10, s25;
	v2 =	vld [tilespmem:s23+$0x0]  }
0x5b5: {  	_ =	sdelay $0x1  }
0x5b6: {  	v3 =	vmov s24  }
0x5b7: {  	v3 =	vshll.u32 v3, $0x4  }
0x5b8: {  	v3 =	vor.u32 v1, v3;
	v4 =	vand.u32 $0xFFFFFFF8, v2  }
0x5b9: {  	v2 =	vand.u32 $0x7, v2;
	v3 =	vadd.s32 v3, v4  }
0x5ba: {  	v2 =	vor.u32 v2, v3;
	_ =	sdelay $0x2  }
0x5bb: {  	s22 =	sadd.s32 $0x10, s22  }
0x5bc: {  	v3 =	vld [tilespmem:s22+$0x0]  }
0x5bd: {  	v2 =	vld.idx.msk [tilespmem:v2+s9+$0x0], $0xffff;
	_ =	sdelay $0x4  }
0x5be: {  	v2 =	vadd.f32 v3, v2;
	_ =	sdelay $0x1  }
0x5bf: {  	s24 =	rddreg [dreg:$0x14];
	s23 =	simm.s32 $0x188D0;
	[tilespmem:s22+$0x0] =	vst v2  }
0x5c0: {  	[hbm4b:s24+s3] =	stream.linear.scatter [tilespmem:s23], [sflag:$0x8], $0x200, $0x38;
	[tilespmem:$0x18AD0] =	vst v63  }
0x5c1: {  	_ =	swait.ge [sflag:s20], $0x200  }
0x5c2: {  	s21 =	sadd.s32 $0x1, s21;
	s25 =	rddreg [dreg:$0x18]  }
0x5c3: {  	p0 =	sne.s32 s21, s25  }
.Ltmp28:
0x5c4: {  	_ = 	snop;
	(pc) =	sbr.rel @p0 .LBB2_1-.Ltmp28, $3  }
0x5c5: {  	_ =	sdelay $0x1  }
0x5c6: {  	[sflag:s20] =	ssyncset.done $0x0  }
0x5c7: {  	[sflag:s20] =	ssyncadd.s32 $0xFFFFFE00  }
0x5c8: {  	_ =	sfence.sel $0x180000  }
0x5c9: {  	[bflag:$0x0] =	sbarrier.arrive $0xFFFF  }
0x5ca: {  	_ =	strace $0x90000047  }
0x5cb: {  	s0 =	stileid.u32;
	[bflag:$0x2] =	sbarrier.arrive $0xFFFF  }
0x5cc: {  	p0 =	sne.s32 s0, $0x0;
	s0 =	rddreg [dreg:$0x2]  }
0x5cd: {  	s0 =	sadd.s32 @!p0 $0x100000, s0  }
0x5ce: {  	[sflag:s0] =	ssyncadd.tile.s32 @!p0 $0x1;
	_ =	shalt  }
.Lfunc_end2:
_tile_overlayer_lowered:
.L_overlay_start_2:
0x5cf: {  	(tag) =	ssettag $0x2  }
0x5d0: {  	s0 =	rddreg [dreg:$0x0];
	s2 =	stileid.u32  }
0x5d1: {  	s1 =	rddreg [dreg:$0x1];
	p0 =	sne.s32 s2, $0x0  }
0x5d2: {  	s3 =	rddreg [dreg:$0x2];
	[bflag:$0x3] =	sbarrier.arrive $0xFFFF;
	s2 =	simm.s32 @!p0 $0x1C08  }
0x5d3: {  	[timem:s3], [sflag:s2] =	dma.local @!p0 [hbm:s0], s1  }
0x5d4: {  	s0 =	simm.s32 @!p0 $0x8  }
0x5d5: {  	_ =	swait.ge @!p0 [sflag:s0], s1  }
0x5d6: {  	s1 =	ssub.s32 @!p0 $0x0, s1;
	[sflag:s0] =	ssyncset.done @!p0 $0x0  }
0x5d7: {  	[sflag:s0] =	ssyncadd.s32 @!p0 s1  }
0x5d8: {  	[bflag:$0x3] =	sbarrier.arrive $0xFFFF  }
0x5d9: {  	_ =	shalt  }

</sc_bundles>
